<compile_context>
chip_gen: v7x
topology: tpu7x:2x2x1
jax: 0.10.2.dev20260603
libtpu: 0.0.44.dev20260713+nightly
codegen_flags: <defaults>
</compile_context>

<pallas_src>
import functools

import jax
import jax.numpy as jnp
from jax import lax
from jax.experimental import pallas as pl
from jax.experimental.pallas import tpu as pltpu
from jax.experimental.pallas import tpu_sc as plsc

EPS = 1e-12
LANES = 16


def _rsqrt16(x):
    v = jnp.full((LANES,), x, dtype=jnp.float32)
    i = plsc.bitcast(v, jnp.int32)
    i = jnp.int32(0x5F3759DF) - lax.shift_right_logical(i, 1)
    r = plsc.bitcast(i, jnp.float32)
    for _ in range(1):
        r = r * (1.5 - 0.5 * v * r * r)
    return r


def kernel(input_ids, word_table, pos_table, tok_table, gamma, beta):
    B, L = input_ids.shape
    V, H = word_table.shape
    NW = 32
    HALF = L // 2
    RPB = B // NW
    NK = H // LANES

    ids = input_ids.astype(jnp.int32).reshape(B, 2, HALF)
    mesh = plsc.VectorSubcoreMesh(core_axis_name="c", subcore_axis_name="s")

    @functools.partial(
        pl.kernel,
        out_type=jax.ShapeDtypeStruct((B, L, H), jnp.float32),
        mesh=mesh,
        compiler_params=pltpu.CompilerParams(needs_layout_passes=False),
        scratch_types=[
            pltpu.VMEM((RPB, 2, HALF), jnp.int32),
            pltpu.VMEM((HALF, H), jnp.float32),
            pltpu.VMEM((HALF, H), jnp.float32),
            pltpu.VMEM((L, H), jnp.float32),
            pltpu.VMEM((L, H), jnp.float32),
            pltpu.VMEM((L, H), jnp.float32),
            pltpu.VMEM((H,), jnp.float32),
            pltpu.VMEM((H,), jnp.float32),
            pltpu.VMEM((H,), jnp.float32),
            pltpu.SemaphoreType.DMA,
            pltpu.SemaphoreType.DMA,
            pltpu.SemaphoreType.DMA,
            pltpu.SemaphoreType.DMA,
        ],
    )
    def sc_fn(ids_h, wt_h, pos_h, tok_h, g_h, b_h, out_h,
              ids_v, buf0_v, buf1_v, obuf0_v, obuf1_v,
              bias_v, tok_v, g_v, b_v, sin0, sin1, sout0, sout1):
        cid = lax.axis_index("c")
        sid = lax.axis_index("s")
        wid = sid * 2 + cid
        rbase = wid * RPB

        bufs = ((buf0_v, sin0), (buf1_v, sin1))
        obufs = ((obuf0_v, sout0), (obuf1_v, sout1))

        pltpu.sync_copy(ids_h.at[pl.ds(rbase, RPB)], ids_v)
        pltpu.sync_copy(g_h, g_v)
        pltpu.sync_copy(b_h, b_v)
        pltpu.sync_copy(tok_h.at[0], tok_v)
        pltpu.sync_copy(pos_h.at[pl.ds(0, L)], bias_v)

        @plsc.parallel_loop(0, L)
        def _(t):
            for k in range(NK):
                s = pl.ds(k * LANES, LANES)
                bias_v[t, s] = bias_v[t, s] + tok_v[s]

        def start_gather(r, b, buf_v, sin):
            pltpu.async_copy(wt_h.at[ids_v.at[r, b]], buf_v, sin)

        def wait_gather(r, b, buf_v, sin):
            pltpu.make_async_copy(wt_h.at[ids_v.at[r, b]], buf_v, sin).wait()

        def compute_half(buf_v, obuf_v, b):
            boff = b * HALF
            gb = tuple(g_v[pl.ds(k * LANES, LANES)] for k in range(NK)) \
                + tuple(b_v[pl.ds(k * LANES, LANES)] for k in range(NK))

            @plsc.parallel_loop(0, HALF, carry=gb)
            def _(j, gb_c):
                ys = []
                for k in range(NK):
                    s = pl.ds(k * LANES, LANES)
                    ys.append(buf_v[j, s] + bias_v[boff + j, s])
                t4 = (((ys[0] + ys[1]) + (ys[2] + ys[3]))
                      + ((ys[4] + ys[5]) + (ys[6] + ys[7])))
                ssum = plsc.cumsum(t4)[LANES - 1]
                sqs = [y * y for y in ys]
                q4 = (((sqs[0] + sqs[1]) + (sqs[2] + sqs[3]))
                      + ((sqs[4] + sqs[5]) + (sqs[6] + sqs[7])))
                ssq = plsc.cumsum(q4)[LANES - 1]
                mean = ssum * (1.0 / H)
                var = ssq * (1.0 / H) - mean * mean
                inv = _rsqrt16(var + EPS)
                for k in range(NK):
                    s = pl.ds(k * LANES, LANES)
                    obuf_v[boff + j, s] = ((ys[k] - mean) * (inv * gb_c[k])
                                           + gb_c[NK + k])
                return gb_c

        start_gather(0, 0, buf0_v, sin0)
        start_gather(0, 1, buf1_v, sin1)

        def pair_body(q, carry):
            for i in range(2):
                obuf_v, sout = obufs[i]
                r = 2 * q + i
                row = rbase + r
                for b in range(2):
                    buf_v, sin = bufs[b]
                    wait_gather(r, b, buf_v, sin)
                    if b == 0:
                        @pl.when(q > 0)
                        def _():
                            pltpu.make_async_copy(
                                obuf_v, out_h.at[row], sout).wait()
                    compute_half(buf_v, obuf_v, b)
                    if i == 0:
                        start_gather(r + 1, b, buf_v, sin)
                    else:
                        @pl.when(q < RPB // 2 - 1)
                        def _():
                            start_gather(r + 1, b, buf_v, sin)
                pltpu.async_copy(obuf_v, out_h.at[row], sout)
            return carry

        lax.fori_loop(0, RPB // 2, pair_body, 0)

        pltpu.make_async_copy(obuf0_v, out_h.at[rbase + RPB - 2], sout0).wait()
        pltpu.make_async_copy(obuf1_v, out_h.at[rbase + RPB - 1], sout1).wait()

    return sc_fn(ids, word_table, pos_table, tok_table, gamma, beta)

# --- scband reference (transcript-rebuilt; emitter-appended) ---
"""Pipeline reference for scband-bert-embedding-67602785239385 (READ-ONLY COPY).

The authoritative reference and input builder live on the scoring server;
editing this copy changes nothing except your own understanding.
"""

import jax, jax.numpy as jnp
import numpy as np

VOCAB = 100000
HIDDEN = 128
MAX_POS = 512
TOKEN_TYPES = 2
EPS = 1e-12
B, L = 1024, 200


def setup_inputs(seed: int = 0) -> dict:
    key = jax.random.key(seed)
    k1, k2, k3, k4 = jax.random.split(key, 4)
    input_ids = jax.random.randint(k1, (B, L), 0, VOCAB, dtype=jnp.int64 if jax.config.jax_enable_x64 else jnp.int32)
    word_table = jax.random.normal(k2, (VOCAB, HIDDEN), dtype=jnp.float32) * 0.02
    pos_table = jax.random.normal(k3, (MAX_POS, HIDDEN), dtype=jnp.float32) * 0.02
    tok_table = jax.random.normal(k4, (TOKEN_TYPES, HIDDEN), dtype=jnp.float32) * 0.02
    gamma = jnp.ones((HIDDEN,), dtype=jnp.float32)
    beta = jnp.zeros((HIDDEN,), dtype=jnp.float32)
    return {"input_ids": input_ids, "word_table": word_table, "pos_table": pos_table,
            "tok_table": tok_table, "gamma": gamma, "beta": beta}


def reference(input_ids, word_table, pos_table, tok_table, gamma, beta):
    seq_len = input_ids.shape[1]
    # position_ids = arange(seq_len), token_type_ids = zeros (module defaults)
    position_ids = jnp.arange(seq_len)[None, :]
    token_type_ids = jnp.zeros((1, seq_len), dtype=jnp.int32)
    word_emb = jnp.take(word_table, input_ids, axis=0)          # [B, L, H] gather
    pos_emb = jnp.take(pos_table, position_ids, axis=0)         # [1, L, H]
    tok_emb = jnp.take(tok_table, token_type_ids, axis=0)       # [1, L, H]
    embedding = word_emb + pos_emb + tok_emb
    # LayerNorm over last dim, eps=1e-12
    mean = jnp.mean(embedding, axis=-1, keepdims=True)
    var = jnp.mean(jnp.square(embedding - mean), axis=-1, keepdims=True)
    normed = (embedding - mean) / jnp.sqrt(var + EPS)
    out = normed * gamma + beta
    # dropout is identity in eval mode
    return out

if __name__ == "__main__":
    import jax
    _d = setup_inputs()
    print(jax.jit(kernel)(*tuple(_d.values())))

</pallas_src>

<mosaic_0001>
#map = affine_map<(d0, d1) -> (0, 0, 0)>
#map1 = affine_map<(d0, d1) -> (0, 0)>
#map2 = affine_map<(d0, d1) -> (0)>
module attributes {stable_mosaic.version = 14 : i64} {
  func.func @sc_fn(%arg0: i32, %arg1: i32, %arg2: memref<1024x2x100xi32, #tpu.memory_space<hbm>>, %arg3: memref<100000x128xf32, #tpu.memory_space<hbm>>, %arg4: memref<512x128xf32, #tpu.memory_space<hbm>>, %arg5: memref<2x128xf32, #tpu.memory_space<hbm>>, %arg6: memref<128xf32, #tpu.memory_space<hbm>>, %arg7: memref<128xf32, #tpu.memory_space<hbm>>, %arg8: memref<1024x200x128xf32, #tpu.memory_space<hbm>>, %arg9: memref<32x2x100xi32, #tpu.memory_space<vmem>>, %arg10: memref<100x128xf32, #tpu.memory_space<vmem>>, %arg11: memref<100x128xf32, #tpu.memory_space<vmem>>, %arg12: memref<200x128xf32, #tpu.memory_space<vmem>>, %arg13: memref<200x128xf32, #tpu.memory_space<vmem>>, %arg14: memref<200x128xf32, #tpu.memory_space<vmem>>, %arg15: memref<128xf32, #tpu.memory_space<vmem>>, %arg16: memref<128xf32, #tpu.memory_space<vmem>>, %arg17: memref<128xf32, #tpu.memory_space<vmem>>, %arg18: memref<!tpu.dma_semaphore, #tpu.memory_space<semaphore_mem>>, %arg19: memref<!tpu.dma_semaphore, #tpu.memory_space<semaphore_mem>>, %arg20: memref<!tpu.dma_semaphore, #tpu.memory_space<semaphore_mem>>, %arg21: memref<!tpu.dma_semaphore, #tpu.memory_space<semaphore_mem>>) attributes {dimension_semantics = [#tpu.dimension_semantics<core_parallel>, #tpu.dimension_semantics<subcore_parallel>], iteration_bounds = array<i64: 2, 16>, scalar_prefetch = 0 : i64, scratch_operands = 13 : i64, tpu.core_type = #tpu.core_type<sc_vector_subcore>, window_params = [{transform_indices = #map}, {transform_indices = #map1}, {transform_indices = #map1}, {transform_indices = #map1}, {transform_indices = #map2}, {transform_indices = #map2}, {transform_indices = #map}]} {
    %mul3A = arith.constant 2 : i32
    %mul3A_0 = arith.muli %arg1, %mul3A : i32
    %add3A = arith.addi %mul3A_0, %arg0 : i32
    %mul3A_1 = arith.constant 32 : i32
    %mul3A_2 = arith.muli %add3A, %mul3A_1 : i32
    "tpu.region"() ({
      %run_scoped3A_47 = tpu.sem_alloc : memref<!tpu.dma_semaphore, #tpu.memory_space<semaphore_mem>>
      %dma_start3A_48 = arith.constant 0 : i32
      %dma_start3A_49 = arith.constant 0 : i32
      %dma_start3A_50 = tpu.memref_slice %arg2[%mul3A_2, %dma_start3A_48, %dma_start3A_49] : memref<1024x2x100xi32, #tpu.memory_space<hbm>> -> memref<32x2x100xi32, #tpu.memory_space<hbm>>
      %dma_start3A_51 = arith.constant 0 : i32
      %dma_start3A_52 = arith.constant 0 : i32
      %dma_start3A_53 = tpu.memref_slice %arg2[%mul3A_2, %dma_start3A_51, %dma_start3A_52] : memref<1024x2x100xi32, #tpu.memory_space<hbm>> -> memref<32x2x100xi32, #tpu.memory_space<hbm>>
      tpu.enqueue_dma source(%dma_start3A_53 : memref<32x2x100xi32, #tpu.memory_space<hbm>>) target(%arg9 : memref<32x2x100xi32, #tpu.memory_space<vmem>>) target_semaphore(%run_scoped3A_47 : memref<!tpu.dma_semaphore, #tpu.memory_space<semaphore_mem>>)
      %dma_wait3A_54 = arith.constant 0 : i32
      %dma_wait3A_55 = arith.constant 0 : i32
      %dma_wait3A_56 = tpu.memref_slice %arg2[%mul3A_2, %dma_wait3A_54, %dma_wait3A_55] : memref<1024x2x100xi32, #tpu.memory_space<hbm>> -> memref<32x2x100xi32, #tpu.memory_space<hbm>>
      %dma_wait3A_57 = arith.constant 0 : i32
      %dma_wait3A_58 = arith.constant 0 : i32
      %dma_wait3A_59 = tpu.memref_slice %arg2[%mul3A_2, %dma_wait3A_57, %dma_wait3A_58] : memref<1024x2x100xi32, #tpu.memory_space<hbm>> -> memref<32x2x100xi32, #tpu.memory_space<hbm>>
      tpu.wait_dma2 semaphore(%run_scoped3A_47 : memref<!tpu.dma_semaphore, #tpu.memory_space<semaphore_mem>>) src(%dma_wait3A_59 : memref<32x2x100xi32, #tpu.memory_space<hbm>>) dst(%arg9 : memref<32x2x100xi32, #tpu.memory_space<vmem>>)
      tpu.yield
    }) : () -> ()
    "tpu.region"() ({
      %run_scoped3A_47 = tpu.sem_alloc : memref<!tpu.dma_semaphore, #tpu.memory_space<semaphore_mem>>
      tpu.enqueue_dma source(%arg6 : memref<128xf32, #tpu.memory_space<hbm>>) target(%arg16 : memref<128xf32, #tpu.memory_space<vmem>>) target_semaphore(%run_scoped3A_47 : memref<!tpu.dma_semaphore, #tpu.memory_space<semaphore_mem>>)
      tpu.wait_dma2 semaphore(%run_scoped3A_47 : memref<!tpu.dma_semaphore, #tpu.memory_space<semaphore_mem>>) src(%arg6 : memref<128xf32, #tpu.memory_space<hbm>>) dst(%arg16 : memref<128xf32, #tpu.memory_space<vmem>>)
      tpu.yield
    }) : () -> ()
    "tpu.region"() ({
      %run_scoped3A_47 = tpu.sem_alloc : memref<!tpu.dma_semaphore, #tpu.memory_space<semaphore_mem>>
      tpu.enqueue_dma source(%arg7 : memref<128xf32, #tpu.memory_space<hbm>>) target(%arg17 : memref<128xf32, #tpu.memory_space<vmem>>) target_semaphore(%run_scoped3A_47 : memref<!tpu.dma_semaphore, #tpu.memory_space<semaphore_mem>>)
      tpu.wait_dma2 semaphore(%run_scoped3A_47 : memref<!tpu.dma_semaphore, #tpu.memory_space<semaphore_mem>>) src(%arg7 : memref<128xf32, #tpu.memory_space<hbm>>) dst(%arg17 : memref<128xf32, #tpu.memory_space<vmem>>)
      tpu.yield
    }) : () -> ()
    %run_scoped3A = arith.constant 0 : i32
    "tpu.region"() ({
      %run_scoped3A_47 = tpu.sem_alloc : memref<!tpu.dma_semaphore, #tpu.memory_space<semaphore_mem>>
      %dma_start3A_48 = arith.constant 0 : i32
      %dma_start3A_49 = tpu.memref_slice %arg5[%run_scoped3A, %dma_start3A_48] : memref<2x128xf32, #tpu.memory_space<hbm>> -> memref<1x128xf32, #tpu.memory_space<hbm>>
      %dma_start3A_50 = tpu.memref_squeeze %dma_start3A_49 : memref<1x128xf32, #tpu.memory_space<hbm>> -> memref<128xf32, #tpu.memory_space<hbm>>
      %dma_start3A_51 = arith.constant 0 : i32
      %dma_start3A_52 = tpu.memref_slice %arg5[%run_scoped3A, %dma_start3A_51] : memref<2x128xf32, #tpu.memory_space<hbm>> -> memref<1x128xf32, #tpu.memory_space<hbm>>
      %dma_start3A_53 = tpu.memref_squeeze %dma_start3A_52 : memref<1x128xf32, #tpu.memory_space<hbm>> -> memref<128xf32, #tpu.memory_space<hbm>>
      tpu.enqueue_dma source(%dma_start3A_53 : memref<128xf32, #tpu.memory_space<hbm>>) target(%arg15 : memref<128xf32, #tpu.memory_space<vmem>>) target_semaphore(%run_scoped3A_47 : memref<!tpu.dma_semaphore, #tpu.memory_space<semaphore_mem>>)
      %dma_wait3A_54 = arith.constant 0 : i32
      %dma_wait3A_55 = tpu.memref_slice %arg5[%run_scoped3A, %dma_wait3A_54] : memref<2x128xf32, #tpu.memory_space<hbm>> -> memref<1x128xf32, #tpu.memory_space<hbm>>
      %dma_wait3A_56 = tpu.memref_squeeze %dma_wait3A_55 : memref<1x128xf32, #tpu.memory_space<hbm>> -> memref<128xf32, #tpu.memory_space<hbm>>
      %dma_wait3A_57 = arith.constant 0 : i32
      %dma_wait3A_58 = tpu.memref_slice %arg5[%run_scoped3A, %dma_wait3A_57] : memref<2x128xf32, #tpu.memory_space<hbm>> -> memref<1x128xf32, #tpu.memory_space<hbm>>
      %dma_wait3A_59 = tpu.memref_squeeze %dma_wait3A_58 : memref<1x128xf32, #tpu.memory_space<hbm>> -> memref<128xf32, #tpu.memory_space<hbm>>
      tpu.wait_dma2 semaphore(%run_scoped3A_47 : memref<!tpu.dma_semaphore, #tpu.memory_space<semaphore_mem>>) src(%dma_wait3A_59 : memref<128xf32, #tpu.memory_space<hbm>>) dst(%arg15 : memref<128xf32, #tpu.memory_space<vmem>>)
      tpu.yield
    }) : () -> ()
    "tpu.region"() ({
      %run_scoped3A_47 = tpu.sem_alloc : memref<!tpu.dma_semaphore, #tpu.memory_space<semaphore_mem>>
      %dma_start3A_48 = arith.constant 0 : i32
      %dma_start3A_49 = arith.constant 0 : i32
      %dma_start3A_50 = tpu.memref_slice %arg4[%dma_start3A_48, %dma_start3A_49] : memref<512x128xf32, #tpu.memory_space<hbm>> -> memref<200x128xf32, #tpu.memory_space<hbm>>
      %dma_start3A_51 = arith.constant 0 : i32
      %dma_start3A_52 = arith.constant 0 : i32
      %dma_start3A_53 = tpu.memref_slice %arg4[%dma_start3A_51, %dma_start3A_52] : memref<512x128xf32, #tpu.memory_space<hbm>> -> memref<200x128xf32, #tpu.memory_space<hbm>>
      tpu.enqueue_dma source(%dma_start3A_53 : memref<200x128xf32, #tpu.memory_space<hbm>>) target(%arg14 : memref<200x128xf32, #tpu.memory_space<vmem>>) target_semaphore(%run_scoped3A_47 : memref<!tpu.dma_semaphore, #tpu.memory_space<semaphore_mem>>)
      %dma_wait3A_54 = arith.constant 0 : i32
      %dma_wait3A_55 = arith.constant 0 : i32
      %dma_wait3A_56 = tpu.memref_slice %arg4[%dma_wait3A_54, %dma_wait3A_55] : memref<512x128xf32, #tpu.memory_space<hbm>> -> memref<200x128xf32, #tpu.memory_space<hbm>>
      %dma_wait3A_57 = arith.constant 0 : i32
      %dma_wait3A_58 = arith.constant 0 : i32
      %dma_wait3A_59 = tpu.memref_slice %arg4[%dma_wait3A_57, %dma_wait3A_58] : memref<512x128xf32, #tpu.memory_space<hbm>> -> memref<200x128xf32, #tpu.memory_space<hbm>>
      tpu.wait_dma2 semaphore(%run_scoped3A_47 : memref<!tpu.dma_semaphore, #tpu.memory_space<semaphore_mem>>) src(%dma_wait3A_59 : memref<200x128xf32, #tpu.memory_space<hbm>>) dst(%arg14 : memref<200x128xf32, #tpu.memory_space<vmem>>)
      tpu.yield
    }) : () -> ()
    %parallel_loop3A = arith.constant 0 : i32
    %parallel_loop3A_3 = arith.constant 200 : i32
    %parallel_loop3A_4 = arith.constant 1 : i32
    scf.for %parallel_loop3A_47 = %parallel_loop3A to %parallel_loop3A_3 step %parallel_loop3A_4  : i32 {
      %parallel_loop3A_48 = arith.index_cast %parallel_loop3A_47 : i32 to index
      %parallel_loop3A_49 = arith.constant 0 : index
      %parallel_loop3A_50 = tpu.vector_load %arg14[%parallel_loop3A_48, %parallel_loop3A_49] {strides = array<i32>} : memref<200x128xf32, #tpu.memory_space<vmem>>, vector<16xf32>,
      %parallel_loop3A_51 = arith.constant 0 : index
      %parallel_loop3A_52 = tpu.vector_load %arg15[%parallel_loop3A_51] {strides = array<i32>} : memref<128xf32, #tpu.memory_space<vmem>>, vector<16xf32>,
      %parallel_loop3A_53 = arith.addf %parallel_loop3A_50, %parallel_loop3A_52 : vector<16xf32>
      %parallel_loop3A_54 = arith.index_cast %parallel_loop3A_47 : i32 to index
      %parallel_loop3A_55 = arith.constant 0 : index
      %parallel_loop3A_56 = tpu.vector_load %arg14[%parallel_loop3A_54, %parallel_loop3A_55] {strides = array<i32>} : memref<200x128xf32, #tpu.memory_space<vmem>>, vector<16xf32>,
      tpu.vector_store %arg14[%parallel_loop3A_54, %parallel_loop3A_55], %parallel_loop3A_53 {strides = array<i32>} : memref<200x128xf32, #tpu.memory_space<vmem>>, vector<16xf32>,
      %parallel_loop3A_57 = arith.index_cast %parallel_loop3A_47 : i32 to index
      %parallel_loop3A_58 = arith.constant 16 : index
      %parallel_loop3A_59 = tpu.vector_load %arg14[%parallel_loop3A_57, %parallel_loop3A_58] {strides = array<i32>} : memref<200x128xf32, #tpu.memory_space<vmem>>, vector<16xf32>,
      %parallel_loop3A_60 = arith.constant 16 : index
      %parallel_loop3A_61 = tpu.vector_load %arg15[%parallel_loop3A_60] {strides = array<i32>} : memref<128xf32, #tpu.memory_space<vmem>>, vector<16xf32>,
      %parallel_loop3A_62 = arith.addf %parallel_loop3A_59, %parallel_loop3A_61 : vector<16xf32>
      %parallel_loop3A_63 = arith.index_cast %parallel_loop3A_47 : i32 to index
      %parallel_loop3A_64 = arith.constant 16 : index
      %parallel_loop3A_65 = tpu.vector_load %arg14[%parallel_loop3A_63, %parallel_loop3A_64] {strides = array<i32>} : memref<200x128xf32, #tpu.memory_space<vmem>>, vector<16xf32>,
      tpu.vector_store %arg14[%parallel_loop3A_63, %parallel_loop3A_64], %parallel_loop3A_62 {strides = array<i32>} : memref<200x128xf32, #tpu.memory_space<vmem>>, vector<16xf32>,
      %parallel_loop3A_66 = arith.index_cast %parallel_loop3A_47 : i32 to index
      %parallel_loop3A_67 = arith.constant 32 : index
      %parallel_loop3A_68 = tpu.vector_load %arg14[%parallel_loop3A_66, %parallel_loop3A_67] {strides = array<i32>} : memref<200x128xf32, #tpu.memory_space<vmem>>, vector<16xf32>,
      %parallel_loop3A_69 = arith.constant 32 : index
      %parallel_loop3A_70 = tpu.vector_load %arg15[%parallel_loop3A_69] {strides = array<i32>} : memref<128xf32, #tpu.memory_space<vmem>>, vector<16xf32>,
      %parallel_loop3A_71 = arith.addf %parallel_loop3A_68, %parallel_loop3A_70 : vector<16xf32>
      %parallel_loop3A_72 = arith.index_cast %parallel_loop3A_47 : i32 to index
      %parallel_loop3A_73 = arith.constant 32 : index
      %parallel_loop3A_74 = tpu.vector_load %arg14[%parallel_loop3A_72, %parallel_loop3A_73] {strides = array<i32>} : memref<200x128xf32, #tpu.memory_space<vmem>>, vector<16xf32>,
      tpu.vector_store %arg14[%parallel_loop3A_72, %parallel_loop3A_73], %parallel_loop3A_71 {strides = array<i32>} : memref<200x128xf32, #tpu.memory_space<vmem>>, vector<16xf32>,
      %parallel_loop3A_75 = arith.index_cast %parallel_loop3A_47 : i32 to index
      %parallel_loop3A_76 = arith.constant 48 : index
      %parallel_loop3A_77 = tpu.vector_load %arg14[%parallel_loop3A_75, %parallel_loop3A_76] {strides = array<i32>} : memref<200x128xf32, #tpu.memory_space<vmem>>, vector<16xf32>,
      %parallel_loop3A_78 = arith.constant 48 : index
      %parallel_loop3A_79 = tpu.vector_load %arg15[%parallel_loop3A_78] {strides = array<i32>} : memref<128xf32, #tpu.memory_space<vmem>>, vector<16xf32>,
      %parallel_loop3A_80 = arith.addf %parallel_loop3A_77, %parallel_loop3A_79 : vector<16xf32>
      %parallel_loop3A_81 = arith.index_cast %parallel_loop3A_47 : i32 to index
      %parallel_loop3A_82 = arith.constant 48 : index
      %parallel_loop3A_83 = tpu.vector_load %arg14[%parallel_loop3A_81, %parallel_loop3A_82] {strides = array<i32>} : memref<200x128xf32, #tpu.memory_space<vmem>>, vector<16xf32>,
      tpu.vector_store %arg14[%parallel_loop3A_81, %parallel_loop3A_82], %parallel_loop3A_80 {strides = array<i32>} : memref<200x128xf32, #tpu.memory_space<vmem>>, vector<16xf32>,
      %parallel_loop3A_84 = arith.index_cast %parallel_loop3A_47 : i32 to index
      %parallel_loop3A_85 = arith.constant 64 : index
      %parallel_loop3A_86 = tpu.vector_load %arg14[%parallel_loop3A_84, %parallel_loop3A_85] {strides = array<i32>} : memref<200x128xf32, #tpu.memory_space<vmem>>, vector<16xf32>,
      %parallel_loop3A_87 = arith.constant 64 : index
      %parallel_loop3A_88 = tpu.vector_load %arg15[%parallel_loop3A_87] {strides = array<i32>} : memref<128xf32, #tpu.memory_space<vmem>>, vector<16xf32>,
      %parallel_loop3A_89 = arith.addf %parallel_loop3A_86, %parallel_loop3A_88 : vector<16xf32>
      %parallel_loop3A_90 = arith.index_cast %parallel_loop3A_47 : i32 to index
      %parallel_loop3A_91 = arith.constant 64 : index
      %parallel_loop3A_92 = tpu.vector_load %arg14[%parallel_loop3A_90, %parallel_loop3A_91] {strides = array<i32>} : memref<200x128xf32, #tpu.memory_space<vmem>>, vector<16xf32>,
      tpu.vector_store %arg14[%parallel_loop3A_90, %parallel_loop3A_91], %parallel_loop3A_89 {strides = array<i32>} : memref<200x128xf32, #tpu.memory_space<vmem>>, vector<16xf32>,
      %parallel_loop3A_93 = arith.index_cast %parallel_loop3A_47 : i32 to index
      %parallel_loop3A_94 = arith.constant 80 : index
      %parallel_loop3A_95 = tpu.vector_load %arg14[%parallel_loop3A_93, %parallel_loop3A_94] {strides = array<i32>} : memref<200x128xf32, #tpu.memory_space<vmem>>, vector<16xf32>,
      %parallel_loop3A_96 = arith.constant 80 : index
      %parallel_loop3A_97 = tpu.vector_load %arg15[%parallel_loop3A_96] {strides = array<i32>} : memref<128xf32, #tpu.memory_space<vmem>>, vector<16xf32>,
      %parallel_loop3A_98 = arith.addf %parallel_loop3A_95, %parallel_loop3A_97 : vector<16xf32>
      %parallel_loop3A_99 = arith.index_cast %parallel_loop3A_47 : i32 to index
      %parallel_loop3A_100 = arith.constant 80 : index
      %parallel_loop3A_101 = tpu.vector_load %arg14[%parallel_loop3A_99, %parallel_loop3A_100] {strides = array<i32>} : memref<200x128xf32, #tpu.memory_space<vmem>>, vector<16xf32>,
      tpu.vector_store %arg14[%parallel_loop3A_99, %parallel_loop3A_100], %parallel_loop3A_98 {strides = array<i32>} : memref<200x128xf32, #tpu.memory_space<vmem>>, vector<16xf32>,
      %parallel_loop3A_102 = arith.index_cast %parallel_loop3A_47 : i32 to index
      %parallel_loop3A_103 = arith.constant 96 : index
      %parallel_loop3A_104 = tpu.vector_load %arg14[%parallel_loop3A_102, %parallel_loop3A_103] {strides = array<i32>} : memref<200x128xf32, #tpu.memory_space<vmem>>, vector<16xf32>,
      %parallel_loop3A_105 = arith.constant 96 : index
      %parallel_loop3A_106 = tpu.vector_load %arg15[%parallel_loop3A_105] {strides = array<i32>} : memref<128xf32, #tpu.memory_space<vmem>>, vector<16xf32>,
      %parallel_loop3A_107 = arith.addf %parallel_loop3A_104, %parallel_loop3A_106 : vector<16xf32>
      %parallel_loop3A_108 = arith.index_cast %parallel_loop3A_47 : i32 to index
      %parallel_loop3A_109 = arith.constant 96 : index
      %parallel_loop3A_110 = tpu.vector_load %arg14[%parallel_loop3A_108, %parallel_loop3A_109] {strides = array<i32>} : memref<200x128xf32, #tpu.memory_space<vmem>>, vector<16xf32>,
      tpu.vector_store %arg14[%parallel_loop3A_108, %parallel_loop3A_109], %parallel_loop3A_107 {strides = array<i32>} : memref<200x128xf32, #tpu.memory_space<vmem>>, vector<16xf32>,
      %parallel_loop3A_111 = arith.index_cast %parallel_loop3A_47 : i32 to index
      %parallel_loop3A_112 = arith.constant 112 : index
      %parallel_loop3A_113 = tpu.vector_load %arg14[%parallel_loop3A_111, %parallel_loop3A_112] {strides = array<i32>} : memref<200x128xf32, #tpu.memory_space<vmem>>, vector<16xf32>,
      %parallel_loop3A_114 = arith.constant 112 : index
      %parallel_loop3A_115 = tpu.vector_load %arg15[%parallel_loop3A_114] {strides = array<i32>} : memref<128xf32, #tpu.memory_space<vmem>>, vector<16xf32>,
      %parallel_loop3A_116 = arith.addf %parallel_loop3A_113, %parallel_loop3A_115 : vector<16xf32>
      %parallel_loop3A_117 = arith.index_cast %parallel_loop3A_47 : i32 to index
      %parallel_loop3A_118 = arith.constant 112 : index
      %parallel_loop3A_119 = tpu.vector_load %arg14[%parallel_loop3A_117, %parallel_loop3A_118] {strides = array<i32>} : memref<200x128xf32, #tpu.memory_space<vmem>>, vector<16xf32>,
      tpu.vector_store %arg14[%parallel_loop3A_117, %parallel_loop3A_118], %parallel_loop3A_116 {strides = array<i32>} : memref<200x128xf32, #tpu.memory_space<vmem>>, vector<16xf32>,
    } {sc.loop_unroll_factor = 1 : i64, sc.parallel_access}
    %dma_start3A = arith.constant 0 : i32
    %dma_start3A_5 = arith.constant 0 : i32
    %dma_start3A_6 = arith.constant 0 : i32
    %dma_start3A_7 = tpu.memref_slice %arg9[%dma_start3A, %dma_start3A_5, %dma_start3A_6] : memref<32x2x100xi32, #tpu.memory_space<vmem>> -> memref<1x1x100xi32, #tpu.memory_space<vmem>>
    %dma_start3A_8 = tpu.memref_squeeze %dma_start3A_7 : memref<1x1x100xi32, #tpu.memory_space<vmem>> -> memref<100xi32, #tpu.memory_space<vmem>>
    %dma_start3A_9 = arith.constant 0 : i32
    %dma_start3A_10 = arith.constant 0 : i32
    %dma_start3A_11 = tpu.memref_slice %arg3[%dma_start3A_9, %dma_start3A_10] : memref<100000x128xf32, #tpu.memory_space<hbm>> -> memref<100000x128xf32, #tpu.memory_space<hbm>>
    tpu.enqueue_indirect_dma source(%dma_start3A_11 : memref<100000x128xf32, #tpu.memory_space<hbm>>) target(%arg10 : memref<100x128xf32, #tpu.memory_space<vmem>>) offsets(%dma_start3A_8 : memref<100xi32, #tpu.memory_space<vmem>>) semaphore(%arg18 : memref<!tpu.dma_semaphore, #tpu.memory_space<semaphore_mem>>)
    %dma_start3A_12 = arith.constant 0 : i32
    %dma_start3A_13 = arith.constant 1 : i32
    %dma_start3A_14 = arith.constant 0 : i32
    %dma_start3A_15 = tpu.memref_slice %arg9[%dma_start3A_12, %dma_start3A_13, %dma_start3A_14] : memref<32x2x100xi32, #tpu.memory_space<vmem>> -> memref<1x1x100xi32, #tpu.memory_space<vmem>>
    %dma_start3A_16 = tpu.memref_squeeze %dma_start3A_15 : memref<1x1x100xi32, #tpu.memory_space<vmem>> -> memref<100xi32, #tpu.memory_space<vmem>>
    %dma_start3A_17 = arith.constant 0 : i32
    %dma_start3A_18 = arith.constant 0 : i32
    %dma_start3A_19 = tpu.memref_slice %arg3[%dma_start3A_17, %dma_start3A_18] : memref<100000x128xf32, #tpu.memory_space<hbm>> -> memref<100000x128xf32, #tpu.memory_space<hbm>>
    tpu.enqueue_indirect_dma source(%dma_start3A_19 : memref<100000x128xf32, #tpu.memory_space<hbm>>) target(%arg11 : memref<100x128xf32, #tpu.memory_space<vmem>>) offsets(%dma_start3A_16 : memref<100xi32, #tpu.memory_space<vmem>>) semaphore(%arg19 : memref<!tpu.dma_semaphore, #tpu.memory_space<semaphore_mem>>)
    %scan3A = arith.constant 0 : i32
    %scan3A_20 = arith.constant 0 : i32
    %scan3A_21 = arith.constant 16 : i32
    %scan3A_22 = arith.addi %scan3A_20, %scan3A_21 : i32
    %scan3A_23 = arith.constant 1 : i32
    scf.for %scan3A_47 = %scan3A_20 to %scan3A_22 step %scan3A_23  : i32 {
      %mul3A_48 = arith.constant 2 : i32
      %mul3A_49 = arith.muli %mul3A_48, %scan3A_47 : i32
      %add3A_50 = arith.constant 0 : i32
      %add3A_51 = arith.addi %mul3A_49, %add3A_50 : i32
      %add3A_52 = arith.addi %mul3A_2, %add3A_51 : i32
      %dma_wait3A_53 = arith.constant 0 : i32
      %dma_wait3A_54 = arith.constant 0 : i32
      %dma_wait3A_55 = tpu.memref_slice %arg9[%add3A_51, %dma_wait3A_53, %dma_wait3A_54] : memref<32x2x100xi32, #tpu.memory_space<vmem>> -> memref<1x1x100xi32, #tpu.memory_space<vmem>>
      %dma_wait3A_56 = tpu.memref_squeeze %dma_wait3A_55 : memref<1x1x100xi32, #tpu.memory_space<vmem>> -> memref<100xi32, #tpu.memory_space<vmem>>
      %dma_wait3A_57 = arith.constant 0 : i32
      %dma_wait3A_58 = arith.constant 0 : i32
      %dma_wait3A_59 = tpu.memref_slice %arg3[%dma_wait3A_57, %dma_wait3A_58] : memref<100000x128xf32, #tpu.memory_space<hbm>> -> memref<100000x128xf32, #tpu.memory_space<hbm>>
      tpu.wait_indirect_dma semaphore(%arg18 : memref<!tpu.dma_semaphore, #tpu.memory_space<semaphore_mem>>) src(%dma_wait3A_59 : memref<100000x128xf32, #tpu.memory_space<hbm>>) dst(%arg10 : memref<100x128xf32, #tpu.memory_space<vmem>>)
      %gt3A = arith.constant 0 : i32
      %gt3A_60 = arith.cmpi sgt, %scan3A_47, %gt3A : i32
      %convert_element_type3A = arith.extui %gt3A_60 : i1 to i32
      %cond3A = arith.constant 0 : i32
      %cond3A_61 = arith.cmpi ne, %convert_element_type3A, %cond3A : i32
      scf.if %cond3A_61 {
        %dma_wait3A_279 = arith.constant 0 : i32
        %dma_wait3A_280 = arith.constant 0 : i32
        %dma_wait3A_281 = tpu.memref_slice %arg8[%add3A_52, %dma_wait3A_279, %dma_wait3A_280] : memref<1024x200x128xf32, #tpu.memory_space<hbm>> -> memref<1x200x128xf32, #tpu.memory_space<hbm>>
        %dma_wait3A_282 = tpu.memref_squeeze %dma_wait3A_281 : memref<1x200x128xf32, #tpu.memory_space<hbm>> -> memref<200x128xf32, #tpu.memory_space<hbm>>
        %dma_wait3A_283 = arith.constant 0 : i32
        %dma_wait3A_284 = arith.constant 0 : i32
        %dma_wait3A_285 = tpu.memref_slice %arg8[%add3A_52, %dma_wait3A_283, %dma_wait3A_284] : memref<1024x200x128xf32, #tpu.memory_space<hbm>> -> memref<1x200x128xf32, #tpu.memory_space<hbm>>
        %dma_wait3A_286 = tpu.memref_squeeze %dma_wait3A_285 : memref<1x200x128xf32, #tpu.memory_space<hbm>> -> memref<200x128xf32, #tpu.memory_space<hbm>>
        tpu.wait_dma2 semaphore(%arg20 : memref<!tpu.dma_semaphore, #tpu.memory_space<semaphore_mem>>) src(%arg12 : memref<200x128xf32, #tpu.memory_space<vmem>>) dst(%dma_wait3A_286 : memref<200x128xf32, #tpu.memory_space<hbm>>)
      } else {
      }
      %get3A = arith.constant 0 : index
      %get3A_62 = tpu.vector_load %arg16[%get3A] {strides = array<i32>} : memref<128xf32, #tpu.memory_space<vmem>>, vector<16xf32>,
      %get3A_63 = arith.constant 16 : index
      %get3A_64 = tpu.vector_load %arg16[%get3A_63] {strides = array<i32>} : memref<128xf32, #tpu.memory_space<vmem>>, vector<16xf32>,
      %get3A_65 = arith.constant 32 : index
      %get3A_66 = tpu.vector_load %arg16[%get3A_65] {strides = array<i32>} : memref<128xf32, #tpu.memory_space<vmem>>, vector<16xf32>,
      %get3A_67 = arith.constant 48 : index
      %get3A_68 = tpu.vector_load %arg16[%get3A_67] {strides = array<i32>} : memref<128xf32, #tpu.memory_space<vmem>>, vector<16xf32>,
      %get3A_69 = arith.constant 64 : index
      %get3A_70 = tpu.vector_load %arg16[%get3A_69] {strides = array<i32>} : memref<128xf32, #tpu.memory_space<vmem>>, vector<16xf32>,
      %get3A_71 = arith.constant 80 : index
      %get3A_72 = tpu.vector_load %arg16[%get3A_71] {strides = array<i32>} : memref<128xf32, #tpu.memory_space<vmem>>, vector<16xf32>,
      %get3A_73 = arith.constant 96 : index
      %get3A_74 = tpu.vector_load %arg16[%get3A_73] {strides = array<i32>} : memref<128xf32, #tpu.memory_space<vmem>>, vector<16xf32>,
      %get3A_75 = arith.constant 112 : index
      %get3A_76 = tpu.vector_load %arg16[%get3A_75] {strides = array<i32>} : memref<128xf32, #tpu.memory_space<vmem>>, vector<16xf32>,
      %get3A_77 = arith.constant 0 : index
      %get3A_78 = tpu.vector_load %arg17[%get3A_77] {strides = array<i32>} : memref<128xf32, #tpu.memory_space<vmem>>, vector<16xf32>,
      %get3A_79 = arith.constant 16 : index
      %get3A_80 = tpu.vector_load %arg17[%get3A_79] {strides = array<i32>} : memref<128xf32, #tpu.memory_space<vmem>>, vector<16xf32>,
      %get3A_81 = arith.constant 32 : index
      %get3A_82 = tpu.vector_load %arg17[%get3A_81] {strides = array<i32>} : memref<128xf32, #tpu.memory_space<vmem>>, vector<16xf32>,
      %get3A_83 = arith.constant 48 : index
      %get3A_84 = tpu.vector_load %arg17[%get3A_83] {strides = array<i32>} : memref<128xf32, #tpu.memory_space<vmem>>, vector<16xf32>,
      %get3A_85 = arith.constant 64 : index
      %get3A_86 = tpu.vector_load %arg17[%get3A_85] {strides = array<i32>} : memref<128xf32, #tpu.memory_space<vmem>>, vector<16xf32>,
      %get3A_87 = arith.constant 80 : index
      %get3A_88 = tpu.vector_load %arg17[%get3A_87] {strides = array<i32>} : memref<128xf32, #tpu.memory_space<vmem>>, vector<16xf32>,
      %get3A_89 = arith.constant 96 : index
      %get3A_90 = tpu.vector_load %arg17[%get3A_89] {strides = array<i32>} : memref<128xf32, #tpu.memory_space<vmem>>, vector<16xf32>,
      %get3A_91 = arith.constant 112 : index
      %get3A_92 = tpu.vector_load %arg17[%get3A_91] {strides = array<i32>} : memref<128xf32, #tpu.memory_space<vmem>>, vector<16xf32>,
      %parallel_loop3A_93 = arith.constant 0 : i32
      %parallel_loop3A_94 = arith.constant 100 : i32
      %parallel_loop3A_95 = arith.constant 1 : i32
      %parallel_loop3A_96:16 = scf.for %parallel_loop3A_279 = %parallel_loop3A_93 to %parallel_loop3A_94 step %parallel_loop3A_95 iter_args(%parallel_loop3A_280 = %get3A_62, %parallel_loop3A_281 = %get3A_64, %parallel_loop3A_282 = %get3A_66, %parallel_loop3A_283 = %get3A_68, %parallel_loop3A_284 = %get3A_70, %parallel_loop3A_285 = %get3A_72, %parallel_loop3A_286 = %get3A_74, %parallel_loop3A_287 = %get3A_76, %parallel_loop3A_288 = %get3A_78, %parallel_loop3A_289 = %get3A_80, %parallel_loop3A_290 = %get3A_82, %parallel_loop3A_291 = %get3A_84, %parallel_loop3A_292 = %get3A_86, %parallel_loop3A_293 = %get3A_88, %parallel_loop3A_294 = %get3A_90, %parallel_loop3A_295 = %get3A_92) -> (vector<16xf32>, vector<16xf32>, vector<16xf32>, vector<16xf32>, vector<16xf32>, vector<16xf32>, vector<16xf32>, vector<16xf32>, vector<16xf32>, vector<16xf32>, vector<16xf32>, vector<16xf32>, vector<16xf32>, vector<16xf32>, vector<16xf32>, vector<16xf32>)  : i32 {
        %parallel_loop3A_296 = arith.index_cast %parallel_loop3A_279 : i32 to index
        %parallel_loop3A_297 = arith.constant 0 : index
        %parallel_loop3A_298 = tpu.vector_load %arg10[%parallel_loop3A_296, %parallel_loop3A_297] {strides = array<i32>} : memref<100x128xf32, #tpu.memory_space<vmem>>, vector<16xf32>,
        %parallel_loop3A_299 = arith.constant 0 : i32
        %parallel_loop3A_300 = arith.addi %parallel_loop3A_299, %parallel_loop3A_279 : i32
        %parallel_loop3A_301 = arith.index_cast %parallel_loop3A_300 : i32 to index
        %parallel_loop3A_302 = arith.constant 0 : index
        %parallel_loop3A_303 = tpu.vector_load %arg14[%parallel_loop3A_301, %parallel_loop3A_302] {strides = array<i32>} : memref<200x128xf32, #tpu.memory_space<vmem>>, vector<16xf32>,
        %parallel_loop3A_304 = arith.addf %parallel_loop3A_298, %parallel_loop3A_303 : vector<16xf32>
        %parallel_loop3A_305 = arith.index_cast %parallel_loop3A_279 : i32 to index
        %parallel_loop3A_306 = arith.constant 16 : index
        %parallel_loop3A_307 = tpu.vector_load %arg10[%parallel_loop3A_305, %parallel_loop3A_306] {strides = array<i32>} : memref<100x128xf32, #tpu.memory_space<vmem>>, vector<16xf32>,
        %parallel_loop3A_308 = arith.constant 0 : i32
        %parallel_loop3A_309 = arith.addi %parallel_loop3A_308, %parallel_loop3A_279 : i32
        %parallel_loop3A_310 = arith.index_cast %parallel_loop3A_309 : i32 to index
        %parallel_loop3A_311 = arith.constant 16 : index
        %parallel_loop3A_312 = tpu.vector_load %arg14[%parallel_loop3A_310, %parallel_loop3A_311] {strides = array<i32>} : memref<200x128xf32, #tpu.memory_space<vmem>>, vector<16xf32>,
        %parallel_loop3A_313 = arith.addf %parallel_loop3A_307, %parallel_loop3A_312 : vector<16xf32>
        %parallel_loop3A_314 = arith.index_cast %parallel_loop3A_279 : i32 to index
        %parallel_loop3A_315 = arith.constant 32 : index
        %parallel_loop3A_316 = tpu.vector_load %arg10[%parallel_loop3A_314, %parallel_loop3A_315] {strides = array<i32>} : memref<100x128xf32, #tpu.memory_space<vmem>>, vector<16xf32>,
        %parallel_loop3A_317 = arith.constant 0 : i32
        %parallel_loop3A_318 = arith.addi %parallel_loop3A_317, %parallel_loop3A_279 : i32
        %parallel_loop3A_319 = arith.index_cast %parallel_loop3A_318 : i32 to index
        %parallel_loop3A_320 = arith.constant 32 : index
        %parallel_loop3A_321 = tpu.vector_load %arg14[%parallel_loop3A_319, %parallel_loop3A_320] {strides = array<i32>} : memref<200x128xf32, #tpu.memory_space<vmem>>, vector<16xf32>,
        %parallel_loop3A_322 = arith.addf %parallel_loop3A_316, %parallel_loop3A_321 : vector<16xf32>
        %parallel_loop3A_323 = arith.index_cast %parallel_loop3A_279 : i32 to index
        %parallel_loop3A_324 = arith.constant 48 : index
        %parallel_loop3A_325 = tpu.vector_load %arg10[%parallel_loop3A_323, %parallel_loop3A_324] {strides = array<i32>} : memref<100x128xf32, #tpu.memory_space<vmem>>, vector<16xf32>,
        %parallel_loop3A_326 = arith.constant 0 : i32
        %parallel_loop3A_327 = arith.addi %parallel_loop3A_326, %parallel_loop3A_279 : i32
        %parallel_loop3A_328 = arith.index_cast %parallel_loop3A_327 : i32 to index
        %parallel_loop3A_329 = arith.constant 48 : index
        %parallel_loop3A_330 = tpu.vector_load %arg14[%parallel_loop3A_328, %parallel_loop3A_329] {strides = array<i32>} : memref<200x128xf32, #tpu.memory_space<vmem>>, vector<16xf32>,
        %parallel_loop3A_331 = arith.addf %parallel_loop3A_325, %parallel_loop3A_330 : vector<16xf32>
        %parallel_loop3A_332 = arith.index_cast %parallel_loop3A_279 : i32 to index
        %parallel_loop3A_333 = arith.constant 64 : index
        %parallel_loop3A_334 = tpu.vector_load %arg10[%parallel_loop3A_332, %parallel_loop3A_333] {strides = array<i32>} : memref<100x128xf32, #tpu.memory_space<vmem>>, vector<16xf32>,
        %parallel_loop3A_335 = arith.constant 0 : i32
        %parallel_loop3A_336 = arith.addi %parallel_loop3A_335, %parallel_loop3A_279 : i32
        %parallel_loop3A_337 = arith.index_cast %parallel_loop3A_336 : i32 to index
        %parallel_loop3A_338 = arith.constant 64 : index
        %parallel_loop3A_339 = tpu.vector_load %arg14[%parallel_loop3A_337, %parallel_loop3A_338] {strides = array<i32>} : memref<200x128xf32, #tpu.memory_space<vmem>>, vector<16xf32>,
        %parallel_loop3A_340 = arith.addf %parallel_loop3A_334, %parallel_loop3A_339 : vector<16xf32>
        %parallel_loop3A_341 = arith.index_cast %parallel_loop3A_279 : i32 to index
        %parallel_loop3A_342 = arith.constant 80 : index
        %parallel_loop3A_343 = tpu.vector_load %arg10[%parallel_loop3A_341, %parallel_loop3A_342] {strides = array<i32>} : memref<100x128xf32, #tpu.memory_space<vmem>>, vector<16xf32>,
        %parallel_loop3A_344 = arith.constant 0 : i32
        %parallel_loop3A_345 = arith.addi %parallel_loop3A_344, %parallel_loop3A_279 : i32
        %parallel_loop3A_346 = arith.index_cast %parallel_loop3A_345 : i32 to index
        %parallel_loop3A_347 = arith.constant 80 : index
        %parallel_loop3A_348 = tpu.vector_load %arg14[%parallel_loop3A_346, %parallel_loop3A_347] {strides = array<i32>} : memref<200x128xf32, #tpu.memory_space<vmem>>, vector<16xf32>,
        %parallel_loop3A_349 = arith.addf %parallel_loop3A_343, %parallel_loop3A_348 : vector<16xf32>
        %parallel_loop3A_350 = arith.index_cast %parallel_loop3A_279 : i32 to index
        %parallel_loop3A_351 = arith.constant 96 : index
        %parallel_loop3A_352 = tpu.vector_load %arg10[%parallel_loop3A_350, %parallel_loop3A_351] {strides = array<i32>} : memref<100x128xf32, #tpu.memory_space<vmem>>, vector<16xf32>,
        %parallel_loop3A_353 = arith.constant 0 : i32
        %parallel_loop3A_354 = arith.addi %parallel_loop3A_353, %parallel_loop3A_279 : i32
        %parallel_loop3A_355 = arith.index_cast %parallel_loop3A_354 : i32 to index
        %parallel_loop3A_356 = arith.constant 96 : index
        %parallel_loop3A_357 = tpu.vector_load %arg14[%parallel_loop3A_355, %parallel_loop3A_356] {strides = array<i32>} : memref<200x128xf32, #tpu.memory_space<vmem>>, vector<16xf32>,
        %parallel_loop3A_358 = arith.addf %parallel_loop3A_352, %parallel_loop3A_357 : vector<16xf32>
        %parallel_loop3A_359 = arith.index_cast %parallel_loop3A_279 : i32 to index
        %parallel_loop3A_360 = arith.constant 112 : index
        %parallel_loop3A_361 = tpu.vector_load %arg10[%parallel_loop3A_359, %parallel_loop3A_360] {strides = array<i32>} : memref<100x128xf32, #tpu.memory_space<vmem>>, vector<16xf32>,
        %parallel_loop3A_362 = arith.constant 0 : i32
        %parallel_loop3A_363 = arith.addi %parallel_loop3A_362, %parallel_loop3A_279 : i32
        %parallel_loop3A_364 = arith.index_cast %parallel_loop3A_363 : i32 to index
        %parallel_loop3A_365 = arith.constant 112 : index
        %parallel_loop3A_366 = tpu.vector_load %arg14[%parallel_loop3A_364, %parallel_loop3A_365] {strides = array<i32>} : memref<200x128xf32, #tpu.memory_space<vmem>>, vector<16xf32>,
        %parallel_loop3A_367 = arith.addf %parallel_loop3A_361, %parallel_loop3A_366 : vector<16xf32>
        %parallel_loop3A_368 = arith.addf %parallel_loop3A_304, %parallel_loop3A_313 : vector<16xf32>
        %parallel_loop3A_369 = arith.addf %parallel_loop3A_322, %parallel_loop3A_331 : vector<16xf32>
        %parallel_loop3A_370 = arith.addf %parallel_loop3A_368, %parallel_loop3A_369 : vector<16xf32>
        %parallel_loop3A_371 = arith.addf %parallel_loop3A_340, %parallel_loop3A_349 : vector<16xf32>
        %parallel_loop3A_372 = arith.addf %parallel_loop3A_358, %parallel_loop3A_367 : vector<16xf32>
        %parallel_loop3A_373 = arith.addf %parallel_loop3A_371, %parallel_loop3A_372 : vector<16xf32>
        %parallel_loop3A_374 = arith.addf %parallel_loop3A_370, %parallel_loop3A_373 : vector<16xf32>
        %parallel_loop3A_375 = arith.constant true
        %parallel_loop3A_376 = vector.broadcast %parallel_loop3A_375 : i1 to vector<16xi1>
        %parallel_loop3A_377 = tpu.scan <sum>, %parallel_loop3A_374 masked %parallel_loop3A_376 : vector<16xf32>, vector<16xi1> -> vector<16xf32>
        %parallel_loop3A_378 = vector.extract_strided_slice %parallel_loop3A_377 {offsets = [15], sizes = [1], strides = [1]} : vector<16xf32> to vector<1xf32>
        %parallel_loop3A_379 = vector.extract %parallel_loop3A_378[0] : f32 from vector<1xf32>
        %parallel_loop3A_380 = arith.mulf %parallel_loop3A_304, %parallel_loop3A_304 : vector<16xf32>
        %parallel_loop3A_381 = arith.mulf %parallel_loop3A_313, %parallel_loop3A_313 : vector<16xf32>
        %parallel_loop3A_382 = arith.mulf %parallel_loop3A_322, %parallel_loop3A_322 : vector<16xf32>
        %parallel_loop3A_383 = arith.mulf %parallel_loop3A_331, %parallel_loop3A_331 : vector<16xf32>
        %parallel_loop3A_384 = arith.mulf %parallel_loop3A_340, %parallel_loop3A_340 : vector<16xf32>
        %parallel_loop3A_385 = arith.mulf %parallel_loop3A_349, %parallel_loop3A_349 : vector<16xf32>
        %parallel_loop3A_386 = arith.mulf %parallel_loop3A_358, %parallel_loop3A_358 : vector<16xf32>
        %parallel_loop3A_387 = arith.mulf %parallel_loop3A_367, %parallel_loop3A_367 : vector<16xf32>
        %parallel_loop3A_388 = arith.addf %parallel_loop3A_380, %parallel_loop3A_381 : vector<16xf32>
        %parallel_loop3A_389 = arith.addf %parallel_loop3A_382, %parallel_loop3A_383 : vector<16xf32>
        %parallel_loop3A_390 = arith.addf %parallel_loop3A_388, %parallel_loop3A_389 : vector<16xf32>
        %parallel_loop3A_391 = arith.addf %parallel_loop3A_384, %parallel_loop3A_385 : vector<16xf32>
        %parallel_loop3A_392 = arith.addf %parallel_loop3A_386, %parallel_loop3A_387 : vector<16xf32>
        %parallel_loop3A_393 = arith.addf %parallel_loop3A_391, %parallel_loop3A_392 : vector<16xf32>
        %parallel_loop3A_394 = arith.addf %parallel_loop3A_390, %parallel_loop3A_393 : vector<16xf32>
        %parallel_loop3A_395 = arith.constant true
        %parallel_loop3A_396 = vector.broadcast %parallel_loop3A_395 : i1 to vector<16xi1>
        %parallel_loop3A_397 = tpu.scan <sum>, %parallel_loop3A_394 masked %parallel_loop3A_396 : vector<16xf32>, vector<16xi1> -> vector<16xf32>
        %parallel_loop3A_398 = vector.extract_strided_slice %parallel_loop3A_397 {offsets = [15], sizes = [1], strides = [1]} : vector<16xf32> to vector<1xf32>
        %parallel_loop3A_399 = vector.extract %parallel_loop3A_398[0] : f32 from vector<1xf32>
        %parallel_loop3A_400 = arith.constant 7.812500e-03 : f32
        %parallel_loop3A_401 = arith.mulf %parallel_loop3A_379, %parallel_loop3A_400 : f32
        %parallel_loop3A_402 = arith.constant 7.812500e-03 : f32
        %parallel_loop3A_403 = arith.mulf %parallel_loop3A_399, %parallel_loop3A_402 : f32
        %parallel_loop3A_404 = arith.mulf %parallel_loop3A_401, %parallel_loop3A_401 : f32
        %parallel_loop3A_405 = arith.subf %parallel_loop3A_403, %parallel_loop3A_404 : f32
        %parallel_loop3A_406 = arith.constant 9.99999996E-13 : f32
        %parallel_loop3A_407 = arith.addf %parallel_loop3A_405, %parallel_loop3A_406 : f32
        %parallel_loop3A_408 = vector.broadcast %parallel_loop3A_407 : f32 to vector<16xf32>
        %parallel_loop3A_409 = vector.bitcast %parallel_loop3A_408 : vector<16xf32> to vector<16xi32>
        %parallel_loop3A_410 = arith.constant 1 : i32
        %parallel_loop3A_411 = vector.broadcast %parallel_loop3A_410 : i32 to vector<16xi32>
        %parallel_loop3A_412 = arith.shrui %parallel_loop3A_409, %parallel_loop3A_411 : vector<16xi32>
        %parallel_loop3A_413 = arith.constant 1597463007 : i32
        %parallel_loop3A_414 = vector.broadcast %parallel_loop3A_413 : i32 to vector<16xi32>
        %parallel_loop3A_415 = arith.subi %parallel_loop3A_414, %parallel_loop3A_412 : vector<16xi32>
        %parallel_loop3A_416 = vector.bitcast %parallel_loop3A_415 : vector<16xi32> to vector<16xf32>
        %parallel_loop3A_417 = arith.constant 5.000000e-01 : f32
        %parallel_loop3A_418 = vector.broadcast %parallel_loop3A_417 : f32 to vector<16xf32>
        %parallel_loop3A_419 = arith.mulf %parallel_loop3A_418, %parallel_loop3A_408 : vector<16xf32>
        %parallel_loop3A_420 = arith.mulf %parallel_loop3A_419, %parallel_loop3A_416 : vector<16xf32>
        %parallel_loop3A_421 = arith.mulf %parallel_loop3A_420, %parallel_loop3A_416 : vector<16xf32>
        %parallel_loop3A_422 = arith.constant 1.500000e+00 : f32
        %parallel_loop3A_423 = vector.broadcast %parallel_loop3A_422 : f32 to vector<16xf32>
        %parallel_loop3A_424 = arith.subf %parallel_loop3A_423, %parallel_loop3A_421 : vector<16xf32>
        %parallel_loop3A_425 = arith.mulf %parallel_loop3A_416, %parallel_loop3A_424 : vector<16xf32>
        %parallel_loop3A_426 = vector.broadcast %parallel_loop3A_401 : f32 to vector<16xf32>
        %parallel_loop3A_427 = arith.subf %parallel_loop3A_304, %parallel_loop3A_426 : vector<16xf32>
        %parallel_loop3A_428 = arith.mulf %parallel_loop3A_425, %parallel_loop3A_280 : vector<16xf32>
        %parallel_loop3A_429 = arith.mulf %parallel_loop3A_427, %parallel_loop3A_428 : vector<16xf32>
        %parallel_loop3A_430 = arith.addf %parallel_loop3A_429, %parallel_loop3A_288 : vector<16xf32>
        %parallel_loop3A_431 = arith.constant 0 : i32
        %parallel_loop3A_432 = arith.addi %parallel_loop3A_431, %parallel_loop3A_279 : i32
        %parallel_loop3A_433 = arith.index_cast %parallel_loop3A_432 : i32 to index
        %parallel_loop3A_434 = arith.constant 0 : index
        %parallel_loop3A_435 = tpu.vector_load %arg12[%parallel_loop3A_433, %parallel_loop3A_434] {strides = array<i32>} : memref<200x128xf32, #tpu.memory_space<vmem>>, vector<16xf32>,
        tpu.vector_store %arg12[%parallel_loop3A_433, %parallel_loop3A_434], %parallel_loop3A_430 {strides = array<i32>} : memref<200x128xf32, #tpu.memory_space<vmem>>, vector<16xf32>,
        %parallel_loop3A_436 = vector.broadcast %parallel_loop3A_401 : f32 to vector<16xf32>
        %parallel_loop3A_437 = arith.subf %parallel_loop3A_313, %parallel_loop3A_436 : vector<16xf32>
        %parallel_loop3A_438 = arith.mulf %parallel_loop3A_425, %parallel_loop3A_281 : vector<16xf32>
        %parallel_loop3A_439 = arith.mulf %parallel_loop3A_437, %parallel_loop3A_438 : vector<16xf32>
        %parallel_loop3A_440 = arith.addf %parallel_loop3A_439, %parallel_loop3A_289 : vector<16xf32>
        %parallel_loop3A_441 = arith.constant 0 : i32
        %parallel_loop3A_442 = arith.addi %parallel_loop3A_441, %parallel_loop3A_279 : i32
        %parallel_loop3A_443 = arith.index_cast %parallel_loop3A_442 : i32 to index
        %parallel_loop3A_444 = arith.constant 16 : index
        %parallel_loop3A_445 = tpu.vector_load %arg12[%parallel_loop3A_443, %parallel_loop3A_444] {strides = array<i32>} : memref<200x128xf32, #tpu.memory_space<vmem>>, vector<16xf32>,
        tpu.vector_store %arg12[%parallel_loop3A_443, %parallel_loop3A_444], %parallel_loop3A_440 {strides = array<i32>} : memref<200x128xf32, #tpu.memory_space<vmem>>, vector<16xf32>,
        %parallel_loop3A_446 = vector.broadcast %parallel_loop3A_401 : f32 to vector<16xf32>
        %parallel_loop3A_447 = arith.subf %parallel_loop3A_322, %parallel_loop3A_446 : vector<16xf32>
        %parallel_loop3A_448 = arith.mulf %parallel_loop3A_425, %parallel_loop3A_282 : vector<16xf32>
        %parallel_loop3A_449 = arith.mulf %parallel_loop3A_447, %parallel_loop3A_448 : vector<16xf32>
        %parallel_loop3A_450 = arith.addf %parallel_loop3A_449, %parallel_loop3A_290 : vector<16xf32>
        %parallel_loop3A_451 = arith.constant 0 : i32
        %parallel_loop3A_452 = arith.addi %parallel_loop3A_451, %parallel_loop3A_279 : i32
        %parallel_loop3A_453 = arith.index_cast %parallel_loop3A_452 : i32 to index
        %parallel_loop3A_454 = arith.constant 32 : index
        %parallel_loop3A_455 = tpu.vector_load %arg12[%parallel_loop3A_453, %parallel_loop3A_454] {strides = array<i32>} : memref<200x128xf32, #tpu.memory_space<vmem>>, vector<16xf32>,
        tpu.vector_store %arg12[%parallel_loop3A_453, %parallel_loop3A_454], %parallel_loop3A_450 {strides = array<i32>} : memref<200x128xf32, #tpu.memory_space<vmem>>, vector<16xf32>,
        %parallel_loop3A_456 = vector.broadcast %parallel_loop3A_401 : f32 to vector<16xf32>
        %parallel_loop3A_457 = arith.subf %parallel_loop3A_331, %parallel_loop3A_456 : vector<16xf32>
        %parallel_loop3A_458 = arith.mulf %parallel_loop3A_425, %parallel_loop3A_283 : vector<16xf32>
        %parallel_loop3A_459 = arith.mulf %parallel_loop3A_457, %parallel_loop3A_458 : vector<16xf32>
        %parallel_loop3A_460 = arith.addf %parallel_loop3A_459, %parallel_loop3A_291 : vector<16xf32>
        %parallel_loop3A_461 = arith.constant 0 : i32
        %parallel_loop3A_462 = arith.addi %parallel_loop3A_461, %parallel_loop3A_279 : i32
        %parallel_loop3A_463 = arith.index_cast %parallel_loop3A_462 : i32 to index
        %parallel_loop3A_464 = arith.constant 48 : index
        %parallel_loop3A_465 = tpu.vector_load %arg12[%parallel_loop3A_463, %parallel_loop3A_464] {strides = array<i32>} : memref<200x128xf32, #tpu.memory_space<vmem>>, vector<16xf32>,
        tpu.vector_store %arg12[%parallel_loop3A_463, %parallel_loop3A_464], %parallel_loop3A_460 {strides = array<i32>} : memref<200x128xf32, #tpu.memory_space<vmem>>, vector<16xf32>,
        %parallel_loop3A_466 = vector.broadcast %parallel_loop3A_401 : f32 to vector<16xf32>
        %parallel_loop3A_467 = arith.subf %parallel_loop3A_340, %parallel_loop3A_466 : vector<16xf32>
        %parallel_loop3A_468 = arith.mulf %parallel_loop3A_425, %parallel_loop3A_284 : vector<16xf32>
        %parallel_loop3A_469 = arith.mulf %parallel_loop3A_467, %parallel_loop3A_468 : vector<16xf32>
        %parallel_loop3A_470 = arith.addf %parallel_loop3A_469, %parallel_loop3A_292 : vector<16xf32>
        %parallel_loop3A_471 = arith.constant 0 : i32
        %parallel_loop3A_472 = arith.addi %parallel_loop3A_471, %parallel_loop3A_279 : i32
        %parallel_loop3A_473 = arith.index_cast %parallel_loop3A_472 : i32 to index
        %parallel_loop3A_474 = arith.constant 64 : index
        %parallel_loop3A_475 = tpu.vector_load %arg12[%parallel_loop3A_473, %parallel_loop3A_474] {strides = array<i32>} : memref<200x128xf32, #tpu.memory_space<vmem>>, vector<16xf32>,
        tpu.vector_store %arg12[%parallel_loop3A_473, %parallel_loop3A_474], %parallel_loop3A_470 {strides = array<i32>} : memref<200x128xf32, #tpu.memory_space<vmem>>, vector<16xf32>,
        %parallel_loop3A_476 = vector.broadcast %parallel_loop3A_401 : f32 to vector<16xf32>
        %parallel_loop3A_477 = arith.subf %parallel_loop3A_349, %parallel_loop3A_476 : vector<16xf32>
        %parallel_loop3A_478 = arith.mulf %parallel_loop3A_425, %parallel_loop3A_285 : vector<16xf32>
        %parallel_loop3A_479 = arith.mulf %parallel_loop3A_477, %parallel_loop3A_478 : vector<16xf32>
        %parallel_loop3A_480 = arith.addf %parallel_loop3A_479, %parallel_loop3A_293 : vector<16xf32>
        %parallel_loop3A_481 = arith.constant 0 : i32
        %parallel_loop3A_482 = arith.addi %parallel_loop3A_481, %parallel_loop3A_279 : i32
        %parallel_loop3A_483 = arith.index_cast %parallel_loop3A_482 : i32 to index
        %parallel_loop3A_484 = arith.constant 80 : index
        %parallel_loop3A_485 = tpu.vector_load %arg12[%parallel_loop3A_483, %parallel_loop3A_484] {strides = array<i32>} : memref<200x128xf32, #tpu.memory_space<vmem>>, vector<16xf32>,
        tpu.vector_store %arg12[%parallel_loop3A_483, %parallel_loop3A_484], %parallel_loop3A_480 {strides = array<i32>} : memref<200x128xf32, #tpu.memory_space<vmem>>, vector<16xf32>,
        %parallel_loop3A_486 = vector.broadcast %parallel_loop3A_401 : f32 to vector<16xf32>
        %parallel_loop3A_487 = arith.subf %parallel_loop3A_358, %parallel_loop3A_486 : vector<16xf32>
        %parallel_loop3A_488 = arith.mulf %parallel_loop3A_425, %parallel_loop3A_286 : vector<16xf32>
        %parallel_loop3A_489 = arith.mulf %parallel_loop3A_487, %parallel_loop3A_488 : vector<16xf32>
        %parallel_loop3A_490 = arith.addf %parallel_loop3A_489, %parallel_loop3A_294 : vector<16xf32>
        %parallel_loop3A_491 = arith.constant 0 : i32
        %parallel_loop3A_492 = arith.addi %parallel_loop3A_491, %parallel_loop3A_279 : i32
        %parallel_loop3A_493 = arith.index_cast %parallel_loop3A_492 : i32 to index
        %parallel_loop3A_494 = arith.constant 96 : index
        %parallel_loop3A_495 = tpu.vector_load %arg12[%parallel_loop3A_493, %parallel_loop3A_494] {strides = array<i32>} : memref<200x128xf32, #tpu.memory_space<vmem>>, vector<16xf32>,
        tpu.vector_store %arg12[%parallel_loop3A_493, %parallel_loop3A_494], %parallel_loop3A_490 {strides = array<i32>} : memref<200x128xf32, #tpu.memory_space<vmem>>, vector<16xf32>,
        %parallel_loop3A_496 = vector.broadcast %parallel_loop3A_401 : f32 to vector<16xf32>
        %parallel_loop3A_497 = arith.subf %parallel_loop3A_367, %parallel_loop3A_496 : vector<16xf32>
        %parallel_loop3A_498 = arith.mulf %parallel_loop3A_425, %parallel_loop3A_287 : vector<16xf32>
        %parallel_loop3A_499 = arith.mulf %parallel_loop3A_497, %parallel_loop3A_498 : vector<16xf32>
        %parallel_loop3A_500 = arith.addf %parallel_loop3A_499, %parallel_loop3A_295 : vector<16xf32>
        %parallel_loop3A_501 = arith.constant 0 : i32
        %parallel_loop3A_502 = arith.addi %parallel_loop3A_501, %parallel_loop3A_279 : i32
        %parallel_loop3A_503 = arith.index_cast %parallel_loop3A_502 : i32 to index
        %parallel_loop3A_504 = arith.constant 112 : index
        %parallel_loop3A_505 = tpu.vector_load %arg12[%parallel_loop3A_503, %parallel_loop3A_504] {strides = array<i32>} : memref<200x128xf32, #tpu.memory_space<vmem>>, vector<16xf32>,
        tpu.vector_store %arg12[%parallel_loop3A_503, %parallel_loop3A_504], %parallel_loop3A_500 {strides = array<i32>} : memref<200x128xf32, #tpu.memory_space<vmem>>, vector<16xf32>,
        scf.yield %parallel_loop3A_280, %parallel_loop3A_281, %parallel_loop3A_282, %parallel_loop3A_283, %parallel_loop3A_284, %parallel_loop3A_285, %parallel_loop3A_286, %parallel_loop3A_287, %parallel_loop3A_288, %parallel_loop3A_289, %parallel_loop3A_290, %parallel_loop3A_291, %parallel_loop3A_292, %parallel_loop3A_293, %parallel_loop3A_294, %parallel_loop3A_295 : vector<16xf32>, vector<16xf32>, vector<16xf32>, vector<16xf32>, vector<16xf32>, vector<16xf32>, vector<16xf32>, vector<16xf32>, vector<16xf32>, vector<16xf32>, vector<16xf32>, vector<16xf32>, vector<16xf32>, vector<16xf32>, vector<16xf32>, vector<16xf32>
      } {sc.loop_unroll_factor = 1 : i64, sc.parallel_access}
      %add3A_97 = arith.constant 1 : i32
      %add3A_98 = arith.addi %add3A_51, %add3A_97 : i32
      %dma_start3A_99 = arith.constant 0 : i32
      %dma_start3A_100 = arith.constant 0 : i32
      %dma_start3A_101 = tpu.memref_slice %arg9[%add3A_98, %dma_start3A_99, %dma_start3A_100] : memref<32x2x100xi32, #tpu.memory_space<vmem>> -> memref<1x1x100xi32, #tpu.memory_space<vmem>>
      %dma_start3A_102 = tpu.memref_squeeze %dma_start3A_101 : memref<1x1x100xi32, #tpu.memory_space<vmem>> -> memref<100xi32, #tpu.memory_space<vmem>>
      %dma_start3A_103 = arith.constant 0 : i32
      %dma_start3A_104 = arith.constant 0 : i32
      %dma_start3A_105 = tpu.memref_slice %arg3[%dma_start3A_103, %dma_start3A_104] : memref<100000x128xf32, #tpu.memory_space<hbm>> -> memref<100000x128xf32, #tpu.memory_space<hbm>>
      tpu.enqueue_indirect_dma source(%dma_start3A_105 : memref<100000x128xf32, #tpu.memory_space<hbm>>) target(%arg10 : memref<100x128xf32, #tpu.memory_space<vmem>>) offsets(%dma_start3A_102 : memref<100xi32, #tpu.memory_space<vmem>>) semaphore(%arg18 : memref<!tpu.dma_semaphore, #tpu.memory_space<semaphore_mem>>)
      %dma_wait3A_106 = arith.constant 1 : i32
      %dma_wait3A_107 = arith.constant 0 : i32
      %dma_wait3A_108 = tpu.memref_slice %arg9[%add3A_51, %dma_wait3A_106, %dma_wait3A_107] : memref<32x2x100xi32, #tpu.memory_space<vmem>> -> memref<1x1x100xi32, #tpu.memory_space<vmem>>
      %dma_wait3A_109 = tpu.memref_squeeze %dma_wait3A_108 : memref<1x1x100xi32, #tpu.memory_space<vmem>> -> memref<100xi32, #tpu.memory_space<vmem>>
      %dma_wait3A_110 = arith.constant 0 : i32
      %dma_wait3A_111 = arith.constant 0 : i32
      %dma_wait3A_112 = tpu.memref_slice %arg3[%dma_wait3A_110, %dma_wait3A_111] : memref<100000x128xf32, #tpu.memory_space<hbm>> -> memref<100000x128xf32, #tpu.memory_space<hbm>>
      tpu.wait_indirect_dma semaphore(%arg19 : memref<!tpu.dma_semaphore, #tpu.memory_space<semaphore_mem>>) src(%dma_wait3A_112 : memref<100000x128xf32, #tpu.memory_space<hbm>>) dst(%arg11 : memref<100x128xf32, #tpu.memory_space<vmem>>)
      %get3A_113 = arith.constant 0 : index
      %get3A_114 = tpu.vector_load %arg16[%get3A_113] {strides = array<i32>} : memref<128xf32, #tpu.memory_space<vmem>>, vector<16xf32>,
      %get3A_115 = arith.constant 16 : index
      %get3A_116 = tpu.vector_load %arg16[%get3A_115] {strides = array<i32>} : memref<128xf32, #tpu.memory_space<vmem>>, vector<16xf32>,
      %get3A_117 = arith.constant 32 : index
      %get3A_118 = tpu.vector_load %arg16[%get3A_117] {strides = array<i32>} : memref<128xf32, #tpu.memory_space<vmem>>, vector<16xf32>,
      %get3A_119 = arith.constant 48 : index
      %get3A_120 = tpu.vector_load %arg16[%get3A_119] {strides = array<i32>} : memref<128xf32, #tpu.memory_space<vmem>>, vector<16xf32>,
      %get3A_121 = arith.constant 64 : index
      %get3A_122 = tpu.vector_load %arg16[%get3A_121] {strides = array<i32>} : memref<128xf32, #tpu.memory_space<vmem>>, vector<16xf32>,
      %get3A_123 = arith.constant 80 : index
      %get3A_124 = tpu.vector_load %arg16[%get3A_123] {strides = array<i32>} : memref<128xf32, #tpu.memory_space<vmem>>, vector<16xf32>,
      %get3A_125 = arith.constant 96 : index
      %get3A_126 = tpu.vector_load %arg16[%get3A_125] {strides = array<i32>} : memref<128xf32, #tpu.memory_space<vmem>>, vector<16xf32>,
      %get3A_127 = arith.constant 112 : index
      %get3A_128 = tpu.vector_load %arg16[%get3A_127] {strides = array<i32>} : memref<128xf32, #tpu.memory_space<vmem>>, vector<16xf32>,
      %get3A_129 = arith.constant 0 : index
      %get3A_130 = tpu.vector_load %arg17[%get3A_129] {strides = array<i32>} : memref<128xf32, #tpu.memory_space<vmem>>, vector<16xf32>,
      %get3A_131 = arith.constant 16 : index
      %get3A_132 = tpu.vector_load %arg17[%get3A_131] {strides = array<i32>} : memref<128xf32, #tpu.memory_space<vmem>>, vector<16xf32>,
      %get3A_133 = arith.constant 32 : index
      %get3A_134 = tpu.vector_load %arg17[%get3A_133] {strides = array<i32>} : memref<128xf32, #tpu.memory_space<vmem>>, vector<16xf32>,
      %get3A_135 = arith.constant 48 : index
      %get3A_136 = tpu.vector_load %arg17[%get3A_135] {strides = array<i32>} : memref<128xf32, #tpu.memory_space<vmem>>, vector<16xf32>,
      %get3A_137 = arith.constant 64 : index
      %get3A_138 = tpu.vector_load %arg17[%get3A_137] {strides = array<i32>} : memref<128xf32, #tpu.memory_space<vmem>>, vector<16xf32>,
      %get3A_139 = arith.constant 80 : index
      %get3A_140 = tpu.vector_load %arg17[%get3A_139] {strides = array<i32>} : memref<128xf32, #tpu.memory_space<vmem>>, vector<16xf32>,
      %get3A_141 = arith.constant 96 : index
      %get3A_142 = tpu.vector_load %arg17[%get3A_141] {strides = array<i32>} : memref<128xf32, #tpu.memory_space<vmem>>, vector<16xf32>,
      %get3A_143 = arith.constant 112 : index
      %get3A_144 = tpu.vector_load %arg17[%get3A_143] {strides = array<i32>} : memref<128xf32, #tpu.memory_space<vmem>>, vector<16xf32>,
      %parallel_loop3A_145 = arith.constant 0 : i32
      %parallel_loop3A_146 = arith.constant 100 : i32
      %parallel_loop3A_147 = arith.constant 1 : i32
      %parallel_loop3A_148:16 = scf.for %parallel_loop3A_279 = %parallel_loop3A_145 to %parallel_loop3A_146 step %parallel_loop3A_147 iter_args(%parallel_loop3A_280 = %get3A_114, %parallel_loop3A_281 = %get3A_116, %parallel_loop3A_282 = %get3A_118, %parallel_loop3A_283 = %get3A_120, %parallel_loop3A_284 = %get3A_122, %parallel_loop3A_285 = %get3A_124, %parallel_loop3A_286 = %get3A_126, %parallel_loop3A_287 = %get3A_128, %parallel_loop3A_288 = %get3A_130, %parallel_loop3A_289 = %get3A_132, %parallel_loop3A_290 = %get3A_134, %parallel_loop3A_291 = %get3A_136, %parallel_loop3A_292 = %get3A_138, %parallel_loop3A_293 = %get3A_140, %parallel_loop3A_294 = %get3A_142, %parallel_loop3A_295 = %get3A_144) -> (vector<16xf32>, vector<16xf32>, vector<16xf32>, vector<16xf32>, vector<16xf32>, vector<16xf32>, vector<16xf32>, vector<16xf32>, vector<16xf32>, vector<16xf32>, vector<16xf32>, vector<16xf32>, vector<16xf32>, vector<16xf32>, vector<16xf32>, vector<16xf32>)  : i32 {
        %parallel_loop3A_296 = arith.index_cast %parallel_loop3A_279 : i32 to index
        %parallel_loop3A_297 = arith.constant 0 : index
        %parallel_loop3A_298 = tpu.vector_load %arg11[%parallel_loop3A_296, %parallel_loop3A_297] {strides = array<i32>} : memref<100x128xf32, #tpu.memory_space<vmem>>, vector<16xf32>,
        %parallel_loop3A_299 = arith.constant 100 : i32
        %parallel_loop3A_300 = arith.addi %parallel_loop3A_299, %parallel_loop3A_279 : i32
        %parallel_loop3A_301 = arith.index_cast %parallel_loop3A_300 : i32 to index
        %parallel_loop3A_302 = arith.constant 0 : index
        %parallel_loop3A_303 = tpu.vector_load %arg14[%parallel_loop3A_301, %parallel_loop3A_302] {strides = array<i32>} : memref<200x128xf32, #tpu.memory_space<vmem>>, vector<16xf32>,
        %parallel_loop3A_304 = arith.addf %parallel_loop3A_298, %parallel_loop3A_303 : vector<16xf32>
        %parallel_loop3A_305 = arith.index_cast %parallel_loop3A_279 : i32 to index
        %parallel_loop3A_306 = arith.constant 16 : index
        %parallel_loop3A_307 = tpu.vector_load %arg11[%parallel_loop3A_305, %parallel_loop3A_306] {strides = array<i32>} : memref<100x128xf32, #tpu.memory_space<vmem>>, vector<16xf32>,
        %parallel_loop3A_308 = arith.constant 100 : i32
        %parallel_loop3A_309 = arith.addi %parallel_loop3A_308, %parallel_loop3A_279 : i32
        %parallel_loop3A_310 = arith.index_cast %parallel_loop3A_309 : i32 to index
        %parallel_loop3A_311 = arith.constant 16 : index
        %parallel_loop3A_312 = tpu.vector_load %arg14[%parallel_loop3A_310, %parallel_loop3A_311] {strides = array<i32>} : memref<200x128xf32, #tpu.memory_space<vmem>>, vector<16xf32>,
        %parallel_loop3A_313 = arith.addf %parallel_loop3A_307, %parallel_loop3A_312 : vector<16xf32>
        %parallel_loop3A_314 = arith.index_cast %parallel_loop3A_279 : i32 to index
        %parallel_loop3A_315 = arith.constant 32 : index
        %parallel_loop3A_316 = tpu.vector_load %arg11[%parallel_loop3A_314, %parallel_loop3A_315] {strides = array<i32>} : memref<100x128xf32, #tpu.memory_space<vmem>>, vector<16xf32>,
        %parallel_loop3A_317 = arith.constant 100 : i32
        %parallel_loop3A_318 = arith.addi %parallel_loop3A_317, %parallel_loop3A_279 : i32
        %parallel_loop3A_319 = arith.index_cast %parallel_loop3A_318 : i32 to index
        %parallel_loop3A_320 = arith.constant 32 : index
        %parallel_loop3A_321 = tpu.vector_load %arg14[%parallel_loop3A_319, %parallel_loop3A_320] {strides = array<i32>} : memref<200x128xf32, #tpu.memory_space<vmem>>, vector<16xf32>,
        %parallel_loop3A_322 = arith.addf %parallel_loop3A_316, %parallel_loop3A_321 : vector<16xf32>
        %parallel_loop3A_323 = arith.index_cast %parallel_loop3A_279 : i32 to index
        %parallel_loop3A_324 = arith.constant 48 : index
        %parallel_loop3A_325 = tpu.vector_load %arg11[%parallel_loop3A_323, %parallel_loop3A_324] {strides = array<i32>} : memref<100x128xf32, #tpu.memory_space<vmem>>, vector<16xf32>,
        %parallel_loop3A_326 = arith.constant 100 : i32
        %parallel_loop3A_327 = arith.addi %parallel_loop3A_326, %parallel_loop3A_279 : i32
        %parallel_loop3A_328 = arith.index_cast %parallel_loop3A_327 : i32 to index
        %parallel_loop3A_329 = arith.constant 48 : index
        %parallel_loop3A_330 = tpu.vector_load %arg14[%parallel_loop3A_328, %parallel_loop3A_329] {strides = array<i32>} : memref<200x128xf32, #tpu.memory_space<vmem>>, vector<16xf32>,
        %parallel_loop3A_331 = arith.addf %parallel_loop3A_325, %parallel_loop3A_330 : vector<16xf32>
        %parallel_loop3A_332 = arith.index_cast %parallel_loop3A_279 : i32 to index
        %parallel_loop3A_333 = arith.constant 64 : index
        %parallel_loop3A_334 = tpu.vector_load %arg11[%parallel_loop3A_332, %parallel_loop3A_333] {strides = array<i32>} : memref<100x128xf32, #tpu.memory_space<vmem>>, vector<16xf32>,
        %parallel_loop3A_335 = arith.constant 100 : i32
        %parallel_loop3A_336 = arith.addi %parallel_loop3A_335, %parallel_loop3A_279 : i32
        %parallel_loop3A_337 = arith.index_cast %parallel_loop3A_336 : i32 to index
        %parallel_loop3A_338 = arith.constant 64 : index
        %parallel_loop3A_339 = tpu.vector_load %arg14[%parallel_loop3A_337, %parallel_loop3A_338] {strides = array<i32>} : memref<200x128xf32, #tpu.memory_space<vmem>>, vector<16xf32>,
        %parallel_loop3A_340 = arith.addf %parallel_loop3A_334, %parallel_loop3A_339 : vector<16xf32>
        %parallel_loop3A_341 = arith.index_cast %parallel_loop3A_279 : i32 to index
        %parallel_loop3A_342 = arith.constant 80 : index
        %parallel_loop3A_343 = tpu.vector_load %arg11[%parallel_loop3A_341, %parallel_loop3A_342] {strides = array<i32>} : memref<100x128xf32, #tpu.memory_space<vmem>>, vector<16xf32>,
        %parallel_loop3A_344 = arith.constant 100 : i32
        %parallel_loop3A_345 = arith.addi %parallel_loop3A_344, %parallel_loop3A_279 : i32
        %parallel_loop3A_346 = arith.index_cast %parallel_loop3A_345 : i32 to index
        %parallel_loop3A_347 = arith.constant 80 : index
        %parallel_loop3A_348 = tpu.vector_load %arg14[%parallel_loop3A_346, %parallel_loop3A_347] {strides = array<i32>} : memref<200x128xf32, #tpu.memory_space<vmem>>, vector<16xf32>,
        %parallel_loop3A_349 = arith.addf %parallel_loop3A_343, %parallel_loop3A_348 : vector<16xf32>
        %parallel_loop3A_350 = arith.index_cast %parallel_loop3A_279 : i32 to index
        %parallel_loop3A_351 = arith.constant 96 : index
        %parallel_loop3A_352 = tpu.vector_load %arg11[%parallel_loop3A_350, %parallel_loop3A_351] {strides = array<i32>} : memref<100x128xf32, #tpu.memory_space<vmem>>, vector<16xf32>,
        %parallel_loop3A_353 = arith.constant 100 : i32
        %parallel_loop3A_354 = arith.addi %parallel_loop3A_353, %parallel_loop3A_279 : i32
        %parallel_loop3A_355 = arith.index_cast %parallel_loop3A_354 : i32 to index
        %parallel_loop3A_356 = arith.constant 96 : index
        %parallel_loop3A_357 = tpu.vector_load %arg14[%parallel_loop3A_355, %parallel_loop3A_356] {strides = array<i32>} : memref<200x128xf32, #tpu.memory_space<vmem>>, vector<16xf32>,
        %parallel_loop3A_358 = arith.addf %parallel_loop3A_352, %parallel_loop3A_357 : vector<16xf32>
        %parallel_loop3A_359 = arith.index_cast %parallel_loop3A_279 : i32 to index
        %parallel_loop3A_360 = arith.constant 112 : index
        %parallel_loop3A_361 = tpu.vector_load %arg11[%parallel_loop3A_359, %parallel_loop3A_360] {strides = array<i32>} : memref<100x128xf32, #tpu.memory_space<vmem>>, vector<16xf32>,
        %parallel_loop3A_362 = arith.constant 100 : i32
        %parallel_loop3A_363 = arith.addi %parallel_loop3A_362, %parallel_loop3A_279 : i32
        %parallel_loop3A_364 = arith.index_cast %parallel_loop3A_363 : i32 to index
        %parallel_loop3A_365 = arith.constant 112 : index
        %parallel_loop3A_366 = tpu.vector_load %arg14[%parallel_loop3A_364, %parallel_loop3A_365] {strides = array<i32>} : memref<200x128xf32, #tpu.memory_space<vmem>>, vector<16xf32>,
        %parallel_loop3A_367 = arith.addf %parallel_loop3A_361, %parallel_loop3A_366 : vector<16xf32>
        %parallel_loop3A_368 = arith.addf %parallel_loop3A_304, %parallel_loop3A_313 : vector<16xf32>
        %parallel_loop3A_369 = arith.addf %parallel_loop3A_322, %parallel_loop3A_331 : vector<16xf32>
        %parallel_loop3A_370 = arith.addf %parallel_loop3A_368, %parallel_loop3A_369 : vector<16xf32>
        %parallel_loop3A_371 = arith.addf %parallel_loop3A_340, %parallel_loop3A_349 : vector<16xf32>
        %parallel_loop3A_372 = arith.addf %parallel_loop3A_358, %parallel_loop3A_367 : vector<16xf32>
        %parallel_loop3A_373 = arith.addf %parallel_loop3A_371, %parallel_loop3A_372 : vector<16xf32>
        %parallel_loop3A_374 = arith.addf %parallel_loop3A_370, %parallel_loop3A_373 : vector<16xf32>
        %parallel_loop3A_375 = arith.constant true
        %parallel_loop3A_376 = vector.broadcast %parallel_loop3A_375 : i1 to vector<16xi1>
        %parallel_loop3A_377 = tpu.scan <sum>, %parallel_loop3A_374 masked %parallel_loop3A_376 : vector<16xf32>, vector<16xi1> -> vector<16xf32>
        %parallel_loop3A_378 = vector.extract_strided_slice %parallel_loop3A_377 {offsets = [15], sizes = [1], strides = [1]} : vector<16xf32> to vector<1xf32>
        %parallel_loop3A_379 = vector.extract %parallel_loop3A_378[0] : f32 from vector<1xf32>
        %parallel_loop3A_380 = arith.mulf %parallel_loop3A_304, %parallel_loop3A_304 : vector<16xf32>
        %parallel_loop3A_381 = arith.mulf %parallel_loop3A_313, %parallel_loop3A_313 : vector<16xf32>
        %parallel_loop3A_382 = arith.mulf %parallel_loop3A_322, %parallel_loop3A_322 : vector<16xf32>
        %parallel_loop3A_383 = arith.mulf %parallel_loop3A_331, %parallel_loop3A_331 : vector<16xf32>
        %parallel_loop3A_384 = arith.mulf %parallel_loop3A_340, %parallel_loop3A_340 : vector<16xf32>
        %parallel_loop3A_385 = arith.mulf %parallel_loop3A_349, %parallel_loop3A_349 : vector<16xf32>
        %parallel_loop3A_386 = arith.mulf %parallel_loop3A_358, %parallel_loop3A_358 : vector<16xf32>
        %parallel_loop3A_387 = arith.mulf %parallel_loop3A_367, %parallel_loop3A_367 : vector<16xf32>
        %parallel_loop3A_388 = arith.addf %parallel_loop3A_380, %parallel_loop3A_381 : vector<16xf32>
        %parallel_loop3A_389 = arith.addf %parallel_loop3A_382, %parallel_loop3A_383 : vector<16xf32>
        %parallel_loop3A_390 = arith.addf %parallel_loop3A_388, %parallel_loop3A_389 : vector<16xf32>
        %parallel_loop3A_391 = arith.addf %parallel_loop3A_384, %parallel_loop3A_385 : vector<16xf32>
        %parallel_loop3A_392 = arith.addf %parallel_loop3A_386, %parallel_loop3A_387 : vector<16xf32>
        %parallel_loop3A_393 = arith.addf %parallel_loop3A_391, %parallel_loop3A_392 : vector<16xf32>
        %parallel_loop3A_394 = arith.addf %parallel_loop3A_390, %parallel_loop3A_393 : vector<16xf32>
        %parallel_loop3A_395 = arith.constant true
        %parallel_loop3A_396 = vector.broadcast %parallel_loop3A_395 : i1 to vector<16xi1>
        %parallel_loop3A_397 = tpu.scan <sum>, %parallel_loop3A_394 masked %parallel_loop3A_396 : vector<16xf32>, vector<16xi1> -> vector<16xf32>
        %parallel_loop3A_398 = vector.extract_strided_slice %parallel_loop3A_397 {offsets = [15], sizes = [1], strides = [1]} : vector<16xf32> to vector<1xf32>
        %parallel_loop3A_399 = vector.extract %parallel_loop3A_398[0] : f32 from vector<1xf32>
        %parallel_loop3A_400 = arith.constant 7.812500e-03 : f32
        %parallel_loop3A_401 = arith.mulf %parallel_loop3A_379, %parallel_loop3A_400 : f32
        %parallel_loop3A_402 = arith.constant 7.812500e-03 : f32
        %parallel_loop3A_403 = arith.mulf %parallel_loop3A_399, %parallel_loop3A_402 : f32
        %parallel_loop3A_404 = arith.mulf %parallel_loop3A_401, %parallel_loop3A_401 : f32
        %parallel_loop3A_405 = arith.subf %parallel_loop3A_403, %parallel_loop3A_404 : f32
        %parallel_loop3A_406 = arith.constant 9.99999996E-13 : f32
        %parallel_loop3A_407 = arith.addf %parallel_loop3A_405, %parallel_loop3A_406 : f32
        %parallel_loop3A_408 = vector.broadcast %parallel_loop3A_407 : f32 to vector<16xf32>
        %parallel_loop3A_409 = vector.bitcast %parallel_loop3A_408 : vector<16xf32> to vector<16xi32>
        %parallel_loop3A_410 = arith.constant 1 : i32
        %parallel_loop3A_411 = vector.broadcast %parallel_loop3A_410 : i32 to vector<16xi32>
        %parallel_loop3A_412 = arith.shrui %parallel_loop3A_409, %parallel_loop3A_411 : vector<16xi32>
        %parallel_loop3A_413 = arith.constant 1597463007 : i32
        %parallel_loop3A_414 = vector.broadcast %parallel_loop3A_413 : i32 to vector<16xi32>
        %parallel_loop3A_415 = arith.subi %parallel_loop3A_414, %parallel_loop3A_412 : vector<16xi32>
        %parallel_loop3A_416 = vector.bitcast %parallel_loop3A_415 : vector<16xi32> to vector<16xf32>
        %parallel_loop3A_417 = arith.constant 5.000000e-01 : f32
        %parallel_loop3A_418 = vector.broadcast %parallel_loop3A_417 : f32 to vector<16xf32>
        %parallel_loop3A_419 = arith.mulf %parallel_loop3A_418, %parallel_loop3A_408 : vector<16xf32>
        %parallel_loop3A_420 = arith.mulf %parallel_loop3A_419, %parallel_loop3A_416 : vector<16xf32>
        %parallel_loop3A_421 = arith.mulf %parallel_loop3A_420, %parallel_loop3A_416 : vector<16xf32>
        %parallel_loop3A_422 = arith.constant 1.500000e+00 : f32
        %parallel_loop3A_423 = vector.broadcast %parallel_loop3A_422 : f32 to vector<16xf32>
        %parallel_loop3A_424 = arith.subf %parallel_loop3A_423, %parallel_loop3A_421 : vector<16xf32>
        %parallel_loop3A_425 = arith.mulf %parallel_loop3A_416, %parallel_loop3A_424 : vector<16xf32>
        %parallel_loop3A_426 = vector.broadcast %parallel_loop3A_401 : f32 to vector<16xf32>
        %parallel_loop3A_427 = arith.subf %parallel_loop3A_304, %parallel_loop3A_426 : vector<16xf32>
        %parallel_loop3A_428 = arith.mulf %parallel_loop3A_425, %parallel_loop3A_280 : vector<16xf32>
        %parallel_loop3A_429 = arith.mulf %parallel_loop3A_427, %parallel_loop3A_428 : vector<16xf32>
        %parallel_loop3A_430 = arith.addf %parallel_loop3A_429, %parallel_loop3A_288 : vector<16xf32>
        %parallel_loop3A_431 = arith.constant 100 : i32
        %parallel_loop3A_432 = arith.addi %parallel_loop3A_431, %parallel_loop3A_279 : i32
        %parallel_loop3A_433 = arith.index_cast %parallel_loop3A_432 : i32 to index
        %parallel_loop3A_434 = arith.constant 0 : index
        %parallel_loop3A_435 = tpu.vector_load %arg12[%parallel_loop3A_433, %parallel_loop3A_434] {strides = array<i32>} : memref<200x128xf32, #tpu.memory_space<vmem>>, vector<16xf32>,
        tpu.vector_store %arg12[%parallel_loop3A_433, %parallel_loop3A_434], %parallel_loop3A_430 {strides = array<i32>} : memref<200x128xf32, #tpu.memory_space<vmem>>, vector<16xf32>,
        %parallel_loop3A_436 = vector.broadcast %parallel_loop3A_401 : f32 to vector<16xf32>
        %parallel_loop3A_437 = arith.subf %parallel_loop3A_313, %parallel_loop3A_436 : vector<16xf32>
        %parallel_loop3A_438 = arith.mulf %parallel_loop3A_425, %parallel_loop3A_281 : vector<16xf32>
        %parallel_loop3A_439 = arith.mulf %parallel_loop3A_437, %parallel_loop3A_438 : vector<16xf32>
        %parallel_loop3A_440 = arith.addf %parallel_loop3A_439, %parallel_loop3A_289 : vector<16xf32>
        %parallel_loop3A_441 = arith.constant 100 : i32
        %parallel_loop3A_442 = arith.addi %parallel_loop3A_441, %parallel_loop3A_279 : i32
        %parallel_loop3A_443 = arith.index_cast %parallel_loop3A_442 : i32 to index
        %parallel_loop3A_444 = arith.constant 16 : index
        %parallel_loop3A_445 = tpu.vector_load %arg12[%parallel_loop3A_443, %parallel_loop3A_444] {strides = array<i32>} : memref<200x128xf32, #tpu.memory_space<vmem>>, vector<16xf32>,
        tpu.vector_store %arg12[%parallel_loop3A_443, %parallel_loop3A_444], %parallel_loop3A_440 {strides = array<i32>} : memref<200x128xf32, #tpu.memory_space<vmem>>, vector<16xf32>,
        %parallel_loop3A_446 = vector.broadcast %parallel_loop3A_401 : f32 to vector<16xf32>
        %parallel_loop3A_447 = arith.subf %parallel_loop3A_322, %parallel_loop3A_446 : vector<16xf32>
        %parallel_loop3A_448 = arith.mulf %parallel_loop3A_425, %parallel_loop3A_282 : vector<16xf32>
        %parallel_loop3A_449 = arith.mulf %parallel_loop3A_447, %parallel_loop3A_448 : vector<16xf32>
        %parallel_loop3A_450 = arith.addf %parallel_loop3A_449, %parallel_loop3A_290 : vector<16xf32>
        %parallel_loop3A_451 = arith.constant 100 : i32
        %parallel_loop3A_452 = arith.addi %parallel_loop3A_451, %parallel_loop3A_279 : i32
        %parallel_loop3A_453 = arith.index_cast %parallel_loop3A_452 : i32 to index
        %parallel_loop3A_454 = arith.constant 32 : index
        %parallel_loop3A_455 = tpu.vector_load %arg12[%parallel_loop3A_453, %parallel_loop3A_454] {strides = array<i32>} : memref<200x128xf32, #tpu.memory_space<vmem>>, vector<16xf32>,
        tpu.vector_store %arg12[%parallel_loop3A_453, %parallel_loop3A_454], %parallel_loop3A_450 {strides = array<i32>} : memref<200x128xf32, #tpu.memory_space<vmem>>, vector<16xf32>,
        %parallel_loop3A_456 = vector.broadcast %parallel_loop3A_401 : f32 to vector<16xf32>
        %parallel_loop3A_457 = arith.subf %parallel_loop3A_331, %parallel_loop3A_456 : vector<16xf32>
        %parallel_loop3A_458 = arith.mulf %parallel_loop3A_425, %parallel_loop3A_283 : vector<16xf32>
        %parallel_loop3A_459 = arith.mulf %parallel_loop3A_457, %parallel_loop3A_458 : vector<16xf32>
        %parallel_loop3A_460 = arith.addf %parallel_loop3A_459, %parallel_loop3A_291 : vector<16xf32>
        %parallel_loop3A_461 = arith.constant 100 : i32
        %parallel_loop3A_462 = arith.addi %parallel_loop3A_461, %parallel_loop3A_279 : i32
        %parallel_loop3A_463 = arith.index_cast %parallel_loop3A_462 : i32 to index
        %parallel_loop3A_464 = arith.constant 48 : index
        %parallel_loop3A_465 = tpu.vector_load %arg12[%parallel_loop3A_463, %parallel_loop3A_464] {strides = array<i32>} : memref<200x128xf32, #tpu.memory_space<vmem>>, vector<16xf32>,
        tpu.vector_store %arg12[%parallel_loop3A_463, %parallel_loop3A_464], %parallel_loop3A_460 {strides = array<i32>} : memref<200x128xf32, #tpu.memory_space<vmem>>, vector<16xf32>,
        %parallel_loop3A_466 = vector.broadcast %parallel_loop3A_401 : f32 to vector<16xf32>
        %parallel_loop3A_467 = arith.subf %parallel_loop3A_340, %parallel_loop3A_466 : vector<16xf32>
        %parallel_loop3A_468 = arith.mulf %parallel_loop3A_425, %parallel_loop3A_284 : vector<16xf32>
        %parallel_loop3A_469 = arith.mulf %parallel_loop3A_467, %parallel_loop3A_468 : vector<16xf32>
        %parallel_loop3A_470 = arith.addf %parallel_loop3A_469, %parallel_loop3A_292 : vector<16xf32>
        %parallel_loop3A_471 = arith.constant 100 : i32
        %parallel_loop3A_472 = arith.addi %parallel_loop3A_471, %parallel_loop3A_279 : i32
        %parallel_loop3A_473 = arith.index_cast %parallel_loop3A_472 : i32 to index
        %parallel_loop3A_474 = arith.constant 64 : index
        %parallel_loop3A_475 = tpu.vector_load %arg12[%parallel_loop3A_473, %parallel_loop3A_474] {strides = array<i32>} : memref<200x128xf32, #tpu.memory_space<vmem>>, vector<16xf32>,
        tpu.vector_store %arg12[%parallel_loop3A_473, %parallel_loop3A_474], %parallel_loop3A_470 {strides = array<i32>} : memref<200x128xf32, #tpu.memory_space<vmem>>, vector<16xf32>,
        %parallel_loop3A_476 = vector.broadcast %parallel_loop3A_401 : f32 to vector<16xf32>
        %parallel_loop3A_477 = arith.subf %parallel_loop3A_349, %parallel_loop3A_476 : vector<16xf32>
        %parallel_loop3A_478 = arith.mulf %parallel_loop3A_425, %parallel_loop3A_285 : vector<16xf32>
        %parallel_loop3A_479 = arith.mulf %parallel_loop3A_477, %parallel_loop3A_478 : vector<16xf32>
        %parallel_loop3A_480 = arith.addf %parallel_loop3A_479, %parallel_loop3A_293 : vector<16xf32>
        %parallel_loop3A_481 = arith.constant 100 : i32
        %parallel_loop3A_482 = arith.addi %parallel_loop3A_481, %parallel_loop3A_279 : i32
        %parallel_loop3A_483 = arith.index_cast %parallel_loop3A_482 : i32 to index
        %parallel_loop3A_484 = arith.constant 80 : index
        %parallel_loop3A_485 = tpu.vector_load %arg12[%parallel_loop3A_483, %parallel_loop3A_484] {strides = array<i32>} : memref<200x128xf32, #tpu.memory_space<vmem>>, vector<16xf32>,
        tpu.vector_store %arg12[%parallel_loop3A_483, %parallel_loop3A_484], %parallel_loop3A_480 {strides = array<i32>} : memref<200x128xf32, #tpu.memory_space<vmem>>, vector<16xf32>,
        %parallel_loop3A_486 = vector.broadcast %parallel_loop3A_401 : f32 to vector<16xf32>
        %parallel_loop3A_487 = arith.subf %parallel_loop3A_358, %parallel_loop3A_486 : vector<16xf32>
        %parallel_loop3A_488 = arith.mulf %parallel_loop3A_425, %parallel_loop3A_286 : vector<16xf32>
        %parallel_loop3A_489 = arith.mulf %parallel_loop3A_487, %parallel_loop3A_488 : vector<16xf32>
        %parallel_loop3A_490 = arith.addf %parallel_loop3A_489, %parallel_loop3A_294 : vector<16xf32>
        %parallel_loop3A_491 = arith.constant 100 : i32
        %parallel_loop3A_492 = arith.addi %parallel_loop3A_491, %parallel_loop3A_279 : i32
        %parallel_loop3A_493 = arith.index_cast %parallel_loop3A_492 : i32 to index
        %parallel_loop3A_494 = arith.constant 96 : index
        %parallel_loop3A_495 = tpu.vector_load %arg12[%parallel_loop3A_493, %parallel_loop3A_494] {strides = array<i32>} : memref<200x128xf32, #tpu.memory_space<vmem>>, vector<16xf32>,
        tpu.vector_store %arg12[%parallel_loop3A_493, %parallel_loop3A_494], %parallel_loop3A_490 {strides = array<i32>} : memref<200x128xf32, #tpu.memory_space<vmem>>, vector<16xf32>,
        %parallel_loop3A_496 = vector.broadcast %parallel_loop3A_401 : f32 to vector<16xf32>
        %parallel_loop3A_497 = arith.subf %parallel_loop3A_367, %parallel_loop3A_496 : vector<16xf32>
        %parallel_loop3A_498 = arith.mulf %parallel_loop3A_425, %parallel_loop3A_287 : vector<16xf32>
        %parallel_loop3A_499 = arith.mulf %parallel_loop3A_497, %parallel_loop3A_498 : vector<16xf32>
        %parallel_loop3A_500 = arith.addf %parallel_loop3A_499, %parallel_loop3A_295 : vector<16xf32>
        %parallel_loop3A_501 = arith.constant 100 : i32
        %parallel_loop3A_502 = arith.addi %parallel_loop3A_501, %parallel_loop3A_279 : i32
        %parallel_loop3A_503 = arith.index_cast %parallel_loop3A_502 : i32 to index
        %parallel_loop3A_504 = arith.constant 112 : index
        %parallel_loop3A_505 = tpu.vector_load %arg12[%parallel_loop3A_503, %parallel_loop3A_504] {strides = array<i32>} : memref<200x128xf32, #tpu.memory_space<vmem>>, vector<16xf32>,
        tpu.vector_store %arg12[%parallel_loop3A_503, %parallel_loop3A_504], %parallel_loop3A_500 {strides = array<i32>} : memref<200x128xf32, #tpu.memory_space<vmem>>, vector<16xf32>,
        scf.yield %parallel_loop3A_280, %parallel_loop3A_281, %parallel_loop3A_282, %parallel_loop3A_283, %parallel_loop3A_284, %parallel_loop3A_285, %parallel_loop3A_286, %parallel_loop3A_287, %parallel_loop3A_288, %parallel_loop3A_289, %parallel_loop3A_290, %parallel_loop3A_291, %parallel_loop3A_292, %parallel_loop3A_293, %parallel_loop3A_294, %parallel_loop3A_295 : vector<16xf32>, vector<16xf32>, vector<16xf32>, vector<16xf32>, vector<16xf32>, vector<16xf32>, vector<16xf32>, vector<16xf32>, vector<16xf32>, vector<16xf32>, vector<16xf32>, vector<16xf32>, vector<16xf32>, vector<16xf32>, vector<16xf32>, vector<16xf32>
      } {sc.loop_unroll_factor = 1 : i64, sc.parallel_access}
      %add3A_149 = arith.constant 1 : i32
      %add3A_150 = arith.addi %add3A_51, %add3A_149 : i32
      %dma_start3A_151 = arith.constant 1 : i32
      %dma_start3A_152 = arith.constant 0 : i32
      %dma_start3A_153 = tpu.memref_slice %arg9[%add3A_150, %dma_start3A_151, %dma_start3A_152] : memref<32x2x100xi32, #tpu.memory_space<vmem>> -> memref<1x1x100xi32, #tpu.memory_space<vmem>>
      %dma_start3A_154 = tpu.memref_squeeze %dma_start3A_153 : memref<1x1x100xi32, #tpu.memory_space<vmem>> -> memref<100xi32, #tpu.memory_space<vmem>>
      %dma_start3A_155 = arith.constant 0 : i32
      %dma_start3A_156 = arith.constant 0 : i32
      %dma_start3A_157 = tpu.memref_slice %arg3[%dma_start3A_155, %dma_start3A_156] : memref<100000x128xf32, #tpu.memory_space<hbm>> -> memref<100000x128xf32, #tpu.memory_space<hbm>>
      tpu.enqueue_indirect_dma source(%dma_start3A_157 : memref<100000x128xf32, #tpu.memory_space<hbm>>) target(%arg11 : memref<100x128xf32, #tpu.memory_space<vmem>>) offsets(%dma_start3A_154 : memref<100xi32, #tpu.memory_space<vmem>>) semaphore(%arg19 : memref<!tpu.dma_semaphore, #tpu.memory_space<semaphore_mem>>)
      %dma_start3A_158 = arith.constant 0 : i32
      %dma_start3A_159 = arith.constant 0 : i32
      %dma_start3A_160 = tpu.memref_slice %arg8[%add3A_52, %dma_start3A_158, %dma_start3A_159] : memref<1024x200x128xf32, #tpu.memory_space<hbm>> -> memref<1x200x128xf32, #tpu.memory_space<hbm>>
      %dma_start3A_161 = tpu.memref_squeeze %dma_start3A_160 : memref<1x200x128xf32, #tpu.memory_space<hbm>> -> memref<200x128xf32, #tpu.memory_space<hbm>>
      %dma_start3A_162 = arith.constant 0 : i32
      %dma_start3A_163 = arith.constant 0 : i32
      %dma_start3A_164 = tpu.memref_slice %arg8[%add3A_52, %dma_start3A_162, %dma_start3A_163] : memref<1024x200x128xf32, #tpu.memory_space<hbm>> -> memref<1x200x128xf32, #tpu.memory_space<hbm>>
      %dma_start3A_165 = tpu.memref_squeeze %dma_start3A_164 : memref<1x200x128xf32, #tpu.memory_space<hbm>> -> memref<200x128xf32, #tpu.memory_space<hbm>>
      tpu.enqueue_dma source(%arg12 : memref<200x128xf32, #tpu.memory_space<vmem>>) target(%dma_start3A_165 : memref<200x128xf32, #tpu.memory_space<hbm>>) target_semaphore(%arg20 : memref<!tpu.dma_semaphore, #tpu.memory_space<semaphore_mem>>)
      %mul3A_166 = arith.constant 2 : i32
      %mul3A_167 = arith.muli %mul3A_166, %scan3A_47 : i32
      %add3A_168 = arith.constant 1 : i32
      %add3A_169 = arith.addi %mul3A_167, %add3A_168 : i32
      %add3A_170 = arith.addi %mul3A_2, %add3A_169 : i32
      %dma_wait3A_171 = arith.constant 0 : i32
      %dma_wait3A_172 = arith.constant 0 : i32
      %dma_wait3A_173 = tpu.memref_slice %arg9[%add3A_169, %dma_wait3A_171, %dma_wait3A_172] : memref<32x2x100xi32, #tpu.memory_space<vmem>> -> memref<1x1x100xi32, #tpu.memory_space<vmem>>
      %dma_wait3A_174 = tpu.memref_squeeze %dma_wait3A_173 : memref<1x1x100xi32, #tpu.memory_space<vmem>> -> memref<100xi32, #tpu.memory_space<vmem>>
      %dma_wait3A_175 = arith.constant 0 : i32
      %dma_wait3A_176 = arith.constant 0 : i32
      %dma_wait3A_177 = tpu.memref_slice %arg3[%dma_wait3A_175, %dma_wait3A_176] : memref<100000x128xf32, #tpu.memory_space<hbm>> -> memref<100000x128xf32, #tpu.memory_space<hbm>>
      tpu.wait_indirect_dma semaphore(%arg18 : memref<!tpu.dma_semaphore, #tpu.memory_space<semaphore_mem>>) src(%dma_wait3A_177 : memref<100000x128xf32, #tpu.memory_space<hbm>>) dst(%arg10 : memref<100x128xf32, #tpu.memory_space<vmem>>)
      %gt3A_178 = arith.constant 0 : i32
      %gt3A_179 = arith.cmpi sgt, %scan3A_47, %gt3A_178 : i32
      %convert_element_type3A_180 = arith.extui %gt3A_179 : i1 to i32
      %cond3A_181 = arith.constant 0 : i32
      %cond3A_182 = arith.cmpi ne, %convert_element_type3A_180, %cond3A_181 : i32
      scf.if %cond3A_182 {
        %dma_wait3A_279 = arith.constant 0 : i32
        %dma_wait3A_280 = arith.constant 0 : i32
        %dma_wait3A_281 = tpu.memref_slice %arg8[%add3A_170, %dma_wait3A_279, %dma_wait3A_280] : memref<1024x200x128xf32, #tpu.memory_space<hbm>> -> memref<1x200x128xf32, #tpu.memory_space<hbm>>
        %dma_wait3A_282 = tpu.memref_squeeze %dma_wait3A_281 : memref<1x200x128xf32, #tpu.memory_space<hbm>> -> memref<200x128xf32, #tpu.memory_space<hbm>>
        %dma_wait3A_283 = arith.constant 0 : i32
        %dma_wait3A_284 = arith.constant 0 : i32
        %dma_wait3A_285 = tpu.memref_slice %arg8[%add3A_170, %dma_wait3A_283, %dma_wait3A_284] : memref<1024x200x128xf32, #tpu.memory_space<hbm>> -> memref<1x200x128xf32, #tpu.memory_space<hbm>>
        %dma_wait3A_286 = tpu.memref_squeeze %dma_wait3A_285 : memref<1x200x128xf32, #tpu.memory_space<hbm>> -> memref<200x128xf32, #tpu.memory_space<hbm>>
        tpu.wait_dma2 semaphore(%arg21 : memref<!tpu.dma_semaphore, #tpu.memory_space<semaphore_mem>>) src(%arg13 : memref<200x128xf32, #tpu.memory_space<vmem>>) dst(%dma_wait3A_286 : memref<200x128xf32, #tpu.memory_space<hbm>>)
      } else {
      }
      %get3A_183 = arith.constant 0 : index
      %get3A_184 = tpu.vector_load %arg16[%get3A_183] {strides = array<i32>} : memref<128xf32, #tpu.memory_space<vmem>>, vector<16xf32>,
      %get3A_185 = arith.constant 16 : index
      %get3A_186 = tpu.vector_load %arg16[%get3A_185] {strides = array<i32>} : memref<128xf32, #tpu.memory_space<vmem>>, vector<16xf32>,
      %get3A_187 = arith.constant 32 : index
      %get3A_188 = tpu.vector_load %arg16[%get3A_187] {strides = array<i32>} : memref<128xf32, #tpu.memory_space<vmem>>, vector<16xf32>,
      %get3A_189 = arith.constant 48 : index
      %get3A_190 = tpu.vector_load %arg16[%get3A_189] {strides = array<i32>} : memref<128xf32, #tpu.memory_space<vmem>>, vector<16xf32>,
      %get3A_191 = arith.constant 64 : index
      %get3A_192 = tpu.vector_load %arg16[%get3A_191] {strides = array<i32>} : memref<128xf32, #tpu.memory_space<vmem>>, vector<16xf32>,
      %get3A_193 = arith.constant 80 : index
      %get3A_194 = tpu.vector_load %arg16[%get3A_193] {strides = array<i32>} : memref<128xf32, #tpu.memory_space<vmem>>, vector<16xf32>,
      %get3A_195 = arith.constant 96 : index
      %get3A_196 = tpu.vector_load %arg16[%get3A_195] {strides = array<i32>} : memref<128xf32, #tpu.memory_space<vmem>>, vector<16xf32>,
      %get3A_197 = arith.constant 112 : index
      %get3A_198 = tpu.vector_load %arg16[%get3A_197] {strides = array<i32>} : memref<128xf32, #tpu.memory_space<vmem>>, vector<16xf32>,
      %get3A_199 = arith.constant 0 : index
      %get3A_200 = tpu.vector_load %arg17[%get3A_199] {strides = array<i32>} : memref<128xf32, #tpu.memory_space<vmem>>, vector<16xf32>,
      %get3A_201 = arith.constant 16 : index
      %get3A_202 = tpu.vector_load %arg17[%get3A_201] {strides = array<i32>} : memref<128xf32, #tpu.memory_space<vmem>>, vector<16xf32>,
      %get3A_203 = arith.constant 32 : index
      %get3A_204 = tpu.vector_load %arg17[%get3A_203] {strides = array<i32>} : memref<128xf32, #tpu.memory_space<vmem>>, vector<16xf32>,
      %get3A_205 = arith.constant 48 : index
      %get3A_206 = tpu.vector_load %arg17[%get3A_205] {strides = array<i32>} : memref<128xf32, #tpu.memory_space<vmem>>, vector<16xf32>,
      %get3A_207 = arith.constant 64 : index
      %get3A_208 = tpu.vector_load %arg17[%get3A_207] {strides = array<i32>} : memref<128xf32, #tpu.memory_space<vmem>>, vector<16xf32>,
      %get3A_209 = arith.constant 80 : index
      %get3A_210 = tpu.vector_load %arg17[%get3A_209] {strides = array<i32>} : memref<128xf32, #tpu.memory_space<vmem>>, vector<16xf32>,
      %get3A_211 = arith.constant 96 : index
      %get3A_212 = tpu.vector_load %arg17[%get3A_211] {strides = array<i32>} : memref<128xf32, #tpu.memory_space<vmem>>, vector<16xf32>,
      %get3A_213 = arith.constant 112 : index
      %get3A_214 = tpu.vector_load %arg17[%get3A_213] {strides = array<i32>} : memref<128xf32, #tpu.memory_space<vmem>>, vector<16xf32>,
      %parallel_loop3A_215 = arith.constant 0 : i32
      %parallel_loop3A_216 = arith.constant 100 : i32
      %parallel_loop3A_217 = arith.constant 1 : i32
      %parallel_loop3A_218:16 = scf.for %parallel_loop3A_279 = %parallel_loop3A_215 to %parallel_loop3A_216 step %parallel_loop3A_217 iter_args(%parallel_loop3A_280 = %get3A_184, %parallel_loop3A_281 = %get3A_186, %parallel_loop3A_282 = %get3A_188, %parallel_loop3A_283 = %get3A_190, %parallel_loop3A_284 = %get3A_192, %parallel_loop3A_285 = %get3A_194, %parallel_loop3A_286 = %get3A_196, %parallel_loop3A_287 = %get3A_198, %parallel_loop3A_288 = %get3A_200, %parallel_loop3A_289 = %get3A_202, %parallel_loop3A_290 = %get3A_204, %parallel_loop3A_291 = %get3A_206, %parallel_loop3A_292 = %get3A_208, %parallel_loop3A_293 = %get3A_210, %parallel_loop3A_294 = %get3A_212, %parallel_loop3A_295 = %get3A_214) -> (vector<16xf32>, vector<16xf32>, vector<16xf32>, vector<16xf32>, vector<16xf32>, vector<16xf32>, vector<16xf32>, vector<16xf32>, vector<16xf32>, vector<16xf32>, vector<16xf32>, vector<16xf32>, vector<16xf32>, vector<16xf32>, vector<16xf32>, vector<16xf32>)  : i32 {
        %parallel_loop3A_296 = arith.index_cast %parallel_loop3A_279 : i32 to index
        %parallel_loop3A_297 = arith.constant 0 : index
        %parallel_loop3A_298 = tpu.vector_load %arg10[%parallel_loop3A_296, %parallel_loop3A_297] {strides = array<i32>} : memref<100x128xf32, #tpu.memory_space<vmem>>, vector<16xf32>,
        %parallel_loop3A_299 = arith.constant 0 : i32
        %parallel_loop3A_300 = arith.addi %parallel_loop3A_299, %parallel_loop3A_279 : i32
        %parallel_loop3A_301 = arith.index_cast %parallel_loop3A_300 : i32 to index
        %parallel_loop3A_302 = arith.constant 0 : index
        %parallel_loop3A_303 = tpu.vector_load %arg14[%parallel_loop3A_301, %parallel_loop3A_302] {strides = array<i32>} : memref<200x128xf32, #tpu.memory_space<vmem>>, vector<16xf32>,
        %parallel_loop3A_304 = arith.addf %parallel_loop3A_298, %parallel_loop3A_303 : vector<16xf32>
        %parallel_loop3A_305 = arith.index_cast %parallel_loop3A_279 : i32 to index
        %parallel_loop3A_306 = arith.constant 16 : index
        %parallel_loop3A_307 = tpu.vector_load %arg10[%parallel_loop3A_305, %parallel_loop3A_306] {strides = array<i32>} : memref<100x128xf32, #tpu.memory_space<vmem>>, vector<16xf32>,
        %parallel_loop3A_308 = arith.constant 0 : i32
        %parallel_loop3A_309 = arith.addi %parallel_loop3A_308, %parallel_loop3A_279 : i32
        %parallel_loop3A_310 = arith.index_cast %parallel_loop3A_309 : i32 to index
        %parallel_loop3A_311 = arith.constant 16 : index
        %parallel_loop3A_312 = tpu.vector_load %arg14[%parallel_loop3A_310, %parallel_loop3A_311] {strides = array<i32>} : memref<200x128xf32, #tpu.memory_space<vmem>>, vector<16xf32>,
        %parallel_loop3A_313 = arith.addf %parallel_loop3A_307, %parallel_loop3A_312 : vector<16xf32>
        %parallel_loop3A_314 = arith.index_cast %parallel_loop3A_279 : i32 to index
        %parallel_loop3A_315 = arith.constant 32 : index
        %parallel_loop3A_316 = tpu.vector_load %arg10[%parallel_loop3A_314, %parallel_loop3A_315] {strides = array<i32>} : memref<100x128xf32, #tpu.memory_space<vmem>>, vector<16xf32>,
        %parallel_loop3A_317 = arith.constant 0 : i32
        %parallel_loop3A_318 = arith.addi %parallel_loop3A_317, %parallel_loop3A_279 : i32
        %parallel_loop3A_319 = arith.index_cast %parallel_loop3A_318 : i32 to index
        %parallel_loop3A_320 = arith.constant 32 : index
        %parallel_loop3A_321 = tpu.vector_load %arg14[%parallel_loop3A_319, %parallel_loop3A_320] {strides = array<i32>} : memref<200x128xf32, #tpu.memory_space<vmem>>, vector<16xf32>,
        %parallel_loop3A_322 = arith.addf %parallel_loop3A_316, %parallel_loop3A_321 : vector<16xf32>
        %parallel_loop3A_323 = arith.index_cast %parallel_loop3A_279 : i32 to index
        %parallel_loop3A_324 = arith.constant 48 : index
        %parallel_loop3A_325 = tpu.vector_load %arg10[%parallel_loop3A_323, %parallel_loop3A_324] {strides = array<i32>} : memref<100x128xf32, #tpu.memory_space<vmem>>, vector<16xf32>,
        %parallel_loop3A_326 = arith.constant 0 : i32
        %parallel_loop3A_327 = arith.addi %parallel_loop3A_326, %parallel_loop3A_279 : i32
        %parallel_loop3A_328 = arith.index_cast %parallel_loop3A_327 : i32 to index
        %parallel_loop3A_329 = arith.constant 48 : index
        %parallel_loop3A_330 = tpu.vector_load %arg14[%parallel_loop3A_328, %parallel_loop3A_329] {strides = array<i32>} : memref<200x128xf32, #tpu.memory_space<vmem>>, vector<16xf32>,
        %parallel_loop3A_331 = arith.addf %parallel_loop3A_325, %parallel_loop3A_330 : vector<16xf32>
        %parallel_loop3A_332 = arith.index_cast %parallel_loop3A_279 : i32 to index
        %parallel_loop3A_333 = arith.constant 64 : index
        %parallel_loop3A_334 = tpu.vector_load %arg10[%parallel_loop3A_332, %parallel_loop3A_333] {strides = array<i32>} : memref<100x128xf32, #tpu.memory_space<vmem>>, vector<16xf32>,
        %parallel_loop3A_335 = arith.constant 0 : i32
        %parallel_loop3A_336 = arith.addi %parallel_loop3A_335, %parallel_loop3A_279 : i32
        %parallel_loop3A_337 = arith.index_cast %parallel_loop3A_336 : i32 to index
        %parallel_loop3A_338 = arith.constant 64 : index
        %parallel_loop3A_339 = tpu.vector_load %arg14[%parallel_loop3A_337, %parallel_loop3A_338] {strides = array<i32>} : memref<200x128xf32, #tpu.memory_space<vmem>>, vector<16xf32>,
        %parallel_loop3A_340 = arith.addf %parallel_loop3A_334, %parallel_loop3A_339 : vector<16xf32>
        %parallel_loop3A_341 = arith.index_cast %parallel_loop3A_279 : i32 to index
        %parallel_loop3A_342 = arith.constant 80 : index
        %parallel_loop3A_343 = tpu.vector_load %arg10[%parallel_loop3A_341, %parallel_loop3A_342] {strides = array<i32>} : memref<100x128xf32, #tpu.memory_space<vmem>>, vector<16xf32>,
        %parallel_loop3A_344 = arith.constant 0 : i32
        %parallel_loop3A_345 = arith.addi %parallel_loop3A_344, %parallel_loop3A_279 : i32
        %parallel_loop3A_346 = arith.index_cast %parallel_loop3A_345 : i32 to index
        %parallel_loop3A_347 = arith.constant 80 : index
        %parallel_loop3A_348 = tpu.vector_load %arg14[%parallel_loop3A_346, %parallel_loop3A_347] {strides = array<i32>} : memref<200x128xf32, #tpu.memory_space<vmem>>, vector<16xf32>,
        %parallel_loop3A_349 = arith.addf %parallel_loop3A_343, %parallel_loop3A_348 : vector<16xf32>
        %parallel_loop3A_350 = arith.index_cast %parallel_loop3A_279 : i32 to index
        %parallel_loop3A_351 = arith.constant 96 : index
        %parallel_loop3A_352 = tpu.vector_load %arg10[%parallel_loop3A_350, %parallel_loop3A_351] {strides = array<i32>} : memref<100x128xf32, #tpu.memory_space<vmem>>, vector<16xf32>,
        %parallel_loop3A_353 = arith.constant 0 : i32
        %parallel_loop3A_354 = arith.addi %parallel_loop3A_353, %parallel_loop3A_279 : i32
        %parallel_loop3A_355 = arith.index_cast %parallel_loop3A_354 : i32 to index
        %parallel_loop3A_356 = arith.constant 96 : index
        %parallel_loop3A_357 = tpu.vector_load %arg14[%parallel_loop3A_355, %parallel_loop3A_356] {strides = array<i32>} : memref<200x128xf32, #tpu.memory_space<vmem>>, vector<16xf32>,
        %parallel_loop3A_358 = arith.addf %parallel_loop3A_352, %parallel_loop3A_357 : vector<16xf32>
        %parallel_loop3A_359 = arith.index_cast %parallel_loop3A_279 : i32 to index
        %parallel_loop3A_360 = arith.constant 112 : index
        %parallel_loop3A_361 = tpu.vector_load %arg10[%parallel_loop3A_359, %parallel_loop3A_360] {strides = array<i32>} : memref<100x128xf32, #tpu.memory_space<vmem>>, vector<16xf32>,
        %parallel_loop3A_362 = arith.constant 0 : i32
        %parallel_loop3A_363 = arith.addi %parallel_loop3A_362, %parallel_loop3A_279 : i32
        %parallel_loop3A_364 = arith.index_cast %parallel_loop3A_363 : i32 to index
        %parallel_loop3A_365 = arith.constant 112 : index
        %parallel_loop3A_366 = tpu.vector_load %arg14[%parallel_loop3A_364, %parallel_loop3A_365] {strides = array<i32>} : memref<200x128xf32, #tpu.memory_space<vmem>>, vector<16xf32>,
        %parallel_loop3A_367 = arith.addf %parallel_loop3A_361, %parallel_loop3A_366 : vector<16xf32>
        %parallel_loop3A_368 = arith.addf %parallel_loop3A_304, %parallel_loop3A_313 : vector<16xf32>
        %parallel_loop3A_369 = arith.addf %parallel_loop3A_322, %parallel_loop3A_331 : vector<16xf32>
        %parallel_loop3A_370 = arith.addf %parallel_loop3A_368, %parallel_loop3A_369 : vector<16xf32>
        %parallel_loop3A_371 = arith.addf %parallel_loop3A_340, %parallel_loop3A_349 : vector<16xf32>
        %parallel_loop3A_372 = arith.addf %parallel_loop3A_358, %parallel_loop3A_367 : vector<16xf32>
        %parallel_loop3A_373 = arith.addf %parallel_loop3A_371, %parallel_loop3A_372 : vector<16xf32>
        %parallel_loop3A_374 = arith.addf %parallel_loop3A_370, %parallel_loop3A_373 : vector<16xf32>
        %parallel_loop3A_375 = arith.constant true
        %parallel_loop3A_376 = vector.broadcast %parallel_loop3A_375 : i1 to vector<16xi1>
        %parallel_loop3A_377 = tpu.scan <sum>, %parallel_loop3A_374 masked %parallel_loop3A_376 : vector<16xf32>, vector<16xi1> -> vector<16xf32>
        %parallel_loop3A_378 = vector.extract_strided_slice %parallel_loop3A_377 {offsets = [15], sizes = [1], strides = [1]} : vector<16xf32> to vector<1xf32>
        %parallel_loop3A_379 = vector.extract %parallel_loop3A_378[0] : f32 from vector<1xf32>
        %parallel_loop3A_380 = arith.mulf %parallel_loop3A_304, %parallel_loop3A_304 : vector<16xf32>
        %parallel_loop3A_381 = arith.mulf %parallel_loop3A_313, %parallel_loop3A_313 : vector<16xf32>
        %parallel_loop3A_382 = arith.mulf %parallel_loop3A_322, %parallel_loop3A_322 : vector<16xf32>
        %parallel_loop3A_383 = arith.mulf %parallel_loop3A_331, %parallel_loop3A_331 : vector<16xf32>
        %parallel_loop3A_384 = arith.mulf %parallel_loop3A_340, %parallel_loop3A_340 : vector<16xf32>
        %parallel_loop3A_385 = arith.mulf %parallel_loop3A_349, %parallel_loop3A_349 : vector<16xf32>
        %parallel_loop3A_386 = arith.mulf %parallel_loop3A_358, %parallel_loop3A_358 : vector<16xf32>
        %parallel_loop3A_387 = arith.mulf %parallel_loop3A_367, %parallel_loop3A_367 : vector<16xf32>
        %parallel_loop3A_388 = arith.addf %parallel_loop3A_380, %parallel_loop3A_381 : vector<16xf32>
        %parallel_loop3A_389 = arith.addf %parallel_loop3A_382, %parallel_loop3A_383 : vector<16xf32>
        %parallel_loop3A_390 = arith.addf %parallel_loop3A_388, %parallel_loop3A_389 : vector<16xf32>
        %parallel_loop3A_391 = arith.addf %parallel_loop3A_384, %parallel_loop3A_385 : vector<16xf32>
        %parallel_loop3A_392 = arith.addf %parallel_loop3A_386, %parallel_loop3A_387 : vector<16xf32>
        %parallel_loop3A_393 = arith.addf %parallel_loop3A_391, %parallel_loop3A_392 : vector<16xf32>
        %parallel_loop3A_394 = arith.addf %parallel_loop3A_390, %parallel_loop3A_393 : vector<16xf32>
        %parallel_loop3A_395 = arith.constant true
        %parallel_loop3A_396 = vector.broadcast %parallel_loop3A_395 : i1 to vector<16xi1>
        %parallel_loop3A_397 = tpu.scan <sum>, %parallel_loop3A_394 masked %parallel_loop3A_396 : vector<16xf32>, vector<16xi1> -> vector<16xf32>
        %parallel_loop3A_398 = vector.extract_strided_slice %parallel_loop3A_397 {offsets = [15], sizes = [1], strides = [1]} : vector<16xf32> to vector<1xf32>
        %parallel_loop3A_399 = vector.extract %parallel_loop3A_398[0] : f32 from vector<1xf32>
        %parallel_loop3A_400 = arith.constant 7.812500e-03 : f32
        %parallel_loop3A_401 = arith.mulf %parallel_loop3A_379, %parallel_loop3A_400 : f32
        %parallel_loop3A_402 = arith.constant 7.812500e-03 : f32
        %parallel_loop3A_403 = arith.mulf %parallel_loop3A_399, %parallel_loop3A_402 : f32
        %parallel_loop3A_404 = arith.mulf %parallel_loop3A_401, %parallel_loop3A_401 : f32
        %parallel_loop3A_405 = arith.subf %parallel_loop3A_403, %parallel_loop3A_404 : f32
        %parallel_loop3A_406 = arith.constant 9.99999996E-13 : f32
        %parallel_loop3A_407 = arith.addf %parallel_loop3A_405, %parallel_loop3A_406 : f32
        %parallel_loop3A_408 = vector.broadcast %parallel_loop3A_407 : f32 to vector<16xf32>
        %parallel_loop3A_409 = vector.bitcast %parallel_loop3A_408 : vector<16xf32> to vector<16xi32>
        %parallel_loop3A_410 = arith.constant 1 : i32
        %parallel_loop3A_411 = vector.broadcast %parallel_loop3A_410 : i32 to vector<16xi32>
        %parallel_loop3A_412 = arith.shrui %parallel_loop3A_409, %parallel_loop3A_411 : vector<16xi32>
        %parallel_loop3A_413 = arith.constant 1597463007 : i32
        %parallel_loop3A_414 = vector.broadcast %parallel_loop3A_413 : i32 to vector<16xi32>
        %parallel_loop3A_415 = arith.subi %parallel_loop3A_414, %parallel_loop3A_412 : vector<16xi32>
        %parallel_loop3A_416 = vector.bitcast %parallel_loop3A_415 : vector<16xi32> to vector<16xf32>
        %parallel_loop3A_417 = arith.constant 5.000000e-01 : f32
        %parallel_loop3A_418 = vector.broadcast %parallel_loop3A_417 : f32 to vector<16xf32>
        %parallel_loop3A_419 = arith.mulf %parallel_loop3A_418, %parallel_loop3A_408 : vector<16xf32>
        %parallel_loop3A_420 = arith.mulf %parallel_loop3A_419, %parallel_loop3A_416 : vector<16xf32>
        %parallel_loop3A_421 = arith.mulf %parallel_loop3A_420, %parallel_loop3A_416 : vector<16xf32>
        %parallel_loop3A_422 = arith.constant 1.500000e+00 : f32
        %parallel_loop3A_423 = vector.broadcast %parallel_loop3A_422 : f32 to vector<16xf32>
        %parallel_loop3A_424 = arith.subf %parallel_loop3A_423, %parallel_loop3A_421 : vector<16xf32>
        %parallel_loop3A_425 = arith.mulf %parallel_loop3A_416, %parallel_loop3A_424 : vector<16xf32>
        %parallel_loop3A_426 = vector.broadcast %parallel_loop3A_401 : f32 to vector<16xf32>
        %parallel_loop3A_427 = arith.subf %parallel_loop3A_304, %parallel_loop3A_426 : vector<16xf32>
        %parallel_loop3A_428 = arith.mulf %parallel_loop3A_425, %parallel_loop3A_280 : vector<16xf32>
        %parallel_loop3A_429 = arith.mulf %parallel_loop3A_427, %parallel_loop3A_428 : vector<16xf32>
        %parallel_loop3A_430 = arith.addf %parallel_loop3A_429, %parallel_loop3A_288 : vector<16xf32>
        %parallel_loop3A_431 = arith.constant 0 : i32
        %parallel_loop3A_432 = arith.addi %parallel_loop3A_431, %parallel_loop3A_279 : i32
        %parallel_loop3A_433 = arith.index_cast %parallel_loop3A_432 : i32 to index
        %parallel_loop3A_434 = arith.constant 0 : index
        %parallel_loop3A_435 = tpu.vector_load %arg13[%parallel_loop3A_433, %parallel_loop3A_434] {strides = array<i32>} : memref<200x128xf32, #tpu.memory_space<vmem>>, vector<16xf32>,
        tpu.vector_store %arg13[%parallel_loop3A_433, %parallel_loop3A_434], %parallel_loop3A_430 {strides = array<i32>} : memref<200x128xf32, #tpu.memory_space<vmem>>, vector<16xf32>,
        %parallel_loop3A_436 = vector.broadcast %parallel_loop3A_401 : f32 to vector<16xf32>
        %parallel_loop3A_437 = arith.subf %parallel_loop3A_313, %parallel_loop3A_436 : vector<16xf32>
        %parallel_loop3A_438 = arith.mulf %parallel_loop3A_425, %parallel_loop3A_281 : vector<16xf32>
        %parallel_loop3A_439 = arith.mulf %parallel_loop3A_437, %parallel_loop3A_438 : vector<16xf32>
        %parallel_loop3A_440 = arith.addf %parallel_loop3A_439, %parallel_loop3A_289 : vector<16xf32>
        %parallel_loop3A_441 = arith.constant 0 : i32
        %parallel_loop3A_442 = arith.addi %parallel_loop3A_441, %parallel_loop3A_279 : i32
        %parallel_loop3A_443 = arith.index_cast %parallel_loop3A_442 : i32 to index
        %parallel_loop3A_444 = arith.constant 16 : index
        %parallel_loop3A_445 = tpu.vector_load %arg13[%parallel_loop3A_443, %parallel_loop3A_444] {strides = array<i32>} : memref<200x128xf32, #tpu.memory_space<vmem>>, vector<16xf32>,
        tpu.vector_store %arg13[%parallel_loop3A_443, %parallel_loop3A_444], %parallel_loop3A_440 {strides = array<i32>} : memref<200x128xf32, #tpu.memory_space<vmem>>, vector<16xf32>,
        %parallel_loop3A_446 = vector.broadcast %parallel_loop3A_401 : f32 to vector<16xf32>
        %parallel_loop3A_447 = arith.subf %parallel_loop3A_322, %parallel_loop3A_446 : vector<16xf32>
        %parallel_loop3A_448 = arith.mulf %parallel_loop3A_425, %parallel_loop3A_282 : vector<16xf32>
        %parallel_loop3A_449 = arith.mulf %parallel_loop3A_447, %parallel_loop3A_448 : vector<16xf32>
        %parallel_loop3A_450 = arith.addf %parallel_loop3A_449, %parallel_loop3A_290 : vector<16xf32>
        %parallel_loop3A_451 = arith.constant 0 : i32
        %parallel_loop3A_452 = arith.addi %parallel_loop3A_451, %parallel_loop3A_279 : i32
        %parallel_loop3A_453 = arith.index_cast %parallel_loop3A_452 : i32 to index
        %parallel_loop3A_454 = arith.constant 32 : index
        %parallel_loop3A_455 = tpu.vector_load %arg13[%parallel_loop3A_453, %parallel_loop3A_454] {strides = array<i32>} : memref<200x128xf32, #tpu.memory_space<vmem>>, vector<16xf32>,
        tpu.vector_store %arg13[%parallel_loop3A_453, %parallel_loop3A_454], %parallel_loop3A_450 {strides = array<i32>} : memref<200x128xf32, #tpu.memory_space<vmem>>, vector<16xf32>,
        %parallel_loop3A_456 = vector.broadcast %parallel_loop3A_401 : f32 to vector<16xf32>
        %parallel_loop3A_457 = arith.subf %parallel_loop3A_331, %parallel_loop3A_456 : vector<16xf32>
        %parallel_loop3A_458 = arith.mulf %parallel_loop3A_425, %parallel_loop3A_283 : vector<16xf32>
        %parallel_loop3A_459 = arith.mulf %parallel_loop3A_457, %parallel_loop3A_458 : vector<16xf32>
        %parallel_loop3A_460 = arith.addf %parallel_loop3A_459, %parallel_loop3A_291 : vector<16xf32>
        %parallel_loop3A_461 = arith.constant 0 : i32
        %parallel_loop3A_462 = arith.addi %parallel_loop3A_461, %parallel_loop3A_279 : i32
        %parallel_loop3A_463 = arith.index_cast %parallel_loop3A_462 : i32 to index
        %parallel_loop3A_464 = arith.constant 48 : index
        %parallel_loop3A_465 = tpu.vector_load %arg13[%parallel_loop3A_463, %parallel_loop3A_464] {strides = array<i32>} : memref<200x128xf32, #tpu.memory_space<vmem>>, vector<16xf32>,
        tpu.vector_store %arg13[%parallel_loop3A_463, %parallel_loop3A_464], %parallel_loop3A_460 {strides = array<i32>} : memref<200x128xf32, #tpu.memory_space<vmem>>, vector<16xf32>,
        %parallel_loop3A_466 = vector.broadcast %parallel_loop3A_401 : f32 to vector<16xf32>
        %parallel_loop3A_467 = arith.subf %parallel_loop3A_340, %parallel_loop3A_466 : vector<16xf32>
        %parallel_loop3A_468 = arith.mulf %parallel_loop3A_425, %parallel_loop3A_284 : vector<16xf32>
        %parallel_loop3A_469 = arith.mulf %parallel_loop3A_467, %parallel_loop3A_468 : vector<16xf32>
        %parallel_loop3A_470 = arith.addf %parallel_loop3A_469, %parallel_loop3A_292 : vector<16xf32>
        %parallel_loop3A_471 = arith.constant 0 : i32
        %parallel_loop3A_472 = arith.addi %parallel_loop3A_471, %parallel_loop3A_279 : i32
        %parallel_loop3A_473 = arith.index_cast %parallel_loop3A_472 : i32 to index
        %parallel_loop3A_474 = arith.constant 64 : index
        %parallel_loop3A_475 = tpu.vector_load %arg13[%parallel_loop3A_473, %parallel_loop3A_474] {strides = array<i32>} : memref<200x128xf32, #tpu.memory_space<vmem>>, vector<16xf32>,
        tpu.vector_store %arg13[%parallel_loop3A_473, %parallel_loop3A_474], %parallel_loop3A_470 {strides = array<i32>} : memref<200x128xf32, #tpu.memory_space<vmem>>, vector<16xf32>,
        %parallel_loop3A_476 = vector.broadcast %parallel_loop3A_401 : f32 to vector<16xf32>
        %parallel_loop3A_477 = arith.subf %parallel_loop3A_349, %parallel_loop3A_476 : vector<16xf32>
        %parallel_loop3A_478 = arith.mulf %parallel_loop3A_425, %parallel_loop3A_285 : vector<16xf32>
        %parallel_loop3A_479 = arith.mulf %parallel_loop3A_477, %parallel_loop3A_478 : vector<16xf32>
        %parallel_loop3A_480 = arith.addf %parallel_loop3A_479, %parallel_loop3A_293 : vector<16xf32>
        %parallel_loop3A_481 = arith.constant 0 : i32
        %parallel_loop3A_482 = arith.addi %parallel_loop3A_481, %parallel_loop3A_279 : i32
        %parallel_loop3A_483 = arith.index_cast %parallel_loop3A_482 : i32 to index
        %parallel_loop3A_484 = arith.constant 80 : index
        %parallel_loop3A_485 = tpu.vector_load %arg13[%parallel_loop3A_483, %parallel_loop3A_484] {strides = array<i32>} : memref<200x128xf32, #tpu.memory_space<vmem>>, vector<16xf32>,
        tpu.vector_store %arg13[%parallel_loop3A_483, %parallel_loop3A_484], %parallel_loop3A_480 {strides = array<i32>} : memref<200x128xf32, #tpu.memory_space<vmem>>, vector<16xf32>,
        %parallel_loop3A_486 = vector.broadcast %parallel_loop3A_401 : f32 to vector<16xf32>
        %parallel_loop3A_487 = arith.subf %parallel_loop3A_358, %parallel_loop3A_486 : vector<16xf32>
        %parallel_loop3A_488 = arith.mulf %parallel_loop3A_425, %parallel_loop3A_286 : vector<16xf32>
        %parallel_loop3A_489 = arith.mulf %parallel_loop3A_487, %parallel_loop3A_488 : vector<16xf32>
        %parallel_loop3A_490 = arith.addf %parallel_loop3A_489, %parallel_loop3A_294 : vector<16xf32>
        %parallel_loop3A_491 = arith.constant 0 : i32
        %parallel_loop3A_492 = arith.addi %parallel_loop3A_491, %parallel_loop3A_279 : i32
        %parallel_loop3A_493 = arith.index_cast %parallel_loop3A_492 : i32 to index
        %parallel_loop3A_494 = arith.constant 96 : index
        %parallel_loop3A_495 = tpu.vector_load %arg13[%parallel_loop3A_493, %parallel_loop3A_494] {strides = array<i32>} : memref<200x128xf32, #tpu.memory_space<vmem>>, vector<16xf32>,
        tpu.vector_store %arg13[%parallel_loop3A_493, %parallel_loop3A_494], %parallel_loop3A_490 {strides = array<i32>} : memref<200x128xf32, #tpu.memory_space<vmem>>, vector<16xf32>,
        %parallel_loop3A_496 = vector.broadcast %parallel_loop3A_401 : f32 to vector<16xf32>
        %parallel_loop3A_497 = arith.subf %parallel_loop3A_367, %parallel_loop3A_496 : vector<16xf32>
        %parallel_loop3A_498 = arith.mulf %parallel_loop3A_425, %parallel_loop3A_287 : vector<16xf32>
        %parallel_loop3A_499 = arith.mulf %parallel_loop3A_497, %parallel_loop3A_498 : vector<16xf32>
        %parallel_loop3A_500 = arith.addf %parallel_loop3A_499, %parallel_loop3A_295 : vector<16xf32>
        %parallel_loop3A_501 = arith.constant 0 : i32
        %parallel_loop3A_502 = arith.addi %parallel_loop3A_501, %parallel_loop3A_279 : i32
        %parallel_loop3A_503 = arith.index_cast %parallel_loop3A_502 : i32 to index
        %parallel_loop3A_504 = arith.constant 112 : index
        %parallel_loop3A_505 = tpu.vector_load %arg13[%parallel_loop3A_503, %parallel_loop3A_504] {strides = array<i32>} : memref<200x128xf32, #tpu.memory_space<vmem>>, vector<16xf32>,
        tpu.vector_store %arg13[%parallel_loop3A_503, %parallel_loop3A_504], %parallel_loop3A_500 {strides = array<i32>} : memref<200x128xf32, #tpu.memory_space<vmem>>, vector<16xf32>,
        scf.yield %parallel_loop3A_280, %parallel_loop3A_281, %parallel_loop3A_282, %parallel_loop3A_283, %parallel_loop3A_284, %parallel_loop3A_285, %parallel_loop3A_286, %parallel_loop3A_287, %parallel_loop3A_288, %parallel_loop3A_289, %parallel_loop3A_290, %parallel_loop3A_291, %parallel_loop3A_292, %parallel_loop3A_293, %parallel_loop3A_294, %parallel_loop3A_295 : vector<16xf32>, vector<16xf32>, vector<16xf32>, vector<16xf32>, vector<16xf32>, vector<16xf32>, vector<16xf32>, vector<16xf32>, vector<16xf32>, vector<16xf32>, vector<16xf32>, vector<16xf32>, vector<16xf32>, vector<16xf32>, vector<16xf32>, vector<16xf32>
      } {sc.loop_unroll_factor = 1 : i64, sc.parallel_access}
      %lt3A = arith.constant 15 : i32
      %lt3A_219 = arith.cmpi slt, %scan3A_47, %lt3A : i32
      %convert_element_type3A_220 = arith.extui %lt3A_219 : i1 to i32
      %cond3A_221 = arith.constant 0 : i32
      %cond3A_222 = arith.cmpi ne, %convert_element_type3A_220, %cond3A_221 : i32
      scf.if %cond3A_222 {
        %add3A_279 = arith.constant 1 : i32
        %add3A_280 = arith.addi %add3A_169, %add3A_279 : i32
        %dma_start3A_281 = arith.constant 0 : i32
        %dma_start3A_282 = arith.constant 0 : i32
        %dma_start3A_283 = tpu.memref_slice %arg9[%add3A_280, %dma_start3A_281, %dma_start3A_282] : memref<32x2x100xi32, #tpu.memory_space<vmem>> -> memref<1x1x100xi32, #tpu.memory_space<vmem>>
        %dma_start3A_284 = tpu.memref_squeeze %dma_start3A_283 : memref<1x1x100xi32, #tpu.memory_space<vmem>> -> memref<100xi32, #tpu.memory_space<vmem>>
        %dma_start3A_285 = arith.constant 0 : i32
        %dma_start3A_286 = arith.constant 0 : i32
        %dma_start3A_287 = tpu.memref_slice %arg3[%dma_start3A_285, %dma_start3A_286] : memref<100000x128xf32, #tpu.memory_space<hbm>> -> memref<100000x128xf32, #tpu.memory_space<hbm>>
        tpu.enqueue_indirect_dma source(%dma_start3A_287 : memref<100000x128xf32, #tpu.memory_space<hbm>>) target(%arg10 : memref<100x128xf32, #tpu.memory_space<vmem>>) offsets(%dma_start3A_284 : memref<100xi32, #tpu.memory_space<vmem>>) semaphore(%arg18 : memref<!tpu.dma_semaphore, #tpu.memory_space<semaphore_mem>>)
      } else {
      }
      %dma_wait3A_223 = arith.constant 1 : i32
      %dma_wait3A_224 = arith.constant 0 : i32
      %dma_wait3A_225 = tpu.memref_slice %arg9[%add3A_169, %dma_wait3A_223, %dma_wait3A_224] : memref<32x2x100xi32, #tpu.memory_space<vmem>> -> memref<1x1x100xi32, #tpu.memory_space<vmem>>
      %dma_wait3A_226 = tpu.memref_squeeze %dma_wait3A_225 : memref<1x1x100xi32, #tpu.memory_space<vmem>> -> memref<100xi32, #tpu.memory_space<vmem>>
      %dma_wait3A_227 = arith.constant 0 : i32
      %dma_wait3A_228 = arith.constant 0 : i32
      %dma_wait3A_229 = tpu.memref_slice %arg3[%dma_wait3A_227, %dma_wait3A_228] : memref<100000x128xf32, #tpu.memory_space<hbm>> -> memref<100000x128xf32, #tpu.memory_space<hbm>>
      tpu.wait_indirect_dma semaphore(%arg19 : memref<!tpu.dma_semaphore, #tpu.memory_space<semaphore_mem>>) src(%dma_wait3A_229 : memref<100000x128xf32, #tpu.memory_space<hbm>>) dst(%arg11 : memref<100x128xf32, #tpu.memory_space<vmem>>)
      %get3A_230 = arith.constant 0 : index
      %get3A_231 = tpu.vector_load %arg16[%get3A_230] {strides = array<i32>} : memref<128xf32, #tpu.memory_space<vmem>>, vector<16xf32>,
      %get3A_232 = arith.constant 16 : index
      %get3A_233 = tpu.vector_load %arg16[%get3A_232] {strides = array<i32>} : memref<128xf32, #tpu.memory_space<vmem>>, vector<16xf32>,
      %get3A_234 = arith.constant 32 : index
      %get3A_235 = tpu.vector_load %arg16[%get3A_234] {strides = array<i32>} : memref<128xf32, #tpu.memory_space<vmem>>, vector<16xf32>,
      %get3A_236 = arith.constant 48 : index
      %get3A_237 = tpu.vector_load %arg16[%get3A_236] {strides = array<i32>} : memref<128xf32, #tpu.memory_space<vmem>>, vector<16xf32>,
      %get3A_238 = arith.constant 64 : index
      %get3A_239 = tpu.vector_load %arg16[%get3A_238] {strides = array<i32>} : memref<128xf32, #tpu.memory_space<vmem>>, vector<16xf32>,
      %get3A_240 = arith.constant 80 : index
      %get3A_241 = tpu.vector_load %arg16[%get3A_240] {strides = array<i32>} : memref<128xf32, #tpu.memory_space<vmem>>, vector<16xf32>,
      %get3A_242 = arith.constant 96 : index
      %get3A_243 = tpu.vector_load %arg16[%get3A_242] {strides = array<i32>} : memref<128xf32, #tpu.memory_space<vmem>>, vector<16xf32>,
      %get3A_244 = arith.constant 112 : index
      %get3A_245 = tpu.vector_load %arg16[%get3A_244] {strides = array<i32>} : memref<128xf32, #tpu.memory_space<vmem>>, vector<16xf32>,
      %get3A_246 = arith.constant 0 : index
      %get3A_247 = tpu.vector_load %arg17[%get3A_246] {strides = array<i32>} : memref<128xf32, #tpu.memory_space<vmem>>, vector<16xf32>,
      %get3A_248 = arith.constant 16 : index
      %get3A_249 = tpu.vector_load %arg17[%get3A_248] {strides = array<i32>} : memref<128xf32, #tpu.memory_space<vmem>>, vector<16xf32>,
      %get3A_250 = arith.constant 32 : index
      %get3A_251 = tpu.vector_load %arg17[%get3A_250] {strides = array<i32>} : memref<128xf32, #tpu.memory_space<vmem>>, vector<16xf32>,
      %get3A_252 = arith.constant 48 : index
      %get3A_253 = tpu.vector_load %arg17[%get3A_252] {strides = array<i32>} : memref<128xf32, #tpu.memory_space<vmem>>, vector<16xf32>,
      %get3A_254 = arith.constant 64 : index
      %get3A_255 = tpu.vector_load %arg17[%get3A_254] {strides = array<i32>} : memref<128xf32, #tpu.memory_space<vmem>>, vector<16xf32>,
      %get3A_256 = arith.constant 80 : index
      %get3A_257 = tpu.vector_load %arg17[%get3A_256] {strides = array<i32>} : memref<128xf32, #tpu.memory_space<vmem>>, vector<16xf32>,
      %get3A_258 = arith.constant 96 : index
      %get3A_259 = tpu.vector_load %arg17[%get3A_258] {strides = array<i32>} : memref<128xf32, #tpu.memory_space<vmem>>, vector<16xf32>,
      %get3A_260 = arith.constant 112 : index
      %get3A_261 = tpu.vector_load %arg17[%get3A_260] {strides = array<i32>} : memref<128xf32, #tpu.memory_space<vmem>>, vector<16xf32>,
      %parallel_loop3A_262 = arith.constant 0 : i32
      %parallel_loop3A_263 = arith.constant 100 : i32
      %parallel_loop3A_264 = arith.constant 1 : i32
      %parallel_loop3A_265:16 = scf.for %parallel_loop3A_279 = %parallel_loop3A_262 to %parallel_loop3A_263 step %parallel_loop3A_264 iter_args(%parallel_loop3A_280 = %get3A_231, %parallel_loop3A_281 = %get3A_233, %parallel_loop3A_282 = %get3A_235, %parallel_loop3A_283 = %get3A_237, %parallel_loop3A_284 = %get3A_239, %parallel_loop3A_285 = %get3A_241, %parallel_loop3A_286 = %get3A_243, %parallel_loop3A_287 = %get3A_245, %parallel_loop3A_288 = %get3A_247, %parallel_loop3A_289 = %get3A_249, %parallel_loop3A_290 = %get3A_251, %parallel_loop3A_291 = %get3A_253, %parallel_loop3A_292 = %get3A_255, %parallel_loop3A_293 = %get3A_257, %parallel_loop3A_294 = %get3A_259, %parallel_loop3A_295 = %get3A_261) -> (vector<16xf32>, vector<16xf32>, vector<16xf32>, vector<16xf32>, vector<16xf32>, vector<16xf32>, vector<16xf32>, vector<16xf32>, vector<16xf32>, vector<16xf32>, vector<16xf32>, vector<16xf32>, vector<16xf32>, vector<16xf32>, vector<16xf32>, vector<16xf32>)  : i32 {
        %parallel_loop3A_296 = arith.index_cast %parallel_loop3A_279 : i32 to index
        %parallel_loop3A_297 = arith.constant 0 : index
        %parallel_loop3A_298 = tpu.vector_load %arg11[%parallel_loop3A_296, %parallel_loop3A_297] {strides = array<i32>} : memref<100x128xf32, #tpu.memory_space<vmem>>, vector<16xf32>,
        %parallel_loop3A_299 = arith.constant 100 : i32
        %parallel_loop3A_300 = arith.addi %parallel_loop3A_299, %parallel_loop3A_279 : i32
        %parallel_loop3A_301 = arith.index_cast %parallel_loop3A_300 : i32 to index
        %parallel_loop3A_302 = arith.constant 0 : index
        %parallel_loop3A_303 = tpu.vector_load %arg14[%parallel_loop3A_301, %parallel_loop3A_302] {strides = array<i32>} : memref<200x128xf32, #tpu.memory_space<vmem>>, vector<16xf32>,
        %parallel_loop3A_304 = arith.addf %parallel_loop3A_298, %parallel_loop3A_303 : vector<16xf32>
        %parallel_loop3A_305 = arith.index_cast %parallel_loop3A_279 : i32 to index
        %parallel_loop3A_306 = arith.constant 16 : index
        %parallel_loop3A_307 = tpu.vector_load %arg11[%parallel_loop3A_305, %parallel_loop3A_306] {strides = array<i32>} : memref<100x128xf32, #tpu.memory_space<vmem>>, vector<16xf32>,
        %parallel_loop3A_308 = arith.constant 100 : i32
        %parallel_loop3A_309 = arith.addi %parallel_loop3A_308, %parallel_loop3A_279 : i32
        %parallel_loop3A_310 = arith.index_cast %parallel_loop3A_309 : i32 to index
        %parallel_loop3A_311 = arith.constant 16 : index
        %parallel_loop3A_312 = tpu.vector_load %arg14[%parallel_loop3A_310, %parallel_loop3A_311] {strides = array<i32>} : memref<200x128xf32, #tpu.memory_space<vmem>>, vector<16xf32>,
        %parallel_loop3A_313 = arith.addf %parallel_loop3A_307, %parallel_loop3A_312 : vector<16xf32>
        %parallel_loop3A_314 = arith.index_cast %parallel_loop3A_279 : i32 to index
        %parallel_loop3A_315 = arith.constant 32 : index
        %parallel_loop3A_316 = tpu.vector_load %arg11[%parallel_loop3A_314, %parallel_loop3A_315] {strides = array<i32>} : memref<100x128xf32, #tpu.memory_space<vmem>>, vector<16xf32>,
        %parallel_loop3A_317 = arith.constant 100 : i32
        %parallel_loop3A_318 = arith.addi %parallel_loop3A_317, %parallel_loop3A_279 : i32
        %parallel_loop3A_319 = arith.index_cast %parallel_loop3A_318 : i32 to index
        %parallel_loop3A_320 = arith.constant 32 : index
        %parallel_loop3A_321 = tpu.vector_load %arg14[%parallel_loop3A_319, %parallel_loop3A_320] {strides = array<i32>} : memref<200x128xf32, #tpu.memory_space<vmem>>, vector<16xf32>,
        %parallel_loop3A_322 = arith.addf %parallel_loop3A_316, %parallel_loop3A_321 : vector<16xf32>
        %parallel_loop3A_323 = arith.index_cast %parallel_loop3A_279 : i32 to index
        %parallel_loop3A_324 = arith.constant 48 : index
        %parallel_loop3A_325 = tpu.vector_load %arg11[%parallel_loop3A_323, %parallel_loop3A_324] {strides = array<i32>} : memref<100x128xf32, #tpu.memory_space<vmem>>, vector<16xf32>,
        %parallel_loop3A_326 = arith.constant 100 : i32
        %parallel_loop3A_327 = arith.addi %parallel_loop3A_326, %parallel_loop3A_279 : i32
        %parallel_loop3A_328 = arith.index_cast %parallel_loop3A_327 : i32 to index
        %parallel_loop3A_329 = arith.constant 48 : index
        %parallel_loop3A_330 = tpu.vector_load %arg14[%parallel_loop3A_328, %parallel_loop3A_329] {strides = array<i32>} : memref<200x128xf32, #tpu.memory_space<vmem>>, vector<16xf32>,
        %parallel_loop3A_331 = arith.addf %parallel_loop3A_325, %parallel_loop3A_330 : vector<16xf32>
        %parallel_loop3A_332 = arith.index_cast %parallel_loop3A_279 : i32 to index
        %parallel_loop3A_333 = arith.constant 64 : index
        %parallel_loop3A_334 = tpu.vector_load %arg11[%parallel_loop3A_332, %parallel_loop3A_333] {strides = array<i32>} : memref<100x128xf32, #tpu.memory_space<vmem>>, vector<16xf32>,
        %parallel_loop3A_335 = arith.constant 100 : i32
        %parallel_loop3A_336 = arith.addi %parallel_loop3A_335, %parallel_loop3A_279 : i32
        %parallel_loop3A_337 = arith.index_cast %parallel_loop3A_336 : i32 to index
        %parallel_loop3A_338 = arith.constant 64 : index
        %parallel_loop3A_339 = tpu.vector_load %arg14[%parallel_loop3A_337, %parallel_loop3A_338] {strides = array<i32>} : memref<200x128xf32, #tpu.memory_space<vmem>>, vector<16xf32>,
        %parallel_loop3A_340 = arith.addf %parallel_loop3A_334, %parallel_loop3A_339 : vector<16xf32>
        %parallel_loop3A_341 = arith.index_cast %parallel_loop3A_279 : i32 to index
        %parallel_loop3A_342 = arith.constant 80 : index
        %parallel_loop3A_343 = tpu.vector_load %arg11[%parallel_loop3A_341, %parallel_loop3A_342] {strides = array<i32>} : memref<100x128xf32, #tpu.memory_space<vmem>>, vector<16xf32>,
        %parallel_loop3A_344 = arith.constant 100 : i32
        %parallel_loop3A_345 = arith.addi %parallel_loop3A_344, %parallel_loop3A_279 : i32
        %parallel_loop3A_346 = arith.index_cast %parallel_loop3A_345 : i32 to index
        %parallel_loop3A_347 = arith.constant 80 : index
        %parallel_loop3A_348 = tpu.vector_load %arg14[%parallel_loop3A_346, %parallel_loop3A_347] {strides = array<i32>} : memref<200x128xf32, #tpu.memory_space<vmem>>, vector<16xf32>,
        %parallel_loop3A_349 = arith.addf %parallel_loop3A_343, %parallel_loop3A_348 : vector<16xf32>
        %parallel_loop3A_350 = arith.index_cast %parallel_loop3A_279 : i32 to index
        %parallel_loop3A_351 = arith.constant 96 : index
        %parallel_loop3A_352 = tpu.vector_load %arg11[%parallel_loop3A_350, %parallel_loop3A_351] {strides = array<i32>} : memref<100x128xf32, #tpu.memory_space<vmem>>, vector<16xf32>,
        %parallel_loop3A_353 = arith.constant 100 : i32
        %parallel_loop3A_354 = arith.addi %parallel_loop3A_353, %parallel_loop3A_279 : i32
        %parallel_loop3A_355 = arith.index_cast %parallel_loop3A_354 : i32 to index
        %parallel_loop3A_356 = arith.constant 96 : index
        %parallel_loop3A_357 = tpu.vector_load %arg14[%parallel_loop3A_355, %parallel_loop3A_356] {strides = array<i32>} : memref<200x128xf32, #tpu.memory_space<vmem>>, vector<16xf32>,
        %parallel_loop3A_358 = arith.addf %parallel_loop3A_352, %parallel_loop3A_357 : vector<16xf32>
        %parallel_loop3A_359 = arith.index_cast %parallel_loop3A_279 : i32 to index
        %parallel_loop3A_360 = arith.constant 112 : index
        %parallel_loop3A_361 = tpu.vector_load %arg11[%parallel_loop3A_359, %parallel_loop3A_360] {strides = array<i32>} : memref<100x128xf32, #tpu.memory_space<vmem>>, vector<16xf32>,
        %parallel_loop3A_362 = arith.constant 100 : i32
        %parallel_loop3A_363 = arith.addi %parallel_loop3A_362, %parallel_loop3A_279 : i32
        %parallel_loop3A_364 = arith.index_cast %parallel_loop3A_363 : i32 to index
        %parallel_loop3A_365 = arith.constant 112 : index
        %parallel_loop3A_366 = tpu.vector_load %arg14[%parallel_loop3A_364, %parallel_loop3A_365] {strides = array<i32>} : memref<200x128xf32, #tpu.memory_space<vmem>>, vector<16xf32>,
        %parallel_loop3A_367 = arith.addf %parallel_loop3A_361, %parallel_loop3A_366 : vector<16xf32>
        %parallel_loop3A_368 = arith.addf %parallel_loop3A_304, %parallel_loop3A_313 : vector<16xf32>
        %parallel_loop3A_369 = arith.addf %parallel_loop3A_322, %parallel_loop3A_331 : vector<16xf32>
        %parallel_loop3A_370 = arith.addf %parallel_loop3A_368, %parallel_loop3A_369 : vector<16xf32>
        %parallel_loop3A_371 = arith.addf %parallel_loop3A_340, %parallel_loop3A_349 : vector<16xf32>
        %parallel_loop3A_372 = arith.addf %parallel_loop3A_358, %parallel_loop3A_367 : vector<16xf32>
        %parallel_loop3A_373 = arith.addf %parallel_loop3A_371, %parallel_loop3A_372 : vector<16xf32>
        %parallel_loop3A_374 = arith.addf %parallel_loop3A_370, %parallel_loop3A_373 : vector<16xf32>
        %parallel_loop3A_375 = arith.constant true
        %parallel_loop3A_376 = vector.broadcast %parallel_loop3A_375 : i1 to vector<16xi1>
        %parallel_loop3A_377 = tpu.scan <sum>, %parallel_loop3A_374 masked %parallel_loop3A_376 : vector<16xf32>, vector<16xi1> -> vector<16xf32>
        %parallel_loop3A_378 = vector.extract_strided_slice %parallel_loop3A_377 {offsets = [15], sizes = [1], strides = [1]} : vector<16xf32> to vector<1xf32>
        %parallel_loop3A_379 = vector.extract %parallel_loop3A_378[0] : f32 from vector<1xf32>
        %parallel_loop3A_380 = arith.mulf %parallel_loop3A_304, %parallel_loop3A_304 : vector<16xf32>
        %parallel_loop3A_381 = arith.mulf %parallel_loop3A_313, %parallel_loop3A_313 : vector<16xf32>
        %parallel_loop3A_382 = arith.mulf %parallel_loop3A_322, %parallel_loop3A_322 : vector<16xf32>
        %parallel_loop3A_383 = arith.mulf %parallel_loop3A_331, %parallel_loop3A_331 : vector<16xf32>
        %parallel_loop3A_384 = arith.mulf %parallel_loop3A_340, %parallel_loop3A_340 : vector<16xf32>
        %parallel_loop3A_385 = arith.mulf %parallel_loop3A_349, %parallel_loop3A_349 : vector<16xf32>
        %parallel_loop3A_386 = arith.mulf %parallel_loop3A_358, %parallel_loop3A_358 : vector<16xf32>
        %parallel_loop3A_387 = arith.mulf %parallel_loop3A_367, %parallel_loop3A_367 : vector<16xf32>
        %parallel_loop3A_388 = arith.addf %parallel_loop3A_380, %parallel_loop3A_381 : vector<16xf32>
        %parallel_loop3A_389 = arith.addf %parallel_loop3A_382, %parallel_loop3A_383 : vector<16xf32>
        %parallel_loop3A_390 = arith.addf %parallel_loop3A_388, %parallel_loop3A_389 : vector<16xf32>
        %parallel_loop3A_391 = arith.addf %parallel_loop3A_384, %parallel_loop3A_385 : vector<16xf32>
        %parallel_loop3A_392 = arith.addf %parallel_loop3A_386, %parallel_loop3A_387 : vector<16xf32>
        %parallel_loop3A_393 = arith.addf %parallel_loop3A_391, %parallel_loop3A_392 : vector<16xf32>
        %parallel_loop3A_394 = arith.addf %parallel_loop3A_390, %parallel_loop3A_393 : vector<16xf32>
        %parallel_loop3A_395 = arith.constant true
        %parallel_loop3A_396 = vector.broadcast %parallel_loop3A_395 : i1 to vector<16xi1>
        %parallel_loop3A_397 = tpu.scan <sum>, %parallel_loop3A_394 masked %parallel_loop3A_396 : vector<16xf32>, vector<16xi1> -> vector<16xf32>
        %parallel_loop3A_398 = vector.extract_strided_slice %parallel_loop3A_397 {offsets = [15], sizes = [1], strides = [1]} : vector<16xf32> to vector<1xf32>
        %parallel_loop3A_399 = vector.extract %parallel_loop3A_398[0] : f32 from vector<1xf32>
        %parallel_loop3A_400 = arith.constant 7.812500e-03 : f32
        %parallel_loop3A_401 = arith.mulf %parallel_loop3A_379, %parallel_loop3A_400 : f32
        %parallel_loop3A_402 = arith.constant 7.812500e-03 : f32
        %parallel_loop3A_403 = arith.mulf %parallel_loop3A_399, %parallel_loop3A_402 : f32
        %parallel_loop3A_404 = arith.mulf %parallel_loop3A_401, %parallel_loop3A_401 : f32
        %parallel_loop3A_405 = arith.subf %parallel_loop3A_403, %parallel_loop3A_404 : f32
        %parallel_loop3A_406 = arith.constant 9.99999996E-13 : f32
        %parallel_loop3A_407 = arith.addf %parallel_loop3A_405, %parallel_loop3A_406 : f32
        %parallel_loop3A_408 = vector.broadcast %parallel_loop3A_407 : f32 to vector<16xf32>
        %parallel_loop3A_409 = vector.bitcast %parallel_loop3A_408 : vector<16xf32> to vector<16xi32>
        %parallel_loop3A_410 = arith.constant 1 : i32
        %parallel_loop3A_411 = vector.broadcast %parallel_loop3A_410 : i32 to vector<16xi32>
        %parallel_loop3A_412 = arith.shrui %parallel_loop3A_409, %parallel_loop3A_411 : vector<16xi32>
        %parallel_loop3A_413 = arith.constant 1597463007 : i32
        %parallel_loop3A_414 = vector.broadcast %parallel_loop3A_413 : i32 to vector<16xi32>
        %parallel_loop3A_415 = arith.subi %parallel_loop3A_414, %parallel_loop3A_412 : vector<16xi32>
        %parallel_loop3A_416 = vector.bitcast %parallel_loop3A_415 : vector<16xi32> to vector<16xf32>
        %parallel_loop3A_417 = arith.constant 5.000000e-01 : f32
        %parallel_loop3A_418 = vector.broadcast %parallel_loop3A_417 : f32 to vector<16xf32>
        %parallel_loop3A_419 = arith.mulf %parallel_loop3A_418, %parallel_loop3A_408 : vector<16xf32>
        %parallel_loop3A_420 = arith.mulf %parallel_loop3A_419, %parallel_loop3A_416 : vector<16xf32>
        %parallel_loop3A_421 = arith.mulf %parallel_loop3A_420, %parallel_loop3A_416 : vector<16xf32>
        %parallel_loop3A_422 = arith.constant 1.500000e+00 : f32
        %parallel_loop3A_423 = vector.broadcast %parallel_loop3A_422 : f32 to vector<16xf32>
        %parallel_loop3A_424 = arith.subf %parallel_loop3A_423, %parallel_loop3A_421 : vector<16xf32>
        %parallel_loop3A_425 = arith.mulf %parallel_loop3A_416, %parallel_loop3A_424 : vector<16xf32>
        %parallel_loop3A_426 = vector.broadcast %parallel_loop3A_401 : f32 to vector<16xf32>
        %parallel_loop3A_427 = arith.subf %parallel_loop3A_304, %parallel_loop3A_426 : vector<16xf32>
        %parallel_loop3A_428 = arith.mulf %parallel_loop3A_425, %parallel_loop3A_280 : vector<16xf32>
        %parallel_loop3A_429 = arith.mulf %parallel_loop3A_427, %parallel_loop3A_428 : vector<16xf32>
        %parallel_loop3A_430 = arith.addf %parallel_loop3A_429, %parallel_loop3A_288 : vector<16xf32>
        %parallel_loop3A_431 = arith.constant 100 : i32
        %parallel_loop3A_432 = arith.addi %parallel_loop3A_431, %parallel_loop3A_279 : i32
        %parallel_loop3A_433 = arith.index_cast %parallel_loop3A_432 : i32 to index
        %parallel_loop3A_434 = arith.constant 0 : index
        %parallel_loop3A_435 = tpu.vector_load %arg13[%parallel_loop3A_433, %parallel_loop3A_434] {strides = array<i32>} : memref<200x128xf32, #tpu.memory_space<vmem>>, vector<16xf32>,
        tpu.vector_store %arg13[%parallel_loop3A_433, %parallel_loop3A_434], %parallel_loop3A_430 {strides = array<i32>} : memref<200x128xf32, #tpu.memory_space<vmem>>, vector<16xf32>,
        %parallel_loop3A_436 = vector.broadcast %parallel_loop3A_401 : f32 to vector<16xf32>
        %parallel_loop3A_437 = arith.subf %parallel_loop3A_313, %parallel_loop3A_436 : vector<16xf32>
        %parallel_loop3A_438 = arith.mulf %parallel_loop3A_425, %parallel_loop3A_281 : vector<16xf32>
        %parallel_loop3A_439 = arith.mulf %parallel_loop3A_437, %parallel_loop3A_438 : vector<16xf32>
        %parallel_loop3A_440 = arith.addf %parallel_loop3A_439, %parallel_loop3A_289 : vector<16xf32>
        %parallel_loop3A_441 = arith.constant 100 : i32
        %parallel_loop3A_442 = arith.addi %parallel_loop3A_441, %parallel_loop3A_279 : i32
        %parallel_loop3A_443 = arith.index_cast %parallel_loop3A_442 : i32 to index
        %parallel_loop3A_444 = arith.constant 16 : index
        %parallel_loop3A_445 = tpu.vector_load %arg13[%parallel_loop3A_443, %parallel_loop3A_444] {strides = array<i32>} : memref<200x128xf32, #tpu.memory_space<vmem>>, vector<16xf32>,
        tpu.vector_store %arg13[%parallel_loop3A_443, %parallel_loop3A_444], %parallel_loop3A_440 {strides = array<i32>} : memref<200x128xf32, #tpu.memory_space<vmem>>, vector<16xf32>,
        %parallel_loop3A_446 = vector.broadcast %parallel_loop3A_401 : f32 to vector<16xf32>
        %parallel_loop3A_447 = arith.subf %parallel_loop3A_322, %parallel_loop3A_446 : vector<16xf32>
        %parallel_loop3A_448 = arith.mulf %parallel_loop3A_425, %parallel_loop3A_282 : vector<16xf32>
        %parallel_loop3A_449 = arith.mulf %parallel_loop3A_447, %parallel_loop3A_448 : vector<16xf32>
        %parallel_loop3A_450 = arith.addf %parallel_loop3A_449, %parallel_loop3A_290 : vector<16xf32>
        %parallel_loop3A_451 = arith.constant 100 : i32
        %parallel_loop3A_452 = arith.addi %parallel_loop3A_451, %parallel_loop3A_279 : i32
        %parallel_loop3A_453 = arith.index_cast %parallel_loop3A_452 : i32 to index
        %parallel_loop3A_454 = arith.constant 32 : index
        %parallel_loop3A_455 = tpu.vector_load %arg13[%parallel_loop3A_453, %parallel_loop3A_454] {strides = array<i32>} : memref<200x128xf32, #tpu.memory_space<vmem>>, vector<16xf32>,
        tpu.vector_store %arg13[%parallel_loop3A_453, %parallel_loop3A_454], %parallel_loop3A_450 {strides = array<i32>} : memref<200x128xf32, #tpu.memory_space<vmem>>, vector<16xf32>,
        %parallel_loop3A_456 = vector.broadcast %parallel_loop3A_401 : f32 to vector<16xf32>
        %parallel_loop3A_457 = arith.subf %parallel_loop3A_331, %parallel_loop3A_456 : vector<16xf32>
        %parallel_loop3A_458 = arith.mulf %parallel_loop3A_425, %parallel_loop3A_283 : vector<16xf32>
        %parallel_loop3A_459 = arith.mulf %parallel_loop3A_457, %parallel_loop3A_458 : vector<16xf32>
        %parallel_loop3A_460 = arith.addf %parallel_loop3A_459, %parallel_loop3A_291 : vector<16xf32>
        %parallel_loop3A_461 = arith.constant 100 : i32
        %parallel_loop3A_462 = arith.addi %parallel_loop3A_461, %parallel_loop3A_279 : i32
        %parallel_loop3A_463 = arith.index_cast %parallel_loop3A_462 : i32 to index
        %parallel_loop3A_464 = arith.constant 48 : index
        %parallel_loop3A_465 = tpu.vector_load %arg13[%parallel_loop3A_463, %parallel_loop3A_464] {strides = array<i32>} : memref<200x128xf32, #tpu.memory_space<vmem>>, vector<16xf32>,
        tpu.vector_store %arg13[%parallel_loop3A_463, %parallel_loop3A_464], %parallel_loop3A_460 {strides = array<i32>} : memref<200x128xf32, #tpu.memory_space<vmem>>, vector<16xf32>,
        %parallel_loop3A_466 = vector.broadcast %parallel_loop3A_401 : f32 to vector<16xf32>
        %parallel_loop3A_467 = arith.subf %parallel_loop3A_340, %parallel_loop3A_466 : vector<16xf32>
        %parallel_loop3A_468 = arith.mulf %parallel_loop3A_425, %parallel_loop3A_284 : vector<16xf32>
        %parallel_loop3A_469 = arith.mulf %parallel_loop3A_467, %parallel_loop3A_468 : vector<16xf32>
        %parallel_loop3A_470 = arith.addf %parallel_loop3A_469, %parallel_loop3A_292 : vector<16xf32>
        %parallel_loop3A_471 = arith.constant 100 : i32
        %parallel_loop3A_472 = arith.addi %parallel_loop3A_471, %parallel_loop3A_279 : i32
        %parallel_loop3A_473 = arith.index_cast %parallel_loop3A_472 : i32 to index
        %parallel_loop3A_474 = arith.constant 64 : index
        %parallel_loop3A_475 = tpu.vector_load %arg13[%parallel_loop3A_473, %parallel_loop3A_474] {strides = array<i32>} : memref<200x128xf32, #tpu.memory_space<vmem>>, vector<16xf32>,
        tpu.vector_store %arg13[%parallel_loop3A_473, %parallel_loop3A_474], %parallel_loop3A_470 {strides = array<i32>} : memref<200x128xf32, #tpu.memory_space<vmem>>, vector<16xf32>,
        %parallel_loop3A_476 = vector.broadcast %parallel_loop3A_401 : f32 to vector<16xf32>
        %parallel_loop3A_477 = arith.subf %parallel_loop3A_349, %parallel_loop3A_476 : vector<16xf32>
        %parallel_loop3A_478 = arith.mulf %parallel_loop3A_425, %parallel_loop3A_285 : vector<16xf32>
        %parallel_loop3A_479 = arith.mulf %parallel_loop3A_477, %parallel_loop3A_478 : vector<16xf32>
        %parallel_loop3A_480 = arith.addf %parallel_loop3A_479, %parallel_loop3A_293 : vector<16xf32>
        %parallel_loop3A_481 = arith.constant 100 : i32
        %parallel_loop3A_482 = arith.addi %parallel_loop3A_481, %parallel_loop3A_279 : i32
        %parallel_loop3A_483 = arith.index_cast %parallel_loop3A_482 : i32 to index
        %parallel_loop3A_484 = arith.constant 80 : index
        %parallel_loop3A_485 = tpu.vector_load %arg13[%parallel_loop3A_483, %parallel_loop3A_484] {strides = array<i32>} : memref<200x128xf32, #tpu.memory_space<vmem>>, vector<16xf32>,
        tpu.vector_store %arg13[%parallel_loop3A_483, %parallel_loop3A_484], %parallel_loop3A_480 {strides = array<i32>} : memref<200x128xf32, #tpu.memory_space<vmem>>, vector<16xf32>,
        %parallel_loop3A_486 = vector.broadcast %parallel_loop3A_401 : f32 to vector<16xf32>
        %parallel_loop3A_487 = arith.subf %parallel_loop3A_358, %parallel_loop3A_486 : vector<16xf32>
        %parallel_loop3A_488 = arith.mulf %parallel_loop3A_425, %parallel_loop3A_286 : vector<16xf32>
        %parallel_loop3A_489 = arith.mulf %parallel_loop3A_487, %parallel_loop3A_488 : vector<16xf32>
        %parallel_loop3A_490 = arith.addf %parallel_loop3A_489, %parallel_loop3A_294 : vector<16xf32>
        %parallel_loop3A_491 = arith.constant 100 : i32
        %parallel_loop3A_492 = arith.addi %parallel_loop3A_491, %parallel_loop3A_279 : i32
        %parallel_loop3A_493 = arith.index_cast %parallel_loop3A_492 : i32 to index
        %parallel_loop3A_494 = arith.constant 96 : index
        %parallel_loop3A_495 = tpu.vector_load %arg13[%parallel_loop3A_493, %parallel_loop3A_494] {strides = array<i32>} : memref<200x128xf32, #tpu.memory_space<vmem>>, vector<16xf32>,
        tpu.vector_store %arg13[%parallel_loop3A_493, %parallel_loop3A_494], %parallel_loop3A_490 {strides = array<i32>} : memref<200x128xf32, #tpu.memory_space<vmem>>, vector<16xf32>,
        %parallel_loop3A_496 = vector.broadcast %parallel_loop3A_401 : f32 to vector<16xf32>
        %parallel_loop3A_497 = arith.subf %parallel_loop3A_367, %parallel_loop3A_496 : vector<16xf32>
        %parallel_loop3A_498 = arith.mulf %parallel_loop3A_425, %parallel_loop3A_287 : vector<16xf32>
        %parallel_loop3A_499 = arith.mulf %parallel_loop3A_497, %parallel_loop3A_498 : vector<16xf32>
        %parallel_loop3A_500 = arith.addf %parallel_loop3A_499, %parallel_loop3A_295 : vector<16xf32>
        %parallel_loop3A_501 = arith.constant 100 : i32
        %parallel_loop3A_502 = arith.addi %parallel_loop3A_501, %parallel_loop3A_279 : i32
        %parallel_loop3A_503 = arith.index_cast %parallel_loop3A_502 : i32 to index
        %parallel_loop3A_504 = arith.constant 112 : index
        %parallel_loop3A_505 = tpu.vector_load %arg13[%parallel_loop3A_503, %parallel_loop3A_504] {strides = array<i32>} : memref<200x128xf32, #tpu.memory_space<vmem>>, vector<16xf32>,
        tpu.vector_store %arg13[%parallel_loop3A_503, %parallel_loop3A_504], %parallel_loop3A_500 {strides = array<i32>} : memref<200x128xf32, #tpu.memory_space<vmem>>, vector<16xf32>,
        scf.yield %parallel_loop3A_280, %parallel_loop3A_281, %parallel_loop3A_282, %parallel_loop3A_283, %parallel_loop3A_284, %parallel_loop3A_285, %parallel_loop3A_286, %parallel_loop3A_287, %parallel_loop3A_288, %parallel_loop3A_289, %parallel_loop3A_290, %parallel_loop3A_291, %parallel_loop3A_292, %parallel_loop3A_293, %parallel_loop3A_294, %parallel_loop3A_295 : vector<16xf32>, vector<16xf32>, vector<16xf32>, vector<16xf32>, vector<16xf32>, vector<16xf32>, vector<16xf32>, vector<16xf32>, vector<16xf32>, vector<16xf32>, vector<16xf32>, vector<16xf32>, vector<16xf32>, vector<16xf32>, vector<16xf32>, vector<16xf32>
      } {sc.loop_unroll_factor = 1 : i64, sc.parallel_access}
      %lt3A_266 = arith.constant 15 : i32
      %lt3A_267 = arith.cmpi slt, %scan3A_47, %lt3A_266 : i32
      %convert_element_type3A_268 = arith.extui %lt3A_267 : i1 to i32
      %cond3A_269 = arith.constant 0 : i32
      %cond3A_270 = arith.cmpi ne, %convert_element_type3A_268, %cond3A_269 : i32
      scf.if %cond3A_270 {
        %add3A_279 = arith.constant 1 : i32
        %add3A_280 = arith.addi %add3A_169, %add3A_279 : i32
        %dma_start3A_281 = arith.constant 1 : i32
        %dma_start3A_282 = arith.constant 0 : i32
        %dma_start3A_283 = tpu.memref_slice %arg9[%add3A_280, %dma_start3A_281, %dma_start3A_282] : memref<32x2x100xi32, #tpu.memory_space<vmem>> -> memref<1x1x100xi32, #tpu.memory_space<vmem>>
        %dma_start3A_284 = tpu.memref_squeeze %dma_start3A_283 : memref<1x1x100xi32, #tpu.memory_space<vmem>> -> memref<100xi32, #tpu.memory_space<vmem>>
        %dma_start3A_285 = arith.constant 0 : i32
        %dma_start3A_286 = arith.constant 0 : i32
        %dma_start3A_287 = tpu.memref_slice %arg3[%dma_start3A_285, %dma_start3A_286] : memref<100000x128xf32, #tpu.memory_space<hbm>> -> memref<100000x128xf32, #tpu.memory_space<hbm>>
        tpu.enqueue_indirect_dma source(%dma_start3A_287 : memref<100000x128xf32, #tpu.memory_space<hbm>>) target(%arg11 : memref<100x128xf32, #tpu.memory_space<vmem>>) offsets(%dma_start3A_284 : memref<100xi32, #tpu.memory_space<vmem>>) semaphore(%arg19 : memref<!tpu.dma_semaphore, #tpu.memory_space<semaphore_mem>>)
      } else {
      }
      %dma_start3A_271 = arith.constant 0 : i32
      %dma_start3A_272 = arith.constant 0 : i32
      %dma_start3A_273 = tpu.memref_slice %arg8[%add3A_170, %dma_start3A_271, %dma_start3A_272] : memref<1024x200x128xf32, #tpu.memory_space<hbm>> -> memref<1x200x128xf32, #tpu.memory_space<hbm>>
      %dma_start3A_274 = tpu.memref_squeeze %dma_start3A_273 : memref<1x200x128xf32, #tpu.memory_space<hbm>> -> memref<200x128xf32, #tpu.memory_space<hbm>>
      %dma_start3A_275 = arith.constant 0 : i32
      %dma_start3A_276 = arith.constant 0 : i32
      %dma_start3A_277 = tpu.memref_slice %arg8[%add3A_170, %dma_start3A_275, %dma_start3A_276] : memref<1024x200x128xf32, #tpu.memory_space<hbm>> -> memref<1x200x128xf32, #tpu.memory_space<hbm>>
      %dma_start3A_278 = tpu.memref_squeeze %dma_start3A_277 : memref<1x200x128xf32, #tpu.memory_space<hbm>> -> memref<200x128xf32, #tpu.memory_space<hbm>>
      tpu.enqueue_dma source(%arg13 : memref<200x128xf32, #tpu.memory_space<vmem>>) target(%dma_start3A_278 : memref<200x128xf32, #tpu.memory_space<hbm>>) target_semaphore(%arg21 : memref<!tpu.dma_semaphore, #tpu.memory_space<semaphore_mem>>)
    }
    %scan3A_24 = arith.constant 16 : i32
    %add3A_25 = arith.constant 32 : i32
    %add3A_26 = arith.addi %mul3A_2, %add3A_25 : i32
    %sub3A = arith.constant 2 : i32
    %sub3A_27 = arith.subi %add3A_26, %sub3A : i32
    %dma_wait3A = arith.constant 0 : i32
    %dma_wait3A_28 = arith.constant 0 : i32
    %dma_wait3A_29 = tpu.memref_slice %arg8[%sub3A_27, %dma_wait3A, %dma_wait3A_28] : memref<1024x200x128xf32, #tpu.memory_space<hbm>> -> memref<1x200x128xf32, #tpu.memory_space<hbm>>
    %dma_wait3A_30 = tpu.memref_squeeze %dma_wait3A_29 : memref<1x200x128xf32, #tpu.memory_space<hbm>> -> memref<200x128xf32, #tpu.memory_space<hbm>>
    %dma_wait3A_31 = arith.constant 0 : i32
    %dma_wait3A_32 = arith.constant 0 : i32
    %dma_wait3A_33 = tpu.memref_slice %arg8[%sub3A_27, %dma_wait3A_31, %dma_wait3A_32] : memref<1024x200x128xf32, #tpu.memory_space<hbm>> -> memref<1x200x128xf32, #tpu.memory_space<hbm>>
    %dma_wait3A_34 = tpu.memref_squeeze %dma_wait3A_33 : memref<1x200x128xf32, #tpu.memory_space<hbm>> -> memref<200x128xf32, #tpu.memory_space<hbm>>
    tpu.wait_dma2 semaphore(%arg20 : memref<!tpu.dma_semaphore, #tpu.memory_space<semaphore_mem>>) src(%arg12 : memref<200x128xf32, #tpu.memory_space<vmem>>) dst(%dma_wait3A_34 : memref<200x128xf32, #tpu.memory_space<hbm>>)
    %add3A_35 = arith.constant 32 : i32
    %add3A_36 = arith.addi %mul3A_2, %add3A_35 : i32
    %sub3A_37 = arith.constant 1 : i32
    %sub3A_38 = arith.subi %add3A_36, %sub3A_37 : i32
    %dma_wait3A_39 = arith.constant 0 : i32
    %dma_wait3A_40 = arith.constant 0 : i32
    %dma_wait3A_41 = tpu.memref_slice %arg8[%sub3A_38, %dma_wait3A_39, %dma_wait3A_40] : memref<1024x200x128xf32, #tpu.memory_space<hbm>> -> memref<1x200x128xf32, #tpu.memory_space<hbm>>
    %dma_wait3A_42 = tpu.memref_squeeze %dma_wait3A_41 : memref<1x200x128xf32, #tpu.memory_space<hbm>> -> memref<200x128xf32, #tpu.memory_space<hbm>>
    %dma_wait3A_43 = arith.constant 0 : i32
    %dma_wait3A_44 = arith.constant 0 : i32
    %dma_wait3A_45 = tpu.memref_slice %arg8[%sub3A_38, %dma_wait3A_43, %dma_wait3A_44] : memref<1024x200x128xf32, #tpu.memory_space<hbm>> -> memref<1x200x128xf32, #tpu.memory_space<hbm>>
    %dma_wait3A_46 = tpu.memref_squeeze %dma_wait3A_45 : memref<1x200x128xf32, #tpu.memory_space<hbm>> -> memref<200x128xf32, #tpu.memory_space<hbm>>
    tpu.wait_dma2 semaphore(%arg21 : memref<!tpu.dma_semaphore, #tpu.memory_space<semaphore_mem>>) src(%arg13 : memref<200x128xf32, #tpu.memory_space<vmem>>) dst(%dma_wait3A_46 : memref<200x128xf32, #tpu.memory_space<hbm>>)
    return
  }
}

</mosaic_0001>

<sc_bundles>
// kernel: kernel.3.cloned.1.call-start
scs
__scs_entry_jumppad:
0x0: {  	(pc) =	sbr.rel $0x88, $3  }
0x1: {  	(tag) =	ssettag $0x0;
	lr =	simm.s32 $0x1  }
0x2: {  	[smem:$0x3F9B] =	sst lr;
	_ =	strace $0xD0000000  }
0x3: {  	_ = 	snop  }
0x4: {  	_ = 	snop  }
0x5: {  	_ = 	snop  }
0x6: {  	_ = 	snop  }
0x7: {  	_ = 	snop  }
__scs_overlays_trampoline_lowered:
0x8: {  	[smem:$0x3FAA] =	sst s0  }
0x9: {  	[smem:$0x3FAB] =	sst s1  }
0xa: {  	[smem:$0x3FAC] =	sst s2  }
0xb: {  	[smem:$0x3FAD] =	sst s3  }
0xc: {  	[smem:$0x3FAE] =	sst s4  }
0xd: {  	[smem:$0x3FAF] =	sst s5  }
0xe: {  	[smem:$0x3FB0] =	sst s6  }
0xf: {  	[smem:$0x3FB1] =	sst s7  }
0x10: {  	[smem:$0x3FB2] =	sst s8  }
0x11: {  	[smem:$0x3FB3] =	sst s9;
	s0 =	simm.s32 @!p0 $0x0  }
0x12: {  	s1 =	sld [smem:$0x3F99];
	s0 =	simm.s32 @p0 $0x1  }
0x13: {  	[smem:$0x3FB4] =	sst s0;
	s0 =	simm.s32 @!p1 $0x0  }
0x14: {  	s2 =	sld [smem:$0x3F98];
	s0 =	simm.s32 @p1 $0x1  }
0x15: {  	[smem:$0x3FB5] =	sst s0;
	s0 =	simm.s32 @!p2 $0x0  }
0x16: {  	s3 =	sld [smem:$0x3FDB];
	s0 =	simm.s32 @p2 $0x1  }
0x17: {  	s4 =	simm.s32 $0x1BF5;
	[smem:$0x3FB7] =	sst s0  }
0x18: {  	s0 =	sld [smem:$0x3F9A];
	_ =	swait.ge [sflag:s4], $0x0  }
0x19: {  	s7 =	sld [smem:$0x3F9B]  }
0x1a: {  	s8 =	sadd.s32 $0xFFFFE003, lr  }
0x1b: {  	s9 =	sadd.s32 $0xFFFFFEF7, lr;
	s5 =	simm.s32 $0xFFFFFFFF;
	p2 =	slt.u32 s8, $0xFFFFF086  }
0x1c: {  	p1 =	slt.u32 s9, $0xF7A;
	s5 =	simm.s32 @!p2 $0x0  }
0x1d: {  	s5 =	simm.s32 @p1 $0x1;
	p0 =	seq.s32 s7, s2  }
0x1e: {  	s7 =	smul.u32 @!p0 $0xF7A, s2;
	p2 =	seq.s32 @!p0 s5, $0x0  }
0x1f: {  	s9 =	smul.u32 $0xF7A, s1;
	s8 =	simm.s32 @!p0 $0x1BF5;
	p2 =	por !p2, p0  }
0x20: {  	[sflag:s8] =	ssyncset.s32 @!p0 $0xFFFFF086;
	s6 =	sadd.s32 @!p0 s3, s7;
	s7 =	simm.s32 @!p0 $0x108  }
0x21: {  	s3 =	sadd.s32 s3, s9;
	s6 =	sadd.s32 @!p0 $0x88, s6;
	s7 =	simm.s32 @p2 $0x1082  }
0x22: {  	[simem:s7], [sflag:s8] =	dma.local @!p0 [hbm:s6], $0xF7A  }
0x23: {  	s9 =	sor.u32 $0xD0000000, s2;
	s6 =	simm.s32 $0x108;
	_ =	swait.ge @!p0 [sflag:s8], $0x0  }
0x24: {  	s3 =	sadd.s32 $0x88, s3;
	s6 =	simm.s32 @!p1 $0x1082;
	[sflag:s4] =	ssyncset.s32 $0xFFFFF086  }
0x25: {  	[simem:s6], [sflag:s4] =	dma.local [hbm:s3], $0xF7A  }
0x26: {  	[smem:$0x3F9B] =	sst s1;
	(tag) =	ssettag s2;
	_ =	strace s9  }
0x27: {  	s1 =	sld [smem:$0x3FAB]  }
0x28: {  	s2 =	sld [smem:$0x3FAC]  }
0x29: {  	s4 =	sld [smem:$0x3FAE]  }
0x2a: {  	p0 =	seq.s32 s5, $0x0;
	s5 =	sld [smem:$0x3FAF]  }
0x2b: {  	s6 =	sld [smem:$0x3FB0]  }
0x2c: {  	s7 =	sld [smem:$0x3FB1]  }
0x2d: {  	s3 =	simm.s32 $0x108;
	s8 =	sld [smem:$0x3FB2]  }
0x2e: {  	s3 =	simm.s32 @!p0 $0x1082;
	s9 =	sld [smem:$0x3FB3]  }
0x2f: {  	lr =	sadd.s32 s0, s3;
	s0 =	sld [smem:$0x3FAA]  }
0x30: {  	s3 =	sld [smem:$0x3FAD]  }
0x31: {  	[smem:$0x3FB6] =	sst s10  }
0x32: {  	s10 =	sld [smem:$0x3FB4];
	_ =	sdelay $0x3  }
0x33: {  	p0 =	seq.s32 s10, $0x1;
	s10 =	sld [smem:$0x3FB6];
	_ =	sdelay $0x3  }
0x34: {  	[smem:$0x3FB6] =	sst s10  }
0x35: {  	s10 =	sld [smem:$0x3FB5];
	_ =	sdelay $0x3  }
0x36: {  	p1 =	seq.s32 s10, $0x1;
	s10 =	sld [smem:$0x3FB6];
	_ =	sdelay $0x3  }
0x37: {  	[smem:$0x3FB6] =	sst s10  }
0x38: {  	s10 =	sld [smem:$0x3FB7]  }
0x39: {  	_ = 	snop;
	(pc) =	sbr.ind lr, $3  }
0x3a: {  	_ = 	snop  }
0x3b: {  	_ = 	snop  }
0x3c: {  	p2 =	seq.s32 s10, $0x1;
	s10 =	sld [smem:$0x3FB6]  }
0x3d: {  	_ =	shalt  }
0x3e: {  	_ =	shalt  }
0x3f: {  	_ =	shalt  }
0x40: {  	_ =	shalt  }
0x41: {  	_ =	shalt  }
0x42: {  	_ =	shalt  }
0x43: {  	_ =	shalt  }
0x44: {  	_ =	shalt  }
0x45: {  	_ =	shalt  }
0x46: {  	_ =	shalt  }
0x47: {  	_ =	shalt  }
0x48: {  	_ =	shalt  }
0x49: {  	_ =	shalt  }
0x4a: {  	_ =	shalt  }
0x4b: {  	_ =	shalt  }
0x4c: {  	_ =	shalt  }
0x4d: {  	_ =	shalt  }
0x4e: {  	_ =	shalt  }
0x4f: {  	_ =	shalt  }
0x50: {  	_ =	shalt  }
0x51: {  	_ =	shalt  }
0x52: {  	_ =	shalt  }
0x53: {  	_ =	shalt  }
0x54: {  	_ =	shalt  }
0x55: {  	_ =	shalt  }
0x56: {  	_ =	shalt  }
0x57: {  	_ =	shalt  }
0x58: {  	_ =	shalt  }
0x59: {  	_ =	shalt  }
0x5a: {  	_ =	shalt  }
0x5b: {  	_ =	shalt  }
0x5c: {  	_ =	shalt  }
0x5d: {  	_ =	shalt  }
0x5e: {  	_ =	shalt  }
0x5f: {  	_ =	shalt  }
0x60: {  	_ =	shalt  }
0x61: {  	_ =	shalt  }
0x62: {  	_ =	shalt  }
0x63: {  	_ =	shalt  }
0x64: {  	_ =	shalt  }
0x65: {  	_ =	shalt  }
0x66: {  	_ =	shalt  }
0x67: {  	_ =	shalt  }
0x68: {  	_ =	shalt  }
0x69: {  	_ =	shalt  }
0x6a: {  	_ =	shalt  }
0x6b: {  	_ =	shalt  }
0x6c: {  	_ =	shalt  }
0x6d: {  	_ =	shalt  }
0x6e: {  	_ =	shalt  }
0x6f: {  	_ =	shalt  }
0x70: {  	_ =	shalt  }
0x71: {  	_ =	shalt  }
0x72: {  	_ =	shalt  }
0x73: {  	_ =	shalt  }
0x74: {  	_ =	shalt  }
0x75: {  	_ =	shalt  }
0x76: {  	_ =	shalt  }
0x77: {  	_ =	shalt  }
0x78: {  	_ =	shalt  }
0x79: {  	_ =	shalt  }
0x7a: {  	_ =	shalt  }
0x7b: {  	_ =	shalt  }
0x7c: {  	_ =	shalt  }
0x7d: {  	_ =	shalt  }
0x7e: {  	_ =	shalt  }
0x7f: {  	_ =	shalt  }
0x80: {  	_ =	shalt  }
0x81: {  	_ =	shalt  }
0x82: {  	_ =	shalt  }
0x83: {  	_ =	shalt  }
0x84: {  	_ =	shalt  }
0x85: {  	_ =	shalt  }
0x86: {  	_ =	shalt  }
0x87: {  	_ =	shalt  }
.Lfunc_end0:
.L_simem_size_0:
called_computation_lowered:
.L_overlay_start_0:
0x88: {  	s2 =	sld [smem:$0x3FD9]  }
0x89: {  	s3 =	sld [smem:$0x3FFE];
	_ =	sdelay $0x1  }
0x8a: {  	s1 =	srdreg.scid  }
0x8b: {  	s0 =	sand.u32 $0x1, s1  }
0x8c: {  	s17 =	sshll.u32 s0, $0xA;
	s2 =	sadd.s32 s3, s2  }
0x8d: {  	s2 =	sadd.s32 s2, s17  }
0x8e: {  	[smem:$0x3FC2] =	sst s2  }
0x8f: {  	_ = 	snop  }
0x90: {  	s2 =	sld [smem:$0x3FC8]  }
0x91: {  	s18 =	sld [smem:$0x3FC7]  }
0x92: {  	s4 =	sld [smem:$0x3FC6]  }
0x93: {  	s5 =	sld [smem:$0x3FC5]  }
0x94: {  	s6 =	sld [smem:$0x3FC4]  }
0x95: {  	s7 =	sld [smem:$0x3FD0];
	(tm) =	ssettm $0x1  }
0x96: {  	s8 =	sld [smem:$0x3FFB];
	_ =	sdelay $0x3  }
0x97: {  	_ =	strace s8  }
0x98: {  	s8 =	sld [smem:$0x3FFC];
	_ =	sdelay $0x3  }
0x99: {  	_ =	strace s8  }
0x9a: {  	s8 =	sld [smem:$0x3FFD];
	_ =	sdelay $0x3  }
0x9b: {  	_ =	strace s8  }
0x9c: {  	_ =	strace $0x8FFFFFFF  }
0x9d: {  	s19 =	sld [smem:$0x3FDB];
	_ =	sdelay $0x1  }
0x9e: {  	s9 =	simm.s32 $_scs_section_size  }
0x9f: {  	s10 =	simm.s32 $_size__tile_overlayer_lowered;
	s11 =	simm.s32 $_tile_overlayer_lowered  }
0xa0: {  	s22 =	simm.s32 $0x1BFF;
	s21 =	sshll.u32 s11, $0x1;
	s8 =	sadd.s32 s9, s19  }
0xa1: {  	s12 =	simm.s32 $0x0;
	s20 =	sshll.u32 s10, $0x1;
	s10 =	sadd.s32 s21, s8  }
0xa2: {  	[timem:s12], [sflag:s22] =	dma.local [hbm:s10], s20  }
0xa3: {  	_ =	swait.ge [sflag:s22], s20  }
0xa4: {  	s9 =	ssub.s32 $0x0, s20;
	[sflag:s22] =	ssyncset.done $0x0  }
0xa5: {  	[sflag:s22] =	ssyncadd.s32 s9;
	_ =	sdelay $0x1  }
0xa6: {  	s23 =	simm.s32 $0x1B8B  }
0xa7: {  	_ =	swait.ge [sflag:s23], $0x1  }
0xa8: {  	[sflag:s23] =	ssyncset.done $0x0  }
0xa9: {  	s25 =	simm.s32 $0x1B8E;
	s24 =	sld [smem:$0x3FFE];
	[sflag:s23] =	ssyncadd.s32 $0xFFFFFFFF  }
0xaa: {  	s26 =	simm.s32 $execute0_lowered;
	[smem:$0x3FD2] =	sst s25  }
0xab: {  	s10 =	sshll.u32 s26, $0x1;
	_ =	strace $0x80000046;
	[dreg:$0x1] =	wrdreg $0xFFFFFFFF  }
0xac: {  	s28 =	simm.s32 $_size_execute0_lowered;
	s8 =	sadd.s32 s8, s10;
	[dreg:$0x0] =	wrdreg $0x0  }
0xad: {  	s10 =	sshll.u32 s28, $0x1;
	[dreg:$0x2] =	wrdreg s8  }
0xae: {  	[dreg:$0x3] =	wrdreg s10  }
0xaf: {  	[dreg:$0x4] =	wrdreg $0xC0  }
0xb0: {  	_ =	task [dreg:s12], $0x5FFFF  }
0xb1: {  	[dreg:$0x1] =	wrdreg $0xFFFFFFFF  }
0xb2: {  	[dreg:$0x0] =	wrdreg $0x60  }
0xb3: {  	[dreg:$0x2] =	wrdreg s24  }
0xb4: {  	[dreg:$0x3] =	wrdreg s2  }
0xb5: {  	[dreg:$0x4] =	wrdreg s18  }
0xb6: {  	[dreg:$0x5] =	wrdreg s4  }
0xb7: {  	[dreg:$0x6] =	wrdreg s5  }
0xb8: {  	[dreg:$0x7] =	wrdreg s6  }
0xb9: {  	[dreg:$0x8] =	wrdreg s7  }
0xba: {  	[dreg:$0x9] =	wrdreg $0x9  }
0xbb: {  	_ =	task.clear_ibuf [dreg:s12], $0xAFFFF;
	_ =	strace $0x90000046  }
0xbc: {  	s29 =	simm.s32 $0x9;
	_ =	strace $0x80000048  }
0xbd: {  	_ =	swait.ge [sflag:s29], $0x1  }
0xbe: {  	[sflag:s29] =	ssyncadd.s32 $0xFFFFFFFF  }
0xbf: {  	_ =	strace $0x90000048  }
0xc0: {  	_ =	sfence  }
0xc1: {  	s30 =	sld [smem:$0x0];
	_ =	sdelay $0x2  }
0xc2: {  	s31 =	sshll.u32 s1, $0xD;
	s1 =	sshrl.u32 s1, $0x2  }
0xc3: {  	s3 =	sand.u32 $0x4000, s31;
	s1 =	sadd.s32 s1, s30  }
0xc4: {  	s0 =	sor.u32 s3, s0;
	s1 =	sshll.u32 s1, $0x11  }
0xc5: {  	s0 =	sor.u32 s1, s0  }
0xc6: {  	s0 =	sadd.s32 $0x8F2B, s0  }
0xc7: {  	[sflag:s0] =	ssyncadd.remote.s32 $0x1  }
0xc8: {  	_ =	sfence.sel $0xFFFF  }
0xc9: {  	[dreg:$0x0] =	wrdreg $0xFFFFFFFF;
	(pc) =	sbr.abs _section_cstart, $3  }
0xca: {  	[dreg:$0x1] =	wrdreg $0xFFFFFFFF  }
0xcb: {  	_ =	task.clear_ibuf [dreg:s12], $0x2FFFF;
	_ =	strace $0x9FFFFFFF  }
0xcc: {  	(tm) =	ssettm $0x7FFFFFFF  }
0xcd: {  	_ =	shalt  }
tec
execute0_lowered:
.L_overlay_start_1:
0x0: {  	(tag) =	ssettag $0x1  }
0x1: {  	s1 =	rddreg [dreg:$0x0]  }
0x2: {  	s0 =	rddreg [dreg:$0x1];
	s2 =	srdreg.scid  }
0x3: {  	s7 =	rddreg [dreg:$0x6];
	s3 =	stileid.u32  }
0x4: {  	s8 =	simm.s32 $0x0;
	s12 =	simm.s32 $0x5;
	s16 =	simm.s32 $0x15000  }
0x5: {  	s17 =	simm.s32 $0x64;
	s18 =	simm.s32 $0x2000;
	s19 =	simm.s32 $0x80  }
0x6: {  	s20 =	simm.s32 $0x5400;
	s21 =	simm.s32 $0x1;
	s22 =	simm.s32 $0x2  }
0x7: {  	s23 =	simm.s32 $0x8800;
	s24 =	simm.s32 $0xEC00;
	s2 =	sand.u32 $0x1, s2  }
0x8: {  	s25 =	simm.s32 $0x3;
	s3 =	sshll.u32 s3, $0x6;
	s4 =	sshll.u32 s2, $0x5  }
0x9: {  	s26 =	simm.s32 $0x4;
	s2 =	ssub.s32 $0x2, s2;
	s9 =	sor.u32 s4, s3  }
0xa: {  	s28 =	simm.s32 $0x0;
	s31 =	sshrl.u32 s2, $0x1;
	s3 =	sshll.u32 s9, $0x5  }
0xb: {  	[smem:$0x7FF] =	sst s8;
	s2 =	ssub.s32 s2, s31;
	s1 =	sadd.s32 s3, s1  }
0xc: {  	_ =	strace $0x80000047;
	s11 =	smax.u32 s2, $0x1;
	s10 =	sadd.s32 $0x400, s1  }
.LBB2_1:
0xd: {  	[tilespmem:s8], [sflag:$0x5] =	stream.linear.gather [hbm4b:s10+s8], $0x2000, $0x38;
	[tilespmem:$0x1B580] =	vst v63  }
0xe: {  	_ =	swait.ge [sflag:s12], $0x2000  }
0xf: {  	[sflag:s12] =	ssyncset.done $0x0  }
0x10: {  	[sflag:s12] =	ssyncadd.s32 $0xFFFFE000  }
0x11: {  	s2 =	simm.s32 $0x1B480;
	s1 =	rddreg [dreg:$0x4]  }
0x12: {  	[tilespmem:s2], [sflag:$0x5] =	stream.linear.gather [hbm4b:s1+s8], $0x80, $0x38;
	[tilespmem:$0x1B580] =	vst v63  }
0x13: {  	_ =	swait.ge [sflag:s12], $0x80  }
0x14: {  	[sflag:s12] =	ssyncset.done $0x0  }
0x15: {  	[sflag:s12] =	ssyncadd.s32 $0xFFFFFF80  }
0x16: {  	s15 =	simm.s32 $0x1B500;
	s14 =	rddreg [dreg:$0x5]  }
0x17: {  	[tilespmem:s15], [sflag:$0x5] =	stream.linear.gather [hbm4b:s14+s8], $0x80, $0x38;
	[tilespmem:$0x1B580] =	vst v63  }
0x18: {  	_ =	swait.ge [sflag:s12], $0x80  }
0x19: {  	[sflag:s12] =	ssyncset.done $0x0  }
0x1a: {  	[sflag:s12] =	ssyncadd.s32 $0xFFFFFF80  }
0x1b: {  	s30 =	simm.s32 $0x1B400;
	s29 =	rddreg [dreg:$0x3]  }
0x1c: {  	[tilespmem:s30], [sflag:$0x5] =	stream.linear.gather [hbm4b:s29+s8], $0x80, $0x38;
	[tilespmem:$0x1B580] =	vst v63  }
0x1d: {  	_ =	swait.ge [sflag:s12], $0x80  }
0x1e: {  	[sflag:s12] =	ssyncset.done $0x0  }
0x1f: {  	[sflag:s12] =	ssyncadd.s32 $0xFFFFFF80  }
0x20: {  	s31 =	rddreg [dreg:$0x2]  }
0x21: {  	[tilespmem:s16], [sflag:$0x5] =	stream.linear.gather [hbm4b:s31+s8], $0x6400, $0x38;
	[tilespmem:$0x1B580] =	vst v63  }
0x22: {  	_ =	swait.ge [sflag:s12], $0x6400  }
0x23: {  	[sflag:s12] =	ssyncset.done $0x0  }
0x24: {  	[sflag:s12] =	ssyncadd.s32 $0xFFFF9C00  }
0x25: {  	s1 =	simm.s32 $0x0;
	v0 =	vld [tilespmem:$0x1B400]  }
0x26: {  	v1 =	vld [tilespmem:s1+$0x15000];
	_ =	sdelay $0x4  }
0x27: {  	v0 =	vadd.f32 v0, v1;
	_ =	sdelay $0x1  }
0x28: {  	[tilespmem:s1+$0x15000] =	vst v0;
	v0 =	vld [tilespmem:s1+$0x15010]  }
0x29: {  	v1 =	vld [tilespmem:$0x1B410];
	_ =	sdelay $0x4  }
0x2a: {  	s2 =	simm.s32 $0x80;
	v2 =	vld [tilespmem:$0x1B400];
	v0 =	vadd.f32 v1, v0  }
0x2b: {  	v1 =	vld [tilespmem:s2+$0x15000]  }
0x2c: {  	[tilespmem:s1+$0x15010] =	vst v0;
	v0 =	vld [tilespmem:s1+$0x15020]  }
0x2d: {  	v3 =	vld [tilespmem:$0x1B420];
	_ =	sdelay $0x2  }
0x2e: {  	v1 =	vadd.f32 v2, v1;
	_ =	sdelay $0x1  }
0x2f: {  	[tilespmem:s2+$0x15000] =	vst v1;
	v1 =	vld [tilespmem:s2+$0x15010];
	v0 =	vadd.f32 v3, v0  }
0x30: {  	v3 =	vld [tilespmem:$0x1B410]  }
0x31: {  	v2 =	vld [tilespmem:s1+$0x15030];
	[tilespmem:s1+$0x15020] =	vst v0  }
0x32: {  	v0 =	vld [tilespmem:$0x1B430];
	_ =	sdelay $0x2  }
0x33: {  	s3 =	simm.s32 $0x100;
	v4 =	vld [tilespmem:$0x1B400];
	v1 =	vadd.f32 v3, v1  }
0x34: {  	v3 =	vld [tilespmem:s3+$0x15000]  }
0x35: {  	[tilespmem:s2+$0x15010] =	vst v1;
	v1 =	vld [tilespmem:s2+$0x15020];
	v0 =	vadd.f32 v0, v2  }
0x36: {  	v2 =	vld [tilespmem:s1+$0x15040]  }
0x37: {  	[tilespmem:s1+$0x15030] =	vst v0;
	v0 =	vld [tilespmem:$0x1B420]  }
0x38: {  	v5 =	vld [tilespmem:$0x1B440]  }
0x39: {  	v3 =	vadd.f32 v4, v3;
	_ =	sdelay $0x1  }
0x3a: {  	[tilespmem:s3+$0x15000] =	vst v3;
	v3 =	vld [tilespmem:s3+$0x15010]  }
0x3b: {  	v0 =	vadd.f32 v0, v1;
	v1 =	vld [tilespmem:$0x1B410]  }
0x3c: {  	v4 =	vld [tilespmem:s2+$0x15030];
	v2 =	vadd.f32 v5, v2  }
0x3d: {  	v5 =	vld [tilespmem:s1+$0x15050];
	[tilespmem:s2+$0x15020] =	vst v0  }
0x3e: {  	v6 =	vld [tilespmem:$0x1B430];
	[tilespmem:s1+$0x15040] =	vst v2  }
0x3f: {  	v7 =	vld [tilespmem:$0x1B450]  }
0x40: {  	v0 =	vld [tilespmem:s1+$0x15060];
	v1 =	vadd.f32 v1, v3  }
0x41: {  	v2 =	vld [tilespmem:$0x1B400]  }
0x42: {  	[tilespmem:s3+$0x15010] =	vst v1;
	v1 =	vld [tilespmem:s2+$0x15040]  }
0x43: {  	s4 =	simm.s32 $0x180;
	v3 =	vadd.f32 v6, v4;
	v4 =	vld [tilespmem:s3+$0x15020]  }
0x44: {  	v6 =	vld [tilespmem:s4+$0x15000];
	v7 =	vadd.f32 v7, v5  }
0x45: {  	v5 =	vld [tilespmem:$0x1B420];
	[tilespmem:s2+$0x15030] =	vst v3  }
0x46: {  	s5 =	simm.s32 $0x800;
	[tilespmem:s1+$0x15050] =	vst v7;
	v3 =	vld [tilespmem:$0x1B440]  }
.LBB2_2:
0x47: {  	p0 =	sne.s32 s5, $0x18E00;
	v7 =	vld [tilespmem:$0x1B460];
	s6 =	smov.u32 s3;
	s3 =	smov.u32 s4  }
0x48: {  	v8 =	vld [tilespmem:s1+$0x15070]  }
0x49: {  	v2 =	vadd.f32 v2, v6;
	v6 =	vld [tilespmem:s2+$0x15050]  }
0x4a: {  	v4 =	vadd.f32 v5, v4;
	v5 =	vld [tilespmem:s6+$0x15030]  }
0x4b: {  	[tilespmem:s3+$0x15000] =	vst v2;
	v9 =	vld [tilespmem:s3+$0x15010];
	v1 =	vadd.f32 v3, v1  }
0x4c: {  	v3 =	vld [tilespmem:$0x1B410];
	[tilespmem:s6+$0x15020] =	vst v4;
	v0 =	vadd.f32 v7, v0  }
0x4d: {  	v4 =	vld [tilespmem:$0x1B430];
	[tilespmem:s2+$0x15040] =	vst v1  }
0x4e: {  	v7 =	vld [tilespmem:$0x1B450];
	[tilespmem:s1+$0x15060] =	vst v0  }
0x4f: {  	v10 =	vld [tilespmem:$0x1B470]  }
0x50: {  	v2 =	vld [tilespmem:$0x1B400]  }
0x51: {  	v3 =	vadd.f32 v3, v9;
	v0 =	vld [tilespmem:s2+$0x15060]  }
.Ltmp0:
0x52: {  	v5 =	vadd.f32 v4, v5;
	v1 =	vld [tilespmem:s6+$0x15040];
	(pc) =	sbr.rel @p0 .LBB2_2-.Ltmp0, $4  }
0x53: {  	s4 =	sshra.s32 s5, $0x2;
	[tilespmem:s3+$0x15010] =	vst v3;
	v4 =	vld [tilespmem:s3+$0x15020];
	v3 =	vadd.f32 v7, v6  }
0x54: {  	v6 =	vld [tilespmem:s4+$0x15000];
	[tilespmem:s6+$0x15030] =	vst v5;
	v7 =	vadd.f32 v10, v8  }
0x55: {  	v5 =	vld [tilespmem:$0x1B420];
	[tilespmem:s2+$0x15050] =	vst v3  }
0x56: {  	s5 =	sadd.s32 $0x200, s5;
	v3 =	vld [tilespmem:$0x1B440];
	[tilespmem:s1+$0x15070] =	vst v7;
	s1 =	smov.u32 s2;
	s2 =	smov.u32 s6  }
0x57: {  	_ =	sdelay $0x1  }
0x58: {  	v2 =	vadd.f32 v2, v6;
	_ =	sdelay $0x1  }
0x59: {  	v42 =	vld [tilespmem:s4+$0x15010];
	[tilespmem:s4+$0x15000] =	vst v2  }
0x5a: {  	v43 =	vld [tilespmem:$0x1B410];
	_ =	sdelay $0x4  }
0x5b: {  	v2 =	vadd.f32 v43, v42;
	_ =	sdelay $0x1  }
0x5c: {  	v44 =	vld [tilespmem:s4+$0x15020];
	[tilespmem:s4+$0x15010] =	vst v2  }
0x5d: {  	v45 =	vld [tilespmem:$0x1B420];
	_ =	sdelay $0x3  }
0x5e: {  	v4 =	vadd.f32 v5, v4  }
0x5f: {  	v46 =	vld [tilespmem:s3+$0x15030];
	v2 =	vadd.f32 v45, v44  }
0x60: {  	v47 =	vld [tilespmem:s4+$0x15030];
	[tilespmem:s3+$0x15020] =	vst v4  }
0x61: {  	v48 =	vld [tilespmem:$0x1B430];
	[tilespmem:s4+$0x15020] =	vst v2  }
0x62: {  	v2 =	vld [tilespmem:$0x1B430];
	_ =	sdelay $0x3  }
0x63: {  	v5 =	vadd.f32 v48, v46  }
0x64: {  	v49 =	vld [tilespmem:s3+$0x15040];
	v2 =	vadd.f32 v2, v47  }
0x65: {  	v50 =	vld [tilespmem:s4+$0x15040];
	[tilespmem:s3+$0x15030] =	vst v5  }
0x66: {  	v5 =	vld [tilespmem:$0x1B440];
	[tilespmem:s4+$0x15030] =	vst v2  }
0x67: {  	v2 =	vld [tilespmem:$0x1B440];
	_ =	sdelay $0x2  }
0x68: {  	v51 =	vld [tilespmem:s2+$0x15050];
	v1 =	vadd.f32 v3, v1  }
0x69: {  	v52 =	vld [tilespmem:s3+$0x15050];
	v5 =	vadd.f32 v5, v49  }
0x6a: {  	v53 =	vld [tilespmem:s4+$0x15050];
	[tilespmem:s2+$0x15040] =	vst v1;
	v2 =	vadd.f32 v2, v50  }
0x6b: {  	v1 =	vld [tilespmem:$0x1B450];
	[tilespmem:s3+$0x15040] =	vst v5  }
0x6c: {  	v5 =	vld [tilespmem:$0x1B450];
	[tilespmem:s4+$0x15040] =	vst v2  }
0x6d: {  	v2 =	vld [tilespmem:$0x1B450];
	_ =	sdelay $0x1  }
0x6e: {  	v54 =	vld [tilespmem:s2+$0x15060]  }
0x6f: {  	v7 =	vld [tilespmem:$0x1B460];
	v1 =	vadd.f32 v1, v51  }
0x70: {  	v55 =	vld [tilespmem:s3+$0x15060];
	v5 =	vadd.f32 v5, v52  }
0x71: {  	v56 =	vld [tilespmem:s4+$0x15060];
	[tilespmem:s2+$0x15050] =	vst v1;
	v2 =	vadd.f32 v2, v53  }
0x72: {  	v1 =	vld [tilespmem:$0x1B460];
	[tilespmem:s3+$0x15050] =	vst v5  }
0x73: {  	v5 =	vld [tilespmem:$0x1B460];
	[tilespmem:s4+$0x15050] =	vst v2  }
0x74: {  	v2 =	vld [tilespmem:$0x1B460]  }
0x75: {  	v57 =	vld [tilespmem:s1+$0x15070]  }
0x76: {  	v58 =	vld [tilespmem:s2+$0x15070];
	v0 =	vadd.f32 v7, v0  }
0x77: {  	v60 =	vld [tilespmem:s3+$0x15070];
	v1 =	vadd.f32 v1, v54  }
0x78: {  	v61 =	vld [tilespmem:s4+$0x15070];
	[tilespmem:s1+$0x15060] =	vst v0;
	v5 =	vadd.f32 v5, v55  }
0x79: {  	v59 =	vld [tilespmem:$0x1B470];
	[tilespmem:s2+$0x15060] =	vst v1;
	v2 =	vadd.f32 v2, v56  }
0x7a: {  	v1 =	vld [tilespmem:$0x1B470];
	[tilespmem:s3+$0x15060] =	vst v5  }
0x7b: {  	v5 =	vld [tilespmem:$0x1B470];
	[tilespmem:s4+$0x15060] =	vst v2  }
0x7c: {  	v2 =	vld [tilespmem:$0x1B470];
	_ =	sdelay $0x1  }
0x7d: {  	v3 =	vadd.f32 v59, v57  }
0x7e: {  	v0 =	vadd.f32 v1, v58  }
0x7f: {  	[tilespmem:s1+$0x15070] =	vst v3;
	v62 =	vadd.f32 v5, v60  }
0x80: {  	[tilespmem:s2+$0x15070] =	vst v0;
	v63 =	vadd.f32 v2, v61  }
0x81: {  	[tilespmem:s3+$0x15070] =	vst v62  }
0x82: {  	s29 =	simm.s32 $0x0;
	[tilespmem:s4+$0x15070] =	vst v63  }
0x83: {  	[tilespmem:s18], [sflag:$0x1] =	stream.indirect.gather [hbm4b:s0+s17], $0x80, s29, s17, $0xb8;
	[tilespmem:$0x1B580] =	vst v63  }
0x84: {  	_ = 	snop  }
0x85: {  	[tilespmem:s20], [sflag:$0x2] =	stream.indirect.gather [hbm4b:s0+s17], $0x80, s19, s17, $0xb8;
	[tilespmem:$0x1B580] =	vst v63  }
.LBB2_4:
0x86: {  	_ =	swait.ge [sflag:s21], $0x3200  }
0x87: {  	p0 =	seq.s32 s29, $0x0;
	[sflag:s21] =	ssyncset.done $0x0  }
0x88: {  	s1 =	simm.s32 @!p0 $0x3;
	[sflag:s21] =	ssyncadd.s32 $0xFFFFCE00  }
0x89: {  	_ =	swait.ge @!p0 [sflag:s1], $0x6400  }
0x8a: {  	[sflag:s1] =	ssyncset.done @!p0 $0x0  }
0x8b: {  	s3 =	simm.s32 $0x0;
	[sflag:s1] =	ssyncadd.s32 @!p0 $0xFFFF9C00  }
0x8c: {  	v0 =	vld [tilespmem:s3+$0x2000]  }
0x8d: {  	v1 =	vld [tilespmem:s3+$0x15000]  }
0x8e: {  	v2 =	vld [tilespmem:s3+$0x2010]  }
0x8f: {  	v3 =	vld [tilespmem:s3+$0x15010]  }
0x90: {  	v4 =	vld [tilespmem:s3+$0x2020]  }
0x91: {  	v5 =	vld [tilespmem:s3+$0x15020]  }
0x92: {  	v6 =	vld [tilespmem:s3+$0x2030]  }
0x93: {  	v7 =	vld [tilespmem:s3+$0x15030]  }
0x94: {  	v8 =	vld [tilespmem:s3+$0x2040]  }
0x95: {  	v9 =	vld [tilespmem:s3+$0x15040]  }
0x96: {  	v10 =	vld [tilespmem:s3+$0x2050]  }
0x97: {  	v11 =	vld [tilespmem:s3+$0x15050]  }
0x98: {  	v12 =	vld [tilespmem:s3+$0x2060]  }
0x99: {  	v13 =	vld [tilespmem:s3+$0x15060]  }
0x9a: {  	v14 =	vld [tilespmem:s3+$0x2070]  }
0x9b: {  	v16 =	vld [tilespmem:s3+$0x15070];
	_ =	sdelay $0x1  }
0x9c: {  	v23 =	vadd.f32 v1, v0;
	v20 =	vadd.f32 v3, v2  }
0x9d: {  	v29 =	vadd.f32 v5, v4;
	v28 =	vadd.f32 v7, v6  }
0x9e: {  	v30 =	vadd.f32 v9, v8;
	v32 =	vadd.f32 v11, v10  }
0x9f: {  	v15 =	vadd.f32 v13, v12;
	v24 =	vadd.f32 v16, v14  }
0xa0: {  	s4 =	simm.s32 $0x80;
	v4 =	vadd.f32 v20, v23;
	v5 =	vmul.f32 v23, v23;
	v6 =	vmul.f32 v20, v20  }
0xa1: {  	v17 =	vld [tilespmem:s4+$0x15040];
	v7 =	vadd.f32 v28, v29;
	v8 =	vmul.f32 v29, v29;
	v9 =	vmul.f32 v28, v28  }
0xa2: {  	v21 =	vld [tilespmem:s4+$0x2050];
	v10 =	vadd.f32 v32, v30;
	v11 =	vmul.f32 v30, v30;
	v12 =	vadd.f32 v24, v15  }
0xa3: {  	v26 =	vld [tilespmem:s4+$0x15050];
	v13 =	vmul.f32 v32, v32;
	v14 =	vmul.f32 v15, v15  }
0xa4: {  	v27 =	vld [tilespmem:s4+$0x2060];
	v4 =	vadd.f32 v7, v4;
	v7 =	vmul.f32 v24, v24;
	v10 =	vadd.f32 v12, v10  }
0xa5: {  	v31 =	vld [tilespmem:s4+$0x15060];
	v5 =	vadd.f32 v6, v5;
	v6 =	vadd.f32 v9, v8  }
0xa6: {  	v33 =	vld [tilespmem:s4+$0x2070];
	v8 =	vadd.f32 v13, v11;
	v7 =	vadd.f32 v7, v14  }
0xa7: {  	s1 =	simm.s32 $0x100;
	v34 =	vld [tilespmem:s4+$0x15070];
	v4 =	vadd.f32 v10, v4  }
0xa8: {  	v53 =	vld [tilespmem:s1+$0x2000];
	v5 =	vadd.f32 v6, v5;
	v6 =	vadd.f32 v7, v8  }
0xa9: {  	v56 =	vld [tilespmem:s1+$0x15000];
	(xrf2) =	vadd.scan.msk.f32 $0xffff, v4  }
0xaa: {  	v57 =	vld [tilespmem:s1+$0x2010];
	v5 =	vadd.f32 v6, v5  }
0xab: {  	v12 =	vld [tilespmem:s4+$0x2000]  }
0xac: {  	v9 =	vld [tilespmem:s4+$0x15000];
	(xrf2) =	vadd.scan.msk.f32 $0xffff, v5  }
0xad: {  	v11 =	vld [tilespmem:s4+$0x2010]  }
0xae: {  	v13 =	vld [tilespmem:s4+$0x2030]  }
0xaf: {  	v10 =	vld [tilespmem:s4+$0x15010]  }
0xb0: {  	v7 =	vld [tilespmem:s4+$0x2020]  }
0xb1: {  	v4 =	vld [tilespmem:s4+$0x15020]  }
0xb2: {  	v14 =	vld [tilespmem:s4+$0x15030]  }
0xb3: {  	v58 =	vld [tilespmem:s1+$0x15010];
	v6, _, _ =	vpop (xrf2)  }
0xb4: {  	v59 =	vld [tilespmem:s1+$0x2020];
	(v2sf) =	vpush v6, $0xF  }
0xb5: {  	v22 =	vadd.f32 v9, v12;
	v5 =	vld [tilespmem:s4+$0x2040]  }
0xb6: {  	v60 =	vld [tilespmem:s1+$0x2030];
	v25 =	vadd.f32 v10, v11;
	v16 =	vadd.f32 v4, v7;
	v4, _, _ =	vpop (xrf2)  }
0xb7: {  	v42 =	vld [tilespmem:s1+$0x15030];
	v18 =	vadd.f32 v14, v13;
	(v2sf) =	vpush v4, $0xF  }
0xb8: {  	v44 =	vld [tilespmem:s1+$0x2040]  }
0xb9: {  	v45 =	vld [tilespmem:s1+$0x15040];
	v13 =	vadd.f32 v25, v22;
	v35 =	vmul.f32 v18, v18;
	v51 =	vadd.f32 v18, v16  }
0xba: {  	v46 =	vld [tilespmem:s1+$0x2050];
	v52 =	vmul.f32 v16, v16;
	v19 =	vadd.f32 v17, v5;
	v17 =	vadd.f32 v26, v21  }
0xbb: {  	v47 =	vld [tilespmem:s1+$0x15050];
	v21 =	vadd.f32 v31, v27;
	v31 =	vadd.f32 v34, v33;
	v26 =	vmul.f32 v22, v22  }
0xbc: {  	v43 =	vld [tilespmem:s1+$0x15070];
	v27 =	vmul.f32 v25, v25;
	v33 =	vadd.f32 v51, v13;
	v36 =	vadd.f32 v17, v19  }
0xbd: {  	v0 =	vld [tilespmem:$0x1B480];
	v37 =	vmul.f32 v19, v19;
	v38 =	vadd.f32 v31, v21;
	v39 =	vmul.f32 v17, v17  }
0xbe: {  	v1 =	vld [tilespmem:$0x1B490];
	v40 =	vmul.f32 v21, v21;
	v41 =	vmul.f32 v31, v31;
	v26 =	vadd.f32 v27, v26  }
0xbf: {  	v3 =	vld [tilespmem:$0x1B4A0];
	v27 =	vadd.f32 v35, v52;
	v36 =	vadd.f32 v38, v36  }
0xc0: {  	v2 =	vld [tilespmem:$0x1B4B0];
	v54 =	vadd.f32 v39, v37;
	v55 =	vadd.f32 v41, v40  }
0xc1: {  	v8 =	vld [tilespmem:$0x1B4C0];
	v33 =	vadd.f32 v36, v33  }
0xc2: {  	v9 =	vld [tilespmem:$0x1B500];
	v26 =	vadd.f32 v27, v26;
	v27 =	vadd.f32 v55, v54  }
0xc3: {  	v12 =	vld [tilespmem:$0x1B550];
	(xrf2) =	vadd.scan.msk.f32 $0xffff, v33;
	s2 =	spop (v2sf)  }
0xc4: {  	v14 =	vld [tilespmem:$0x1B4F0];
	v26 =	vadd.f32 v27, v26;
	s31 =	smul.f32 $7.812500000e-03, s2  }
0xc5: {  	v10 =	vld [tilespmem:$0x1B530]  }
0xc6: {  	v11 =	vld [tilespmem:$0x1B540];
	(xrf2) =	vadd.scan.msk.f32 $0xffff, v26;
	s2 =	smul.f32 s31, s31;
	s5 =	spop (v2sf)  }
0xc7: {  	v7 =	vld [tilespmem:$0x1B4E0];
	s5 =	smul.f32 $7.812500000e-03, s5  }
0xc8: {  	v5 =	vld [tilespmem:$0x1B520]  }
0xc9: {  	v13 =	vld [tilespmem:$0x1B560];
	s2 =	ssub.f32 s5, s2  }
0xca: {  	v38 =	vld [tilespmem:s1+$0x2060]  }
0xcb: {  	v27 =	vld [tilespmem:s1+$0x15020];
	s2 =	sadd.f32 $9.999999960e-13, s2  }
0xcc: {  	v39 =	vld [tilespmem:s1+$0x15060]  }
0xcd: {  	v34 =	vadd.f32 v58, v57;
	v35 =	vadd.f32 v45, v44;
	v41 =	vld [tilespmem:s1+$0x2070];
	v61, _, _ =	vpop (xrf2);
	v62 =	vmov s2  }
0xce: {  	v6 =	vld [tilespmem:$0x1B4D0];
	(v2sf) =	vpush v61, $0xF;
	v63 =	vshrl.u32 v62, $0x1;
	v48 =	vmul.f32 $-5.000000000e-01, v62  }
0xcf: {  	v37 =	vadd.f32 v56, v53;
	v4 =	vld [tilespmem:$0x1B510];
	v33 =	vadd.f32 v42, v60;
	s2 =	sshll.u32 s29, $0x1;
	v40 =	vsub.s32 $0x5F3759DF, v63  }
0xd0: {  	v26 =	vld [tilespmem:$0x1B570];
	v36 =	vadd.f32 v27, v59;
	v27 =	vadd.f32 v47, v46;
	v44, _, _ =	vpop (xrf2);
	s5 =	simm.s32 $0x600;
	s30 =	sadd.s32 s9, s2;
	v42 =	vmul.f32 v40, v48  }
.LBB2_5:
0xd1: {  	p1 =	sne.s32 s5, $0xC600;
	v38 =	vadd.f32 v39, v38;
	(v2sf) =	vpush v44, $0xF;
	s6 =	smov.u32 s1  }
0xd2: {  	v39 =	vadd.f32 v43, v41;
	v41 =	vadd.f32 v34, v37;
	v42 =	vmul.f32 v40, v42  }
0xd3: {  	v44 =	vmul.f32 v37, v37;
	v45 =	vmul.f32 v34, v34;
	v43 =	vadd.f32 v33, v36  }
0xd4: {  	v46 =	vmul.f32 v36, v36;
	v47 =	vmul.f32 v33, v33;
	v42 =	vadd.f32 $1.500000000e+00, v42  }
0xd5: {  	v48 =	vadd.f32 v27, v35;
	v49 =	vmul.f32 v35, v35;
	v50 =	vmul.f32 v27, v27  }
0xd6: {  	v52 =	vmul.f32 v38, v38;
	v51 =	vadd.f32 v39, v38;
	v40 =	vmul.f32 v40, v42  }
0xd7: {  	s1 =	sshra.s32 s5, $0x2;
	v41 =	vadd.f32 v43, v41;
	v43 =	vmov s31;
	v42 =	vmul.f32 v39, v39  }
0xd8: {  	v48 =	vadd.f32 v51, v48;
	v51 =	vsub.f32 v24, v43;
	v24 =	vmovc v31;
	v53 =	vld [tilespmem:s1+$0x2000];
	v54 =	vmul.f32 v40, v14  }
0xd9: {  	v44 =	vadd.f32 v45, v44;
	v45 =	vadd.f32 v47, v46;
	v31 =	vmovc v39;
	v46 =	vmul.f32 v40, v0;
	v55 =	vld [tilespmem:s1+$0x15000]  }
0xda: {  	v39 =	vadd.f32 v50, v49;
	v42 =	vadd.f32 v42, v52;
	v47 =	vld [tilespmem:s1+$0x2010];
	v49 =	vmul.f32 v54, v51  }
0xdb: {  	v44 =	vadd.f32 v45, v44;
	v41 =	vadd.f32 v48, v41;
	v45 =	vmul.f32 v40, v1;
	v50 =	vld [tilespmem:s1+$0x15010]  }
0xdc: {  	v39 =	vadd.f32 v42, v39;
	v42 =	vmul.f32 v40, v3;
	v48 =	vld [tilespmem:s1+$0x2020];
	v49 =	vadd.f32 v49, v26  }
0xdd: {  	v57 =	vsub.f32 v23, v43;
	v52 =	vmul.f32 v40, v8;
	v51 =	vld [tilespmem:s1+$0x15020];
	(xrf2) =	vadd.scan.msk.f32 $0xffff, v41;
	s13 =	spop (v2sf);
	v41 =	vmul.f32 v40, v2  }
0xde: {  	v39 =	vadd.f32 v39, v44;
	v44 =	vmul.f32 v40, v6;
	v40 =	vmul.f32 v40, v7;
	v54 =	vld [tilespmem:s1+$0x2030];
	s31 =	smul.f32 $7.812500000e-03, s13;
	[tilespmem:s3+$0x8870] =	vst v49  }
0xdf: {  	v56 =	vsub.f32 v20, v43;
	v29 =	vsub.f32 v29, v43;
	v23 =	vmovc v22;
	v46 =	vmul.f32 v46, v57;
	v49 =	vld [tilespmem:s1+$0x15030]  }
0xe0: {  	v28 =	vsub.f32 v28, v43;
	v30 =	vsub.f32 v30, v43;
	v22 =	vmovc v37;
	v20 =	vmov v25;
	v57 =	vld [tilespmem:s1+$0x2040];
	(xrf2) =	vadd.scan.msk.f32 $0xffff, v39;
	s13 =	smul.f32 s31, s31;
	s14 =	spop (v2sf)  }
0xe1: {  	v32 =	vsub.f32 v32, v43;
	v37 =	vsub.f32 v15, v43;
	v15 =	vmovc v21;
	v56 =	vmul.f32 v45, v56;
	v58 =	vld [tilespmem:s1+$0x15040];
	s14 =	smul.f32 $7.812500000e-03, s14  }
0xe2: {  	v21 =	vmovc v38;
	v43 =	vmul.f32 v42, v29;
	v28 =	vmul.f32 v41, v28;
	v39 =	vadd.f32 v46, v9;
	v45 =	vld [tilespmem:s1+$0x2050]  }
0xe3: {  	v25 =	vmovc v34;
	v32 =	vmul.f32 v44, v32;
	v41 =	vadd.f32 v56, v4;
	v56 =	vmul.f32 v52, v30;
	v42 =	vld [tilespmem:s1+$0x15050];
	s13 =	ssub.f32 s14, s13  }
0xe4: {  	v34 =	vadd.f32 v43, v5;
	v37 =	vmul.f32 v40, v37;
	v44 =	vadd.f32 v28, v10;
	v38 =	vld [tilespmem:s1+$0x2060];
	[tilespmem:s3+$0x8800] =	vst v39  }
0xe5: {  	v29 =	vmovc v16;
	v16 =	vmov v36;
	v46 =	vadd.f32 v32, v12;
	v40 =	vadd.f32 v56, v11;
	v39 =	vld [tilespmem:s1+$0x15060];
	s13 =	sadd.f32 $9.999999960e-13, s13;
	[tilespmem:s3+$0x8810] =	vst v41  }
.Ltmp1:
0xe6: {  	v30 =	vmovc v19;
	v19 =	vmovc v35;
	v52 =	vadd.f32 v37, v13;
	v28 =	vmov v18;
	v18 =	vmov v33;
	v41 =	vld [tilespmem:s1+$0x2070];
	[tilespmem:s3+$0x8820] =	vst v34;
	(pc) =	sbr.rel @p1 .LBB2_5-.Ltmp1, $4  }
0xe7: {  	v37 =	vadd.f32 v55, v53;
	v34 =	vadd.f32 v50, v47;
	v43 =	vld [tilespmem:s1+$0x15070];
	v32, _, _ =	vpop (xrf2);
	v33 =	vmov s13;
	[tilespmem:s3+$0x8830] =	vst v44  }
0xe8: {  	(v2sf) =	vpush v32, $0xF;
	v35 =	vshrl.u32 v33, $0x1;
	v47 =	vmul.f32 $-5.000000000e-01, v33;
	[tilespmem:s3+$0x8840] =	vst v40;
	v32 =	vmovc v17;
	v17 =	vmovc v27  }
0xe9: {  	v36 =	vadd.f32 v51, v48;
	v33 =	vadd.f32 v49, v54;
	v40 =	vsub.s32 $0x5F3759DF, v35;
	[tilespmem:s3+$0x8850] =	vst v46  }
0xea: {  	s5 =	sadd.s32 $0x200, s5;
	v27 =	vadd.f32 v42, v45;
	v35 =	vadd.f32 v58, v57;
	v44, _, _ =	vpop (xrf2);
	v42 =	vmul.f32 v40, v47;
	[tilespmem:s3+$0x8860] =	vst v52;
	s3 =	smov.u32 s4;
	s4 =	smov.u32 s6  }
0xeb: {  	v38 =	vadd.f32 v39, v38  }
0xec: {  	v59 =	vadd.f32 v34, v37;
	v60 =	vmul.f32 v37, v37;
	v45 =	vadd.f32 v33, v36  }
0xed: {  	v46 =	vmul.f32 v34, v34;
	v47 =	vmul.f32 v36, v36;
	v39 =	vadd.f32 v43, v41  }
0xee: {  	v48 =	vmul.f32 v33, v33;
	v49 =	vadd.f32 v27, v35;
	v51 =	vmul.f32 v35, v35  }
0xef: {  	v52 =	vmul.f32 v27, v27;
	v41 =	vadd.f32 v45, v59;
	v50 =	vadd.f32 v39, v38  }
0xf0: {  	v61 =	vmul.f32 v38, v38;
	v43 =	vadd.f32 v46, v60;
	v62 =	vmul.f32 v39, v39  }
0xf1: {  	v63 =	vadd.f32 v48, v47;
	v49 =	vadd.f32 v50, v49  }
0xf2: {  	v48 =	vadd.f32 v52, v51;
	v45 =	vadd.f32 v62, v61  }
0xf3: {  	v41 =	vadd.f32 v49, v41  }
0xf4: {  	v43 =	vadd.f32 v63, v43;
	v45 =	vadd.f32 v45, v48  }
0xf5: {  	(xrf2) =	vadd.scan.msk.f32 $0xffff, v41  }
0xf6: {  	(v2sf) =	vpush v44, $0xF;
	v51 =	vadd.f32 v45, v43;
	_ =	sdelay $0x1  }
0xf7: {  	(xrf2) =	vadd.scan.msk.f32 $0xffff, v51;
	_ =	sdelay $0x6  }
0xf8: {  	v52, _, _ =	vpop (xrf2)  }
0xf9: {  	(v2sf) =	vpush v52, $0xF;
	_ =	sdelay $0x1  }
0xfa: {  	s5 =	spop (v2sf);
	v53, _, _ =	vpop (xrf2)  }
0xfb: {  	s6 =	smul.f32 $7.812500000e-03, s5;
	(v2sf) =	vpush v53, $0xF  }
0xfc: {  	v42 =	vmul.f32 v40, v42  }
0xfd: {  	s15 =	spop (v2sf);
	s13 =	smul.f32 s6, s6  }
0xfe: {  	v54 =	vadd.f32 $1.500000000e+00, v42;
	s5 =	smul.f32 $7.812500000e-03, s15  }
0xff: {  	v56 =	vmov s31  }
0x100: {  	v24 =	vsub.f32 v24, v56;
	v55 =	vmul.f32 v40, v54;
	s5 =	ssub.f32 s5, s13  }
0x101: {  	v23 =	vsub.f32 v23, v56;
	v20 =	vsub.f32 v20, v56  }
0x102: {  	v29 =	vsub.f32 v29, v56;
	v28 =	vsub.f32 v28, v56;
	v57 =	vmul.f32 v55, v14;
	s5 =	sadd.f32 $9.999999960e-13, s5  }
0x103: {  	v30 =	vsub.f32 v30, v56;
	v58 =	vmul.f32 v55, v0;
	v59 =	vmul.f32 v55, v1  }
0x104: {  	v60 =	vmul.f32 v55, v3;
	v62 =	vmul.f32 v55, v2;
	v61 =	vmov s5  }
0x105: {  	v40 =	vmul.f32 v55, v7;
	v63 =	vshrl.u32 v61, $0x1;
	v45 =	vmul.f32 $-5.000000000e-01, v61  }
0x106: {  	v24 =	vmul.f32 v57, v24;
	v23 =	vmul.f32 v58, v23;
	v47 =	vsub.s32 $0x5F3759DF, v63  }
0x107: {  	v32 =	vsub.f32 v32, v56;
	v20 =	vmul.f32 v59, v20;
	v45 =	vmul.f32 v47, v45;
	s14 =	spop (v2sf)  }
0x108: {  	v15 =	vsub.f32 v15, v56;
	v29 =	vmul.f32 v60, v29;
	v28 =	vmul.f32 v62, v28;
	s5 =	smul.f32 $7.812500000e-03, s14  }
0x109: {  	v24 =	vadd.f32 v24, v26;
	v23 =	vadd.f32 v23, v9;
	v54 =	vmul.f32 v47, v45  }
0x10a: {  	v15 =	vmul.f32 v40, v15;
	v20 =	vadd.f32 v20, v4;
	v29 =	vadd.f32 v29, v5;
	s14 =	spop (v2sf);
	s15 =	smul.f32 s5, s5  }
0x10b: {  	v52 =	vmul.f32 v55, v8;
	v53 =	vmul.f32 v55, v6;
	v55 =	vadd.f32 $1.500000000e+00, v54;
	s14 =	smul.f32 $7.812500000e-03, s14  }
0x10c: {  	v28 =	vadd.f32 v28, v10;
	v15 =	vadd.f32 v15, v13;
	v56 =	vmov s6  }
0x10d: {  	v31 =	vsub.f32 v31, v56;
	v22 =	vsub.f32 v22, v56;
	v41 =	vmul.f32 v47, v55;
	s13 =	ssub.f32 s14, s15  }
0x10e: {  	v25 =	vsub.f32 v25, v56;
	v16 =	vsub.f32 v16, v56;
	v30 =	vmul.f32 v52, v30  }
0x10f: {  	v18 =	vsub.f32 v18, v56;
	v32 =	vmul.f32 v53, v32;
	v57 =	vmul.f32 v41, v14;
	s15 =	sadd.f32 $9.999999960e-13, s13  }
0x110: {  	v19 =	vsub.f32 v19, v56;
	v58 =	vmul.f32 v41, v0;
	v61 =	vmul.f32 v41, v1  }
0x111: {  	v62 =	vmul.f32 v41, v3;
	v47 =	vmul.f32 v41, v2;
	v59 =	vmov s15  }
0x112: {  	[tilespmem:s3+$0x8870] =	vst v24;
	v24 =	vmul.f32 v41, v8;
	v60 =	vshrl.u32 v59, $0x1;
	v44 =	vmul.f32 $-5.000000000e-01, v59  }
0x113: {  	[tilespmem:s3+$0x8800] =	vst v23;
	v63 =	vmul.f32 v41, v6;
	v23 =	vmul.f32 v41, v7;
	v42 =	vsub.s32 $0x5F3759DF, v60  }
0x114: {  	v17 =	vsub.f32 v17, v56;
	v31 =	vmul.f32 v57, v31;
	v44 =	vmul.f32 v42, v44  }
0x115: {  	[tilespmem:s3+$0x8810] =	vst v20;
	v21 =	vsub.f32 v21, v56;
	v20 =	vmul.f32 v58, v22;
	v22 =	vmul.f32 v61, v25  }
0x116: {  	[tilespmem:s3+$0x8820] =	vst v29;
	v30 =	vadd.f32 v30, v11;
	v16 =	vmul.f32 v62, v16;
	v51 =	vmul.f32 v42, v44  }
0x117: {  	[tilespmem:s3+$0x8830] =	vst v28;
	v32 =	vadd.f32 v32, v12;
	v18 =	vmul.f32 v47, v18;
	v19 =	vmul.f32 v24, v19  }
0x118: {  	[tilespmem:s3+$0x8860] =	vst v15;
	v15 =	vmul.f32 v63, v17;
	v31 =	vadd.f32 v31, v26;
	v25 =	vadd.f32 $1.500000000e+00, v51  }
0x119: {  	[tilespmem:s3+$0x8840] =	vst v30;
	v21 =	vmul.f32 v23, v21;
	v20 =	vadd.f32 v20, v9;
	v22 =	vadd.f32 v22, v4  }
0x11a: {  	[tilespmem:s3+$0x8850] =	vst v32;
	v16 =	vadd.f32 v16, v5;
	v18 =	vadd.f32 v18, v10;
	v25 =	vmul.f32 v42, v25  }
0x11b: {  	v19 =	vadd.f32 v19, v11;
	v15 =	vadd.f32 v15, v12;
	v24 =	vmov s5;
	[tilespmem:s4+$0x8870] =	vst v31  }
0x11c: {  	v17 =	vsub.f32 v39, v24;
	[tilespmem:s4+$0x8800] =	vst v20;
	v14 =	vmul.f32 v25, v14;
	v0 =	vmul.f32 v25, v0  }
0x11d: {  	[tilespmem:s4+$0x8820] =	vst v16;
	v16 =	vsub.f32 v37, v24;
	v1 =	vmul.f32 v25, v1;
	v3 =	vmul.f32 v25, v3  }
0x11e: {  	[tilespmem:s4+$0x8830] =	vst v18;
	v18 =	vsub.f32 v34, v24;
	v2 =	vmul.f32 v25, v2;
	v8 =	vmul.f32 v25, v8  }
0x11f: {  	[tilespmem:s4+$0x8850] =	vst v15;
	v15 =	vsub.f32 v33, v24;
	v6 =	vmul.f32 v25, v6;
	v14 =	vmul.f32 v14, v17  }
0x120: {  	[tilespmem:s4+$0x8810] =	vst v22;
	v7 =	vmul.f32 v25, v7;
	v17 =	vadd.f32 v21, v13;
	v0 =	vmul.f32 v0, v16  }
0x121: {  	[tilespmem:s4+$0x8840] =	vst v19;
	v16 =	vsub.f32 v36, v24;
	v1 =	vmul.f32 v1, v18;
	v14 =	vadd.f32 v14, v26  }
0x122: {  	v2 =	vmul.f32 v2, v15;
	[tilespmem:s4+$0x8860] =	vst v17;
	v17 =	vsub.f32 v35, v24;
	v0 =	vadd.f32 v0, v9  }
0x123: {  	v3 =	vmul.f32 v3, v16;
	v9 =	vsub.f32 v27, v24;
	v1 =	vadd.f32 v1, v4;
	[tilespmem:s1+$0x8870] =	vst v14  }
0x124: {  	v4 =	vsub.f32 v38, v24;
	v2 =	vadd.f32 v2, v10;
	v8 =	vmul.f32 v8, v17;
	[tilespmem:s1+$0x8800] =	vst v0  }
0x125: {  	v0 =	vadd.f32 v3, v5;
	v3 =	vmul.f32 v6, v9;
	[tilespmem:s1+$0x8810] =	vst v1  }
0x126: {  	v1 =	vmul.f32 v7, v4;
	[tilespmem:s1+$0x8830] =	vst v2;
	v4 =	vadd.f32 v8, v11  }
0x127: {  	[tilespmem:s1+$0x8820] =	vst v0;
	v0 =	vadd.f32 v3, v12  }
0x128: {  	s31 =	sor.u32 $0x1, s2;
	v1 =	vadd.f32 v1, v13;
	[tilespmem:s1+$0x8840] =	vst v4  }
0x129: {  	s2 =	sshll.u32 s31, $0x8;
	[tilespmem:s1+$0x8850] =	vst v0  }
0x12a: {  	s3 =	sand.u32 $0x3FFFFF00, s2;
	[tilespmem:s1+$0x8860] =	vst v1  }
0x12b: {  	[tilespmem:s18], [sflag:$0x1] =	stream.indirect.gather [hbm4b:s0+s17], $0x80, s3, s17, $0xb8;
	[tilespmem:$0x1B580] =	vst v63  }
0x12c: {  	_ =	swait.ge [sflag:s22], $0x3200  }
0x12d: {  	[sflag:s22] =	ssyncset.done $0x0  }
0x12e: {  	s4 =	simm.s32 $0x0;
	[sflag:s22] =	ssyncadd.s32 $0xFFFFCE00  }
0x12f: {  	v0 =	vld [tilespmem:s4+$0x5400]  }
0x130: {  	v1 =	vld [tilespmem:s4+$0x18200]  }
0x131: {  	v2 =	vld [tilespmem:s4+$0x5410]  }
0x132: {  	v3 =	vld [tilespmem:s4+$0x18210]  }
0x133: {  	v4 =	vld [tilespmem:s4+$0x5420]  }
0x134: {  	v5 =	vld [tilespmem:s4+$0x18220]  }
0x135: {  	v6 =	vld [tilespmem:s4+$0x5430]  }
0x136: {  	v7 =	vld [tilespmem:s4+$0x18230]  }
0x137: {  	v8 =	vld [tilespmem:s4+$0x5440]  }
0x138: {  	v9 =	vld [tilespmem:s4+$0x18240]  }
0x139: {  	v10 =	vld [tilespmem:s4+$0x5450]  }
0x13a: {  	v11 =	vld [tilespmem:s4+$0x18250]  }
0x13b: {  	v12 =	vld [tilespmem:s4+$0x5460]  }
0x13c: {  	v13 =	vld [tilespmem:s4+$0x18260]  }
0x13d: {  	v14 =	vld [tilespmem:s4+$0x5470]  }
0x13e: {  	v16 =	vld [tilespmem:s4+$0x18270];
	_ =	sdelay $0x1  }
0x13f: {  	v23 =	vadd.f32 v1, v0;
	v20 =	vadd.f32 v3, v2  }
0x140: {  	v29 =	vadd.f32 v5, v4;
	v28 =	vadd.f32 v7, v6  }
0x141: {  	v30 =	vadd.f32 v9, v8;
	v32 =	vadd.f32 v11, v10  }
0x142: {  	v15 =	vadd.f32 v13, v12;
	v24 =	vadd.f32 v16, v14  }
0x143: {  	s1 =	simm.s32 $0x80;
	v4 =	vadd.f32 v20, v23;
	v5 =	vmul.f32 v23, v23;
	v6 =	vmul.f32 v20, v20  }
0x144: {  	v17 =	vld [tilespmem:s1+$0x18240];
	v7 =	vadd.f32 v28, v29;
	v8 =	vmul.f32 v29, v29;
	v9 =	vmul.f32 v28, v28  }
0x145: {  	v21 =	vld [tilespmem:s1+$0x5450];
	v10 =	vadd.f32 v32, v30;
	v11 =	vmul.f32 v30, v30;
	v12 =	vadd.f32 v24, v15  }
0x146: {  	v26 =	vld [tilespmem:s1+$0x18250];
	v13 =	vmul.f32 v32, v32;
	v14 =	vmul.f32 v15, v15  }
0x147: {  	v27 =	vld [tilespmem:s1+$0x5460];
	v4 =	vadd.f32 v7, v4;
	v7 =	vmul.f32 v24, v24;
	v10 =	vadd.f32 v12, v10  }
0x148: {  	v31 =	vld [tilespmem:s1+$0x18260];
	v5 =	vadd.f32 v6, v5;
	v6 =	vadd.f32 v9, v8  }
0x149: {  	v52 =	vld [tilespmem:s1+$0x5470];
	v8 =	vadd.f32 v13, v11;
	v7 =	vadd.f32 v7, v14  }
0x14a: {  	s2 =	simm.s32 $0x100;
	v53 =	vld [tilespmem:s1+$0x18270];
	v4 =	vadd.f32 v10, v4  }
0x14b: {  	v63 =	vld [tilespmem:s2+$0x5400];
	v5 =	vadd.f32 v6, v5;
	v6 =	vadd.f32 v7, v8  }
0x14c: {  	v50 =	vld [tilespmem:s2+$0x18200];
	(xrf2) =	vadd.scan.msk.f32 $0xffff, v4  }
0x14d: {  	v51 =	vld [tilespmem:s2+$0x5410];
	v5 =	vadd.f32 v6, v5  }
0x14e: {  	v12 =	vld [tilespmem:s1+$0x5400]  }
0x14f: {  	v9 =	vld [tilespmem:s1+$0x18200];
	(xrf2) =	vadd.scan.msk.f32 $0xffff, v5  }
0x150: {  	v11 =	vld [tilespmem:s1+$0x5410]  }
0x151: {  	v13 =	vld [tilespmem:s1+$0x5430]  }
0x152: {  	v10 =	vld [tilespmem:s1+$0x18210]  }
0x153: {  	v7 =	vld [tilespmem:s1+$0x5420]  }
0x154: {  	v4 =	vld [tilespmem:s1+$0x18220]  }
0x155: {  	v14 =	vld [tilespmem:s1+$0x18230]  }
0x156: {  	v38 =	vld [tilespmem:s2+$0x5460];
	v6, _, _ =	vpop (xrf2)  }
0x157: {  	v39 =	vld [tilespmem:s2+$0x18260];
	(v2sf) =	vpush v6, $0xF  }
0x158: {  	v22 =	vadd.f32 v9, v12;
	v5 =	vld [tilespmem:s1+$0x5440]  }
0x159: {  	v41 =	vld [tilespmem:s2+$0x5470];
	v25 =	vadd.f32 v10, v11;
	v16 =	vadd.f32 v4, v7;
	v4, _, _ =	vpop (xrf2)  }
0x15a: {  	v43 =	vld [tilespmem:s2+$0x18270];
	v18 =	vadd.f32 v14, v13;
	(v2sf) =	vpush v4, $0xF  }
0x15b: {  	v0 =	vld [tilespmem:$0x1B480]  }
0x15c: {  	v1 =	vld [tilespmem:$0x1B490];
	v13 =	vadd.f32 v25, v22;
	v56 =	vmul.f32 v18, v18;
	v54 =	vadd.f32 v18, v16  }
0x15d: {  	v3 =	vld [tilespmem:$0x1B4A0];
	v55 =	vmul.f32 v16, v16;
	v19 =	vadd.f32 v17, v5;
	v17 =	vadd.f32 v26, v21  }
0x15e: {  	v2 =	vld [tilespmem:$0x1B4B0];
	v21 =	vadd.f32 v31, v27;
	v31 =	vadd.f32 v53, v52;
	v26 =	vmul.f32 v22, v22  }
0x15f: {  	v8 =	vld [tilespmem:$0x1B4C0];
	v27 =	vmul.f32 v25, v25;
	v33 =	vadd.f32 v54, v13;
	v57 =	vadd.f32 v17, v19  }
0x160: {  	v9 =	vld [tilespmem:$0x1B500];
	v58 =	vmul.f32 v19, v19;
	v59 =	vadd.f32 v31, v21;
	v60 =	vmul.f32 v17, v17  }
0x161: {  	v12 =	vld [tilespmem:$0x1B550];
	v61 =	vmul.f32 v21, v21;
	v62 =	vmul.f32 v31, v31;
	v26 =	vadd.f32 v27, v26  }
0x162: {  	v14 =	vld [tilespmem:$0x1B4F0];
	v27 =	vadd.f32 v56, v55;
	v36 =	vadd.f32 v59, v57  }
0x163: {  	v10 =	vld [tilespmem:$0x1B530];
	v48 =	vadd.f32 v60, v58;
	v49 =	vadd.f32 v62, v61  }
0x164: {  	v11 =	vld [tilespmem:$0x1B540];
	v33 =	vadd.f32 v36, v33  }
0x165: {  	v7 =	vld [tilespmem:$0x1B4E0];
	v26 =	vadd.f32 v27, v26;
	v27 =	vadd.f32 v49, v48  }
0x166: {  	v52 =	vld [tilespmem:s2+$0x18210];
	(xrf2) =	vadd.scan.msk.f32 $0xffff, v33;
	s13 =	spop (v2sf)  }
0x167: {  	v53 =	vld [tilespmem:s2+$0x5420];
	v26 =	vadd.f32 v27, v26;
	s5 =	smul.f32 $7.812500000e-03, s13  }
0x168: {  	v54 =	vld [tilespmem:s2+$0x5430]  }
0x169: {  	v55 =	vld [tilespmem:s2+$0x18230];
	(xrf2) =	vadd.scan.msk.f32 $0xffff, v26;
	s14 =	smul.f32 s5, s5;
	s15 =	spop (v2sf)  }
0x16a: {  	v56 =	vld [tilespmem:s2+$0x5440];
	s13 =	smul.f32 $7.812500000e-03, s15  }
0x16b: {  	v57 =	vld [tilespmem:s2+$0x18240]  }
0x16c: {  	v58 =	vld [tilespmem:s2+$0x5450];
	s6 =	ssub.f32 s13, s14  }
0x16d: {  	v59 =	vld [tilespmem:s2+$0x18250]  }
0x16e: {  	v27 =	vld [tilespmem:s2+$0x18220];
	s6 =	sadd.f32 $9.999999960e-13, s6  }
0x16f: {  	v5 =	vld [tilespmem:$0x1B520]  }
0x170: {  	v37 =	vadd.f32 v50, v63;
	v13 =	vld [tilespmem:$0x1B560];
	v35 =	vadd.f32 v52, v51;
	v60, _, _ =	vpop (xrf2);
	v61 =	vmov s6  }
0x171: {  	v6 =	vld [tilespmem:$0x1B4D0];
	(v2sf) =	vpush v60, $0xF;
	v62 =	vshrl.u32 v61, $0x1;
	v63 =	vmul.f32 $-5.000000000e-01, v61  }
0x172: {  	v4 =	vld [tilespmem:$0x1B510];
	v33 =	vadd.f32 v55, v54;
	v34 =	vadd.f32 v57, v56;
	v40 =	vsub.s32 $0x5F3759DF, v62  }
0x173: {  	v26 =	vld [tilespmem:$0x1B570];
	v36 =	vadd.f32 v27, v53;
	v27 =	vadd.f32 v59, v58;
	v44, _, _ =	vpop (xrf2);
	s6 =	simm.s32 $0x600;
	v42 =	vmul.f32 v40, v63  }
.LBB2_7:
0x174: {  	p1 =	sne.s32 s6, $0xC600;
	v38 =	vadd.f32 v39, v38;
	(v2sf) =	vpush v44, $0xF;
	s13 =	smov.u32 s2  }
0x175: {  	v39 =	vadd.f32 v43, v41;
	v41 =	vadd.f32 v35, v37;
	v42 =	vmul.f32 v40, v42  }
0x176: {  	v44 =	vmul.f32 v37, v37;
	v45 =	vmul.f32 v35, v35;
	v43 =	vadd.f32 v33, v36  }
0x177: {  	v46 =	vmul.f32 v36, v36;
	v47 =	vmul.f32 v33, v33;
	v42 =	vadd.f32 $1.500000000e+00, v42  }
0x178: {  	v48 =	vadd.f32 v27, v34;
	v49 =	vmul.f32 v34, v34;
	v50 =	vmul.f32 v27, v27  }
0x179: {  	v52 =	vmul.f32 v38, v38;
	v51 =	vadd.f32 v39, v38;
	v40 =	vmul.f32 v40, v42  }
0x17a: {  	s2 =	sshra.s32 s6, $0x2;
	v41 =	vadd.f32 v43, v41;
	v43 =	vmov s5;
	v42 =	vmul.f32 v39, v39  }
0x17b: {  	v48 =	vadd.f32 v51, v48;
	v51 =	vsub.f32 v24, v43;
	v24 =	vmovc v31;
	v53 =	vld [tilespmem:s2+$0x5400];
	v54 =	vmul.f32 v40, v14  }
0x17c: {  	v44 =	vadd.f32 v45, v44;
	v45 =	vadd.f32 v47, v46;
	v31 =	vmovc v39;
	v46 =	vmul.f32 v40, v0;
	v55 =	vld [tilespmem:s2+$0x18200]  }
0x17d: {  	v39 =	vadd.f32 v50, v49;
	v42 =	vadd.f32 v42, v52;
	v47 =	vld [tilespmem:s2+$0x5410];
	v49 =	vmul.f32 v54, v51  }
0x17e: {  	v44 =	vadd.f32 v45, v44;
	v41 =	vadd.f32 v48, v41;
	v45 =	vmul.f32 v40, v1;
	v50 =	vld [tilespmem:s2+$0x18210]  }
0x17f: {  	v39 =	vadd.f32 v42, v39;
	v42 =	vmul.f32 v40, v3;
	v48 =	vld [tilespmem:s2+$0x5420];
	v49 =	vadd.f32 v49, v26  }
0x180: {  	v57 =	vsub.f32 v23, v43;
	v52 =	vmul.f32 v40, v8;
	v51 =	vld [tilespmem:s2+$0x18220];
	(xrf2) =	vadd.scan.msk.f32 $0xffff, v41;
	s5 =	spop (v2sf);
	v41 =	vmul.f32 v40, v2  }
0x181: {  	v39 =	vadd.f32 v39, v44;
	v44 =	vmul.f32 v40, v6;
	v40 =	vmul.f32 v40, v7;
	v54 =	vld [tilespmem:s2+$0x5430];
	s5 =	smul.f32 $7.812500000e-03, s5;
	[tilespmem:s4+$0xBA70] =	vst v49  }
0x182: {  	v56 =	vsub.f32 v20, v43;
	v29 =	vsub.f32 v29, v43;
	v23 =	vmovc v22;
	v46 =	vmul.f32 v46, v57;
	v49 =	vld [tilespmem:s2+$0x18230]  }
0x183: {  	v28 =	vsub.f32 v28, v43;
	v30 =	vsub.f32 v30, v43;
	v22 =	vmovc v37;
	v20 =	vmov v25;
	v57 =	vld [tilespmem:s2+$0x5440];
	(xrf2) =	vadd.scan.msk.f32 $0xffff, v39;
	s14 =	smul.f32 s5, s5;
	s15 =	spop (v2sf)  }
0x184: {  	v32 =	vsub.f32 v32, v43;
	v37 =	vsub.f32 v15, v43;
	v15 =	vmovc v21;
	v56 =	vmul.f32 v45, v56;
	v58 =	vld [tilespmem:s2+$0x18240];
	s15 =	smul.f32 $7.812500000e-03, s15  }
0x185: {  	v21 =	vmovc v38;
	v43 =	vmul.f32 v42, v29;
	v28 =	vmul.f32 v41, v28;
	v39 =	vadd.f32 v46, v9;
	v45 =	vld [tilespmem:s2+$0x5450]  }
0x186: {  	v25 =	vmovc v35;
	v32 =	vmul.f32 v44, v32;
	v41 =	vadd.f32 v56, v4;
	v56 =	vmul.f32 v52, v30;
	v42 =	vld [tilespmem:s2+$0x18250];
	s14 =	ssub.f32 s15, s14  }
0x187: {  	v35 =	vadd.f32 v43, v5;
	v37 =	vmul.f32 v40, v37;
	v44 =	vadd.f32 v28, v10;
	v38 =	vld [tilespmem:s2+$0x5460];
	[tilespmem:s4+$0xBA00] =	vst v39  }
0x188: {  	v29 =	vmovc v16;
	v16 =	vmov v36;
	v46 =	vadd.f32 v32, v12;
	v40 =	vadd.f32 v56, v11;
	v39 =	vld [tilespmem:s2+$0x18260];
	s14 =	sadd.f32 $9.999999960e-13, s14;
	[tilespmem:s4+$0xBA10] =	vst v41  }
.Ltmp2:
0x189: {  	v30 =	vmovc v19;
	v19 =	vmovc v34;
	v52 =	vadd.f32 v37, v13;
	v28 =	vmov v18;
	v18 =	vmov v33;
	v41 =	vld [tilespmem:s2+$0x5470];
	[tilespmem:s4+$0xBA20] =	vst v35;
	(pc) =	sbr.rel @p1 .LBB2_7-.Ltmp2, $4  }
0x18a: {  	v37 =	vadd.f32 v55, v53;
	v35 =	vadd.f32 v50, v47;
	v43 =	vld [tilespmem:s2+$0x18270];
	v32, _, _ =	vpop (xrf2);
	v33 =	vmov s14;
	[tilespmem:s4+$0xBA30] =	vst v44  }
0x18b: {  	(v2sf) =	vpush v32, $0xF;
	v34 =	vshrl.u32 v33, $0x1;
	v47 =	vmul.f32 $-5.000000000e-01, v33;
	[tilespmem:s4+$0xBA40] =	vst v40;
	v32 =	vmovc v17;
	v17 =	vmovc v27  }
0x18c: {  	v36 =	vadd.f32 v51, v48;
	v33 =	vadd.f32 v49, v54;
	v40 =	vsub.s32 $0x5F3759DF, v34;
	[tilespmem:s4+$0xBA50] =	vst v46  }
0x18d: {  	s6 =	sadd.s32 $0x200, s6;
	v27 =	vadd.f32 v42, v45;
	v34 =	vadd.f32 v58, v57;
	v44, _, _ =	vpop (xrf2);
	v42 =	vmul.f32 v40, v47;
	[tilespmem:s4+$0xBA60] =	vst v52;
	s4 =	smov.u32 s1;
	s1 =	smov.u32 s13  }
0x18e: {  	v38 =	vadd.f32 v39, v38  }
0x18f: {  	v59 =	vadd.f32 v35, v37;
	v60 =	vmul.f32 v37, v37;
	v45 =	vadd.f32 v33, v36  }
0x190: {  	v46 =	vmul.f32 v35, v35;
	v47 =	vmul.f32 v36, v36;
	v39 =	vadd.f32 v43, v41  }
0x191: {  	v48 =	vmul.f32 v33, v33;
	v49 =	vadd.f32 v27, v34;
	v51 =	vmul.f32 v34, v34  }
0x192: {  	v52 =	vmul.f32 v27, v27;
	v41 =	vadd.f32 v45, v59;
	v50 =	vadd.f32 v39, v38  }
0x193: {  	v61 =	vmul.f32 v38, v38;
	v43 =	vadd.f32 v46, v60;
	v62 =	vmul.f32 v39, v39  }
0x194: {  	v63 =	vadd.f32 v48, v47;
	v49 =	vadd.f32 v50, v49  }
0x195: {  	v48 =	vadd.f32 v52, v51;
	v45 =	vadd.f32 v62, v61  }
0x196: {  	v41 =	vadd.f32 v49, v41  }
0x197: {  	v43 =	vadd.f32 v63, v43;
	v45 =	vadd.f32 v45, v48  }
0x198: {  	(xrf2) =	vadd.scan.msk.f32 $0xffff, v41  }
0x199: {  	(v2sf) =	vpush v44, $0xF;
	v51 =	vadd.f32 v45, v43;
	_ =	sdelay $0x1  }
0x19a: {  	(xrf2) =	vadd.scan.msk.f32 $0xffff, v51;
	_ =	sdelay $0x6  }
0x19b: {  	v52, _, _ =	vpop (xrf2)  }
0x19c: {  	(v2sf) =	vpush v52, $0xF;
	_ =	sdelay $0x1  }
0x19d: {  	s6 =	spop (v2sf);
	v53, _, _ =	vpop (xrf2)  }
0x19e: {  	s6 =	smul.f32 $7.812500000e-03, s6;
	(v2sf) =	vpush v53, $0xF  }
0x19f: {  	v42 =	vmul.f32 v40, v42  }
0x1a0: {  	s13 =	spop (v2sf);
	s14 =	smul.f32 s6, s6  }
0x1a1: {  	v54 =	vadd.f32 $1.500000000e+00, v42;
	s13 =	smul.f32 $7.812500000e-03, s13  }
0x1a2: {  	v56 =	vmov s5  }
0x1a3: {  	v24 =	vsub.f32 v24, v56;
	v55 =	vmul.f32 v40, v54;
	s13 =	ssub.f32 s13, s14  }
0x1a4: {  	v23 =	vsub.f32 v23, v56;
	v20 =	vsub.f32 v20, v56  }
0x1a5: {  	v29 =	vsub.f32 v29, v56;
	v28 =	vsub.f32 v28, v56;
	v57 =	vmul.f32 v55, v14;
	s5 =	sadd.f32 $9.999999960e-13, s13  }
0x1a6: {  	v30 =	vsub.f32 v30, v56;
	v58 =	vmul.f32 v55, v0;
	v59 =	vmul.f32 v55, v1  }
0x1a7: {  	v60 =	vmul.f32 v55, v3;
	v62 =	vmul.f32 v55, v2;
	v61 =	vmov s5  }
0x1a8: {  	v40 =	vmul.f32 v55, v7;
	v63 =	vshrl.u32 v61, $0x1;
	v45 =	vmul.f32 $-5.000000000e-01, v61  }
0x1a9: {  	v24 =	vmul.f32 v57, v24;
	v23 =	vmul.f32 v58, v23;
	v47 =	vsub.s32 $0x5F3759DF, v63  }
0x1aa: {  	v32 =	vsub.f32 v32, v56;
	v20 =	vmul.f32 v59, v20;
	v45 =	vmul.f32 v47, v45;
	s14 =	spop (v2sf)  }
0x1ab: {  	v15 =	vsub.f32 v15, v56;
	v29 =	vmul.f32 v60, v29;
	v28 =	vmul.f32 v62, v28;
	s5 =	smul.f32 $7.812500000e-03, s14  }
0x1ac: {  	v24 =	vadd.f32 v24, v26;
	v23 =	vadd.f32 v23, v9;
	v54 =	vmul.f32 v47, v45  }
0x1ad: {  	v15 =	vmul.f32 v40, v15;
	v20 =	vadd.f32 v20, v4;
	v29 =	vadd.f32 v29, v5;
	s15 =	spop (v2sf);
	s13 =	smul.f32 s5, s5  }
0x1ae: {  	v52 =	vmul.f32 v55, v8;
	v53 =	vmul.f32 v55, v6;
	v55 =	vadd.f32 $1.500000000e+00, v54;
	s14 =	smul.f32 $7.812500000e-03, s15  }
0x1af: {  	v28 =	vadd.f32 v28, v10;
	v15 =	vadd.f32 v15, v13;
	v56 =	vmov s6  }
0x1b0: {  	v31 =	vsub.f32 v31, v56;
	v22 =	vsub.f32 v22, v56;
	v41 =	vmul.f32 v47, v55;
	s13 =	ssub.f32 s14, s13  }
0x1b1: {  	v25 =	vsub.f32 v25, v56;
	v16 =	vsub.f32 v16, v56;
	v30 =	vmul.f32 v52, v30  }
0x1b2: {  	v18 =	vsub.f32 v18, v56;
	v32 =	vmul.f32 v53, v32;
	v57 =	vmul.f32 v41, v14;
	s15 =	sadd.f32 $9.999999960e-13, s13  }
0x1b3: {  	v19 =	vsub.f32 v19, v56;
	v58 =	vmul.f32 v41, v0;
	v61 =	vmul.f32 v41, v1  }
0x1b4: {  	v62 =	vmul.f32 v41, v3;
	v47 =	vmul.f32 v41, v2;
	v59 =	vmov s15  }
0x1b5: {  	[tilespmem:s4+$0xBA70] =	vst v24;
	v24 =	vmul.f32 v41, v8;
	v60 =	vshrl.u32 v59, $0x1;
	v44 =	vmul.f32 $-5.000000000e-01, v59  }
0x1b6: {  	[tilespmem:s4+$0xBA00] =	vst v23;
	v63 =	vmul.f32 v41, v6;
	v23 =	vmul.f32 v41, v7;
	v42 =	vsub.s32 $0x5F3759DF, v60  }
0x1b7: {  	v17 =	vsub.f32 v17, v56;
	v31 =	vmul.f32 v57, v31;
	v44 =	vmul.f32 v42, v44  }
0x1b8: {  	[tilespmem:s4+$0xBA10] =	vst v20;
	v21 =	vsub.f32 v21, v56;
	v20 =	vmul.f32 v58, v22;
	v22 =	vmul.f32 v61, v25  }
0x1b9: {  	[tilespmem:s4+$0xBA20] =	vst v29;
	v30 =	vadd.f32 v30, v11;
	v16 =	vmul.f32 v62, v16;
	v51 =	vmul.f32 v42, v44  }
0x1ba: {  	[tilespmem:s4+$0xBA30] =	vst v28;
	v32 =	vadd.f32 v32, v12;
	v18 =	vmul.f32 v47, v18;
	v19 =	vmul.f32 v24, v19  }
0x1bb: {  	[tilespmem:s4+$0xBA60] =	vst v15;
	v15 =	vmul.f32 v63, v17;
	v31 =	vadd.f32 v31, v26;
	v25 =	vadd.f32 $1.500000000e+00, v51  }
0x1bc: {  	[tilespmem:s4+$0xBA40] =	vst v30;
	v21 =	vmul.f32 v23, v21;
	v20 =	vadd.f32 v20, v9;
	v22 =	vadd.f32 v22, v4  }
0x1bd: {  	[tilespmem:s4+$0xBA50] =	vst v32;
	v16 =	vadd.f32 v16, v5;
	v18 =	vadd.f32 v18, v10;
	v25 =	vmul.f32 v42, v25  }
0x1be: {  	v19 =	vadd.f32 v19, v11;
	v15 =	vadd.f32 v15, v12;
	v24 =	vmov s5;
	[tilespmem:s1+$0xBA70] =	vst v31  }
0x1bf: {  	v17 =	vsub.f32 v39, v24;
	[tilespmem:s1+$0xBA00] =	vst v20;
	v14 =	vmul.f32 v25, v14;
	v0 =	vmul.f32 v25, v0  }
0x1c0: {  	[tilespmem:s1+$0xBA20] =	vst v16;
	v16 =	vsub.f32 v37, v24;
	v1 =	vmul.f32 v25, v1;
	v3 =	vmul.f32 v25, v3  }
0x1c1: {  	[tilespmem:s1+$0xBA30] =	vst v18;
	v18 =	vsub.f32 v35, v24;
	v2 =	vmul.f32 v25, v2;
	v8 =	vmul.f32 v25, v8  }
0x1c2: {  	[tilespmem:s1+$0xBA50] =	vst v15;
	v15 =	vsub.f32 v33, v24;
	v6 =	vmul.f32 v25, v6;
	v14 =	vmul.f32 v14, v17  }
0x1c3: {  	[tilespmem:s1+$0xBA10] =	vst v22;
	v7 =	vmul.f32 v25, v7;
	v17 =	vadd.f32 v21, v13;
	v0 =	vmul.f32 v0, v16  }
0x1c4: {  	[tilespmem:s1+$0xBA40] =	vst v19;
	v16 =	vsub.f32 v36, v24;
	v1 =	vmul.f32 v1, v18;
	v14 =	vadd.f32 v14, v26  }
0x1c5: {  	v2 =	vmul.f32 v2, v15;
	[tilespmem:s1+$0xBA60] =	vst v17;
	v17 =	vsub.f32 v34, v24;
	v0 =	vadd.f32 v0, v9  }
0x1c6: {  	v3 =	vmul.f32 v3, v16;
	v9 =	vsub.f32 v27, v24;
	v1 =	vadd.f32 v1, v4;
	[tilespmem:s2+$0xBA70] =	vst v14  }
0x1c7: {  	v4 =	vsub.f32 v38, v24;
	v2 =	vadd.f32 v2, v10;
	v8 =	vmul.f32 v8, v17;
	[tilespmem:s2+$0xBA00] =	vst v0  }
0x1c8: {  	v0 =	vadd.f32 v3, v5;
	v3 =	vmul.f32 v6, v9;
	[tilespmem:s2+$0xBA10] =	vst v1  }
0x1c9: {  	v1 =	vmul.f32 v7, v4;
	[tilespmem:s2+$0xBA30] =	vst v2;
	v4 =	vadd.f32 v8, v11  }
0x1ca: {  	[tilespmem:s2+$0xBA20] =	vst v0;
	v0 =	vadd.f32 v3, v12  }
0x1cb: {  	v1 =	vadd.f32 v1, v13;
	[tilespmem:s2+$0xBA40] =	vst v4  }
0x1cc: {  	[tilespmem:s2+$0xBA50] =	vst v0  }
0x1cd: {  	s4 =	sadd.s32 $0x80, s3;
	s5 =	smul.u32 $0xC80, s30;
	[tilespmem:s2+$0xBA60] =	vst v1  }
0x1ce: {  	[tilespmem:s20], [sflag:$0x2] =	stream.indirect.gather [hbm4b:s0+s17], $0x80, s4, s17, $0xb8;
	[tilespmem:$0x1B580] =	vst v63  }
0x1cf: {  	s6 =	sadd.s32 s7, s5  }
0x1d0: {  	[hbm4b:s6+s8] =	stream.linear.scatter [tilespmem:s23], [sflag:$0x3], $0x6400, $0x38;
	[tilespmem:$0x1B580] =	vst v63  }
0x1d1: {  	_ =	swait.ge [sflag:s21], $0x3200  }
0x1d2: {  	[sflag:s21] =	ssyncset.done $0x0  }
0x1d3: {  	s1 =	simm.s32 @!p0 $0x4;
	[sflag:s21] =	ssyncadd.s32 $0xFFFFCE00  }
0x1d4: {  	_ =	swait.ge @!p0 [sflag:s1], $0x6400  }
0x1d5: {  	[sflag:s1] =	ssyncset.done @!p0 $0x0  }
0x1d6: {  	s3 =	simm.s32 $0x0;
	[sflag:s1] =	ssyncadd.s32 @!p0 $0xFFFF9C00  }
0x1d7: {  	v0 =	vld [tilespmem:s3+$0x2000]  }
0x1d8: {  	v1 =	vld [tilespmem:s3+$0x15000]  }
0x1d9: {  	v2 =	vld [tilespmem:s3+$0x2010]  }
0x1da: {  	v3 =	vld [tilespmem:s3+$0x15010]  }
0x1db: {  	v4 =	vld [tilespmem:s3+$0x2020]  }
0x1dc: {  	v5 =	vld [tilespmem:s3+$0x15020]  }
0x1dd: {  	v6 =	vld [tilespmem:s3+$0x2030]  }
0x1de: {  	v7 =	vld [tilespmem:s3+$0x15030]  }
0x1df: {  	v8 =	vld [tilespmem:s3+$0x2040]  }
0x1e0: {  	v9 =	vld [tilespmem:s3+$0x15040]  }
0x1e1: {  	v10 =	vld [tilespmem:s3+$0x2050]  }
0x1e2: {  	v11 =	vld [tilespmem:s3+$0x15050]  }
0x1e3: {  	v12 =	vld [tilespmem:s3+$0x2060]  }
0x1e4: {  	v13 =	vld [tilespmem:s3+$0x15060]  }
0x1e5: {  	v14 =	vld [tilespmem:s3+$0x2070]  }
0x1e6: {  	v16 =	vld [tilespmem:s3+$0x15070];
	_ =	sdelay $0x1  }
0x1e7: {  	v23 =	vadd.f32 v1, v0;
	v20 =	vadd.f32 v3, v2  }
0x1e8: {  	v29 =	vadd.f32 v5, v4;
	v28 =	vadd.f32 v7, v6  }
0x1e9: {  	v30 =	vadd.f32 v9, v8;
	v32 =	vadd.f32 v11, v10  }
0x1ea: {  	v15 =	vadd.f32 v13, v12;
	v24 =	vadd.f32 v16, v14  }
0x1eb: {  	s4 =	simm.s32 $0x80;
	v4 =	vadd.f32 v20, v23;
	v5 =	vmul.f32 v23, v23;
	v6 =	vmul.f32 v20, v20  }
0x1ec: {  	v17 =	vld [tilespmem:s4+$0x15040];
	v7 =	vadd.f32 v28, v29;
	v8 =	vmul.f32 v29, v29;
	v9 =	vmul.f32 v28, v28  }
0x1ed: {  	v21 =	vld [tilespmem:s4+$0x2050];
	v10 =	vadd.f32 v32, v30;
	v11 =	vmul.f32 v30, v30;
	v12 =	vadd.f32 v24, v15  }
0x1ee: {  	v26 =	vld [tilespmem:s4+$0x15050];
	v13 =	vmul.f32 v32, v32;
	v14 =	vmul.f32 v15, v15  }
0x1ef: {  	v27 =	vld [tilespmem:s4+$0x2060];
	v4 =	vadd.f32 v7, v4;
	v7 =	vmul.f32 v24, v24;
	v10 =	vadd.f32 v12, v10  }
0x1f0: {  	v31 =	vld [tilespmem:s4+$0x15060];
	v5 =	vadd.f32 v6, v5;
	v6 =	vadd.f32 v9, v8  }
0x1f1: {  	v52 =	vld [tilespmem:s4+$0x2070];
	v8 =	vadd.f32 v13, v11;
	v7 =	vadd.f32 v7, v14  }
0x1f2: {  	s1 =	simm.s32 $0x100;
	v53 =	vld [tilespmem:s4+$0x15070];
	v4 =	vadd.f32 v10, v4  }
0x1f3: {  	v63 =	vld [tilespmem:s1+$0x2000];
	v5 =	vadd.f32 v6, v5;
	v6 =	vadd.f32 v7, v8  }
0x1f4: {  	v50 =	vld [tilespmem:s1+$0x15000];
	(xrf2) =	vadd.scan.msk.f32 $0xffff, v4  }
0x1f5: {  	v51 =	vld [tilespmem:s1+$0x2010];
	v5 =	vadd.f32 v6, v5  }
0x1f6: {  	v12 =	vld [tilespmem:s4+$0x2000]  }
0x1f7: {  	v9 =	vld [tilespmem:s4+$0x15000];
	(xrf2) =	vadd.scan.msk.f32 $0xffff, v5  }
0x1f8: {  	v11 =	vld [tilespmem:s4+$0x2010]  }
0x1f9: {  	v13 =	vld [tilespmem:s4+$0x2030]  }
0x1fa: {  	v10 =	vld [tilespmem:s4+$0x15010]  }
0x1fb: {  	v7 =	vld [tilespmem:s4+$0x2020]  }
0x1fc: {  	v4 =	vld [tilespmem:s4+$0x15020]  }
0x1fd: {  	v14 =	vld [tilespmem:s4+$0x15030]  }
0x1fe: {  	v38 =	vld [tilespmem:s1+$0x2060];
	v6, _, _ =	vpop (xrf2)  }
0x1ff: {  	v39 =	vld [tilespmem:s1+$0x15060];
	(v2sf) =	vpush v6, $0xF  }
0x200: {  	v22 =	vadd.f32 v9, v12;
	v5 =	vld [tilespmem:s4+$0x2040]  }
0x201: {  	v41 =	vld [tilespmem:s1+$0x2070];
	v25 =	vadd.f32 v10, v11;
	v16 =	vadd.f32 v4, v7;
	v4, _, _ =	vpop (xrf2)  }
0x202: {  	v43 =	vld [tilespmem:s1+$0x15070];
	v18 =	vadd.f32 v14, v13;
	(v2sf) =	vpush v4, $0xF  }
0x203: {  	v0 =	vld [tilespmem:$0x1B480]  }
0x204: {  	v1 =	vld [tilespmem:$0x1B490];
	v13 =	vadd.f32 v25, v22;
	v56 =	vmul.f32 v18, v18;
	v54 =	vadd.f32 v18, v16  }
0x205: {  	v3 =	vld [tilespmem:$0x1B4A0];
	v55 =	vmul.f32 v16, v16;
	v19 =	vadd.f32 v17, v5;
	v17 =	vadd.f32 v26, v21  }
0x206: {  	v2 =	vld [tilespmem:$0x1B4B0];
	v21 =	vadd.f32 v31, v27;
	v31 =	vadd.f32 v53, v52;
	v26 =	vmul.f32 v22, v22  }
0x207: {  	v8 =	vld [tilespmem:$0x1B4C0];
	v27 =	vmul.f32 v25, v25;
	v33 =	vadd.f32 v54, v13;
	v57 =	vadd.f32 v17, v19  }
0x208: {  	v9 =	vld [tilespmem:$0x1B500];
	v58 =	vmul.f32 v19, v19;
	v59 =	vadd.f32 v31, v21;
	v60 =	vmul.f32 v17, v17  }
0x209: {  	v12 =	vld [tilespmem:$0x1B550];
	v61 =	vmul.f32 v21, v21;
	v62 =	vmul.f32 v31, v31;
	v26 =	vadd.f32 v27, v26  }
0x20a: {  	v14 =	vld [tilespmem:$0x1B4F0];
	v27 =	vadd.f32 v56, v55;
	v36 =	vadd.f32 v59, v57  }
0x20b: {  	v10 =	vld [tilespmem:$0x1B530];
	v48 =	vadd.f32 v60, v58;
	v49 =	vadd.f32 v62, v61  }
0x20c: {  	v11 =	vld [tilespmem:$0x1B540];
	v33 =	vadd.f32 v36, v33  }
0x20d: {  	v7 =	vld [tilespmem:$0x1B4E0];
	v26 =	vadd.f32 v27, v26;
	v27 =	vadd.f32 v49, v48  }
0x20e: {  	v52 =	vld [tilespmem:s1+$0x15010];
	(xrf2) =	vadd.scan.msk.f32 $0xffff, v33;
	s13 =	spop (v2sf)  }
0x20f: {  	v53 =	vld [tilespmem:s1+$0x2020];
	v26 =	vadd.f32 v27, v26;
	s2 =	smul.f32 $7.812500000e-03, s13  }
0x210: {  	v54 =	vld [tilespmem:s1+$0x2030]  }
0x211: {  	v55 =	vld [tilespmem:s1+$0x15030];
	(xrf2) =	vadd.scan.msk.f32 $0xffff, v26;
	s14 =	smul.f32 s2, s2;
	s15 =	spop (v2sf)  }
0x212: {  	v56 =	vld [tilespmem:s1+$0x2040];
	s6 =	smul.f32 $7.812500000e-03, s15  }
0x213: {  	v57 =	vld [tilespmem:s1+$0x15040]  }
0x214: {  	v58 =	vld [tilespmem:s1+$0x2050];
	s5 =	ssub.f32 s6, s14  }
0x215: {  	v59 =	vld [tilespmem:s1+$0x15050]  }
0x216: {  	v27 =	vld [tilespmem:s1+$0x15020];
	s5 =	sadd.f32 $9.999999960e-13, s5  }
0x217: {  	v5 =	vld [tilespmem:$0x1B520]  }
0x218: {  	v37 =	vadd.f32 v50, v63;
	v13 =	vld [tilespmem:$0x1B560];
	v35 =	vadd.f32 v52, v51;
	v60, _, _ =	vpop (xrf2);
	v61 =	vmov s5  }
0x219: {  	v6 =	vld [tilespmem:$0x1B4D0];
	(v2sf) =	vpush v60, $0xF;
	v62 =	vshrl.u32 v61, $0x1;
	v63 =	vmul.f32 $-5.000000000e-01, v61  }
0x21a: {  	v4 =	vld [tilespmem:$0x1B510];
	v33 =	vadd.f32 v55, v54;
	v34 =	vadd.f32 v57, v56;
	v40 =	vsub.s32 $0x5F3759DF, v62  }
0x21b: {  	s30 =	sadd.s32 s9, s31;
	v26 =	vld [tilespmem:$0x1B570];
	v36 =	vadd.f32 v27, v53;
	v27 =	vadd.f32 v59, v58;
	v44, _, _ =	vpop (xrf2);
	s5 =	simm.s32 $0x600;
	v42 =	vmul.f32 v40, v63  }
.LBB2_9:
0x21c: {  	p0 =	sne.s32 s5, $0xC600;
	v38 =	vadd.f32 v39, v38;
	(v2sf) =	vpush v44, $0xF;
	s6 =	smov.u32 s1  }
0x21d: {  	v39 =	vadd.f32 v43, v41;
	v41 =	vadd.f32 v35, v37;
	v42 =	vmul.f32 v40, v42  }
0x21e: {  	v44 =	vmul.f32 v37, v37;
	v45 =	vmul.f32 v35, v35;
	v43 =	vadd.f32 v33, v36  }
0x21f: {  	v46 =	vmul.f32 v36, v36;
	v47 =	vmul.f32 v33, v33;
	v42 =	vadd.f32 $1.500000000e+00, v42  }
0x220: {  	v48 =	vadd.f32 v27, v34;
	v49 =	vmul.f32 v34, v34;
	v50 =	vmul.f32 v27, v27  }
0x221: {  	v52 =	vmul.f32 v38, v38;
	v51 =	vadd.f32 v39, v38;
	v40 =	vmul.f32 v40, v42  }
0x222: {  	s1 =	sshra.s32 s5, $0x2;
	v41 =	vadd.f32 v43, v41;
	v43 =	vmov s2;
	v42 =	vmul.f32 v39, v39  }
0x223: {  	v48 =	vadd.f32 v51, v48;
	v51 =	vsub.f32 v24, v43;
	v24 =	vmovc v31;
	v53 =	vld [tilespmem:s1+$0x2000];
	v54 =	vmul.f32 v40, v14  }
0x224: {  	v44 =	vadd.f32 v45, v44;
	v45 =	vadd.f32 v47, v46;
	v31 =	vmovc v39;
	v46 =	vmul.f32 v40, v0;
	v55 =	vld [tilespmem:s1+$0x15000]  }
0x225: {  	v39 =	vadd.f32 v50, v49;
	v42 =	vadd.f32 v42, v52;
	v47 =	vld [tilespmem:s1+$0x2010];
	v49 =	vmul.f32 v54, v51  }
0x226: {  	v44 =	vadd.f32 v45, v44;
	v41 =	vadd.f32 v48, v41;
	v45 =	vmul.f32 v40, v1;
	v50 =	vld [tilespmem:s1+$0x15010]  }
0x227: {  	v39 =	vadd.f32 v42, v39;
	v42 =	vmul.f32 v40, v3;
	v48 =	vld [tilespmem:s1+$0x2020];
	v49 =	vadd.f32 v49, v26  }
0x228: {  	v57 =	vsub.f32 v23, v43;
	v52 =	vmul.f32 v40, v8;
	v51 =	vld [tilespmem:s1+$0x15020];
	(xrf2) =	vadd.scan.msk.f32 $0xffff, v41;
	s2 =	spop (v2sf);
	v41 =	vmul.f32 v40, v2  }
0x229: {  	v39 =	vadd.f32 v39, v44;
	v44 =	vmul.f32 v40, v6;
	v40 =	vmul.f32 v40, v7;
	v54 =	vld [tilespmem:s1+$0x2030];
	s2 =	smul.f32 $7.812500000e-03, s2;
	[tilespmem:s3+$0xEC70] =	vst v49  }
0x22a: {  	v56 =	vsub.f32 v20, v43;
	v29 =	vsub.f32 v29, v43;
	v23 =	vmovc v22;
	v46 =	vmul.f32 v46, v57;
	v49 =	vld [tilespmem:s1+$0x15030]  }
0x22b: {  	v28 =	vsub.f32 v28, v43;
	v30 =	vsub.f32 v30, v43;
	v22 =	vmovc v37;
	v20 =	vmov v25;
	v57 =	vld [tilespmem:s1+$0x2040];
	(xrf2) =	vadd.scan.msk.f32 $0xffff, v39;
	s13 =	smul.f32 s2, s2;
	s14 =	spop (v2sf)  }
0x22c: {  	v32 =	vsub.f32 v32, v43;
	v37 =	vsub.f32 v15, v43;
	v15 =	vmovc v21;
	v56 =	vmul.f32 v45, v56;
	v58 =	vld [tilespmem:s1+$0x15040];
	s14 =	smul.f32 $7.812500000e-03, s14  }
0x22d: {  	v21 =	vmovc v38;
	v43 =	vmul.f32 v42, v29;
	v28 =	vmul.f32 v41, v28;
	v39 =	vadd.f32 v46, v9;
	v45 =	vld [tilespmem:s1+$0x2050]  }
0x22e: {  	v25 =	vmovc v35;
	v32 =	vmul.f32 v44, v32;
	v41 =	vadd.f32 v56, v4;
	v56 =	vmul.f32 v52, v30;
	v42 =	vld [tilespmem:s1+$0x15050];
	s13 =	ssub.f32 s14, s13  }
0x22f: {  	v35 =	vadd.f32 v43, v5;
	v37 =	vmul.f32 v40, v37;
	v44 =	vadd.f32 v28, v10;
	v38 =	vld [tilespmem:s1+$0x2060];
	[tilespmem:s3+$0xEC00] =	vst v39  }
0x230: {  	v29 =	vmovc v16;
	v16 =	vmov v36;
	v46 =	vadd.f32 v32, v12;
	v40 =	vadd.f32 v56, v11;
	v39 =	vld [tilespmem:s1+$0x15060];
	s13 =	sadd.f32 $9.999999960e-13, s13;
	[tilespmem:s3+$0xEC10] =	vst v41  }
.Ltmp3:
0x231: {  	v30 =	vmovc v19;
	v19 =	vmovc v34;
	v52 =	vadd.f32 v37, v13;
	v28 =	vmov v18;
	v18 =	vmov v33;
	v41 =	vld [tilespmem:s1+$0x2070];
	[tilespmem:s3+$0xEC20] =	vst v35;
	(pc) =	sbr.rel @p0 .LBB2_9-.Ltmp3, $4  }
0x232: {  	v37 =	vadd.f32 v55, v53;
	v35 =	vadd.f32 v50, v47;
	v43 =	vld [tilespmem:s1+$0x15070];
	v32, _, _ =	vpop (xrf2);
	v33 =	vmov s13;
	[tilespmem:s3+$0xEC30] =	vst v44  }
0x233: {  	(v2sf) =	vpush v32, $0xF;
	v34 =	vshrl.u32 v33, $0x1;
	v47 =	vmul.f32 $-5.000000000e-01, v33;
	[tilespmem:s3+$0xEC40] =	vst v40;
	v32 =	vmovc v17;
	v17 =	vmovc v27  }
0x234: {  	v36 =	vadd.f32 v51, v48;
	v33 =	vadd.f32 v49, v54;
	v40 =	vsub.s32 $0x5F3759DF, v34;
	[tilespmem:s3+$0xEC50] =	vst v46  }
0x235: {  	s5 =	sadd.s32 $0x200, s5;
	v27 =	vadd.f32 v42, v45;
	v34 =	vadd.f32 v58, v57;
	v44, _, _ =	vpop (xrf2);
	v42 =	vmul.f32 v40, v47;
	[tilespmem:s3+$0xEC60] =	vst v52;
	s3 =	smov.u32 s4;
	s4 =	smov.u32 s6  }
0x236: {  	v38 =	vadd.f32 v39, v38  }
0x237: {  	v59 =	vadd.f32 v35, v37;
	v60 =	vmul.f32 v37, v37;
	v45 =	vadd.f32 v33, v36  }
0x238: {  	v46 =	vmul.f32 v35, v35;
	v47 =	vmul.f32 v36, v36;
	v39 =	vadd.f32 v43, v41  }
0x239: {  	v48 =	vmul.f32 v33, v33;
	v49 =	vadd.f32 v27, v34;
	v51 =	vmul.f32 v34, v34  }
0x23a: {  	v52 =	vmul.f32 v27, v27;
	v41 =	vadd.f32 v45, v59;
	v50 =	vadd.f32 v39, v38  }
0x23b: {  	v61 =	vmul.f32 v38, v38;
	v43 =	vadd.f32 v46, v60;
	v62 =	vmul.f32 v39, v39  }
0x23c: {  	v63 =	vadd.f32 v48, v47;
	v49 =	vadd.f32 v50, v49  }
0x23d: {  	v48 =	vadd.f32 v52, v51;
	v45 =	vadd.f32 v62, v61  }
0x23e: {  	v41 =	vadd.f32 v49, v41  }
0x23f: {  	v43 =	vadd.f32 v63, v43;
	v45 =	vadd.f32 v45, v48  }
0x240: {  	(xrf2) =	vadd.scan.msk.f32 $0xffff, v41  }
0x241: {  	(v2sf) =	vpush v44, $0xF;
	v51 =	vadd.f32 v45, v43;
	_ =	sdelay $0x1  }
0x242: {  	(xrf2) =	vadd.scan.msk.f32 $0xffff, v51;
	_ =	sdelay $0x6  }
0x243: {  	v52, _, _ =	vpop (xrf2)  }
0x244: {  	(v2sf) =	vpush v52, $0xF;
	_ =	sdelay $0x1  }
0x245: {  	s5 =	spop (v2sf);
	v53, _, _ =	vpop (xrf2)  }
0x246: {  	s5 =	smul.f32 $7.812500000e-03, s5;
	(v2sf) =	vpush v53, $0xF  }
0x247: {  	v42 =	vmul.f32 v40, v42  }
0x248: {  	s6 =	spop (v2sf);
	s13 =	smul.f32 s5, s5  }
0x249: {  	v54 =	vadd.f32 $1.500000000e+00, v42;
	s6 =	smul.f32 $7.812500000e-03, s6  }
0x24a: {  	v56 =	vmov s2  }
0x24b: {  	v24 =	vsub.f32 v24, v56;
	v55 =	vmul.f32 v40, v54;
	s6 =	ssub.f32 s6, s13  }
0x24c: {  	v23 =	vsub.f32 v23, v56;
	v20 =	vsub.f32 v20, v56  }
0x24d: {  	v29 =	vsub.f32 v29, v56;
	v28 =	vsub.f32 v28, v56;
	v57 =	vmul.f32 v55, v14;
	s2 =	sadd.f32 $9.999999960e-13, s6  }
0x24e: {  	v30 =	vsub.f32 v30, v56;
	v58 =	vmul.f32 v55, v0;
	v59 =	vmul.f32 v55, v1  }
0x24f: {  	v60 =	vmul.f32 v55, v3;
	v62 =	vmul.f32 v55, v2;
	v61 =	vmov s2  }
0x250: {  	v40 =	vmul.f32 v55, v7;
	v63 =	vshrl.u32 v61, $0x1;
	v45 =	vmul.f32 $-5.000000000e-01, v61  }
0x251: {  	v24 =	vmul.f32 v57, v24;
	v23 =	vmul.f32 v58, v23;
	v47 =	vsub.s32 $0x5F3759DF, v63  }
0x252: {  	v32 =	vsub.f32 v32, v56;
	v20 =	vmul.f32 v59, v20;
	v45 =	vmul.f32 v47, v45;
	s13 =	spop (v2sf)  }
0x253: {  	v15 =	vsub.f32 v15, v56;
	v29 =	vmul.f32 v60, v29;
	v28 =	vmul.f32 v62, v28;
	s2 =	smul.f32 $7.812500000e-03, s13  }
0x254: {  	v24 =	vadd.f32 v24, v26;
	v23 =	vadd.f32 v23, v9;
	v54 =	vmul.f32 v47, v45  }
0x255: {  	v15 =	vmul.f32 v40, v15;
	v20 =	vadd.f32 v20, v4;
	v29 =	vadd.f32 v29, v5;
	s15 =	spop (v2sf);
	s14 =	smul.f32 s2, s2  }
0x256: {  	v52 =	vmul.f32 v55, v8;
	v53 =	vmul.f32 v55, v6;
	v55 =	vadd.f32 $1.500000000e+00, v54;
	s13 =	smul.f32 $7.812500000e-03, s15  }
0x257: {  	v28 =	vadd.f32 v28, v10;
	v15 =	vadd.f32 v15, v13;
	v56 =	vmov s5  }
0x258: {  	v31 =	vsub.f32 v31, v56;
	v22 =	vsub.f32 v22, v56;
	v41 =	vmul.f32 v47, v55;
	s6 =	ssub.f32 s13, s14  }
0x259: {  	v25 =	vsub.f32 v25, v56;
	v16 =	vsub.f32 v16, v56;
	v30 =	vmul.f32 v52, v30  }
0x25a: {  	v18 =	vsub.f32 v18, v56;
	v32 =	vmul.f32 v53, v32;
	v57 =	vmul.f32 v41, v14;
	s6 =	sadd.f32 $9.999999960e-13, s6  }
0x25b: {  	v19 =	vsub.f32 v19, v56;
	v58 =	vmul.f32 v41, v0;
	v61 =	vmul.f32 v41, v1  }
0x25c: {  	v62 =	vmul.f32 v41, v3;
	v47 =	vmul.f32 v41, v2;
	v59 =	vmov s6  }
0x25d: {  	[tilespmem:s3+$0xEC70] =	vst v24;
	v24 =	vmul.f32 v41, v8;
	v60 =	vshrl.u32 v59, $0x1;
	v44 =	vmul.f32 $-5.000000000e-01, v59  }
0x25e: {  	[tilespmem:s3+$0xEC00] =	vst v23;
	v63 =	vmul.f32 v41, v6;
	v23 =	vmul.f32 v41, v7;
	v42 =	vsub.s32 $0x5F3759DF, v60  }
0x25f: {  	v17 =	vsub.f32 v17, v56;
	v31 =	vmul.f32 v57, v31;
	v44 =	vmul.f32 v42, v44  }
0x260: {  	[tilespmem:s3+$0xEC10] =	vst v20;
	v21 =	vsub.f32 v21, v56;
	v20 =	vmul.f32 v58, v22;
	v22 =	vmul.f32 v61, v25  }
0x261: {  	[tilespmem:s3+$0xEC20] =	vst v29;
	v30 =	vadd.f32 v30, v11;
	v16 =	vmul.f32 v62, v16;
	v51 =	vmul.f32 v42, v44  }
0x262: {  	[tilespmem:s3+$0xEC30] =	vst v28;
	v32 =	vadd.f32 v32, v12;
	v18 =	vmul.f32 v47, v18;
	v19 =	vmul.f32 v24, v19  }
0x263: {  	[tilespmem:s3+$0xEC60] =	vst v15;
	v15 =	vmul.f32 v63, v17;
	v31 =	vadd.f32 v31, v26;
	v25 =	vadd.f32 $1.500000000e+00, v51  }
0x264: {  	[tilespmem:s3+$0xEC40] =	vst v30;
	v21 =	vmul.f32 v23, v21;
	v20 =	vadd.f32 v20, v9;
	v22 =	vadd.f32 v22, v4  }
0x265: {  	[tilespmem:s3+$0xEC50] =	vst v32;
	v16 =	vadd.f32 v16, v5;
	v18 =	vadd.f32 v18, v10;
	v25 =	vmul.f32 v42, v25  }
0x266: {  	v19 =	vadd.f32 v19, v11;
	v15 =	vadd.f32 v15, v12;
	v24 =	vmov s2;
	[tilespmem:s4+$0xEC70] =	vst v31  }
0x267: {  	v17 =	vsub.f32 v39, v24;
	[tilespmem:s4+$0xEC00] =	vst v20;
	v14 =	vmul.f32 v25, v14;
	v0 =	vmul.f32 v25, v0  }
0x268: {  	[tilespmem:s4+$0xEC20] =	vst v16;
	v16 =	vsub.f32 v37, v24;
	v1 =	vmul.f32 v25, v1;
	v3 =	vmul.f32 v25, v3  }
0x269: {  	[tilespmem:s4+$0xEC30] =	vst v18;
	v18 =	vsub.f32 v35, v24;
	v2 =	vmul.f32 v25, v2;
	v8 =	vmul.f32 v25, v8  }
0x26a: {  	[tilespmem:s4+$0xEC50] =	vst v15;
	v15 =	vsub.f32 v33, v24;
	v6 =	vmul.f32 v25, v6;
	v14 =	vmul.f32 v14, v17  }
0x26b: {  	[tilespmem:s4+$0xEC10] =	vst v22;
	v7 =	vmul.f32 v25, v7;
	v17 =	vadd.f32 v21, v13;
	v0 =	vmul.f32 v0, v16  }
0x26c: {  	[tilespmem:s4+$0xEC40] =	vst v19;
	v16 =	vsub.f32 v36, v24;
	v1 =	vmul.f32 v1, v18;
	v14 =	vadd.f32 v14, v26  }
0x26d: {  	v2 =	vmul.f32 v2, v15;
	[tilespmem:s4+$0xEC60] =	vst v17;
	v17 =	vsub.f32 v34, v24;
	v0 =	vadd.f32 v0, v9  }
0x26e: {  	v3 =	vmul.f32 v3, v16;
	v9 =	vsub.f32 v27, v24;
	v1 =	vadd.f32 v1, v4;
	[tilespmem:s1+$0xEC70] =	vst v14  }
0x26f: {  	v4 =	vsub.f32 v38, v24;
	v2 =	vadd.f32 v2, v10;
	v8 =	vmul.f32 v8, v17;
	[tilespmem:s1+$0xEC00] =	vst v0  }
0x270: {  	v0 =	vadd.f32 v3, v5;
	v3 =	vmul.f32 v6, v9;
	[tilespmem:s1+$0xEC10] =	vst v1  }
0x271: {  	v1 =	vmul.f32 v7, v4;
	[tilespmem:s1+$0xEC30] =	vst v2;
	v4 =	vadd.f32 v8, v11  }
0x272: {  	p0 =	seq.s32 s29, $0xF;
	[tilespmem:s1+$0xEC20] =	vst v0;
	v0 =	vadd.f32 v3, v12  }
0x273: {  	s2 =	sshll.u32 @!p0 s29, $0x9;
	v1 =	vadd.f32 v1, v13;
	[tilespmem:s1+$0xEC40] =	vst v4  }
0x274: {  	s31 =	sand.u32 @!p0 $0x3FFFFE00, s2;
	[tilespmem:s1+$0xEC50] =	vst v0  }
0x275: {  	s3 =	simm.s32 @!p0 $0x2000;
	s2 =	simm.s32 @!p0 $0x64;
	[tilespmem:s1+$0xEC60] =	vst v1;
	s1 =	sadd.s32 @!p0 $0x200, s31  }
0x276: {  	[tilespmem:s3], [sflag:$0x1] =	stream.indirect.gather @!p0 [hbm4b:s0+s2], $0x80, s1, s2, $0xb8;
	[tilespmem:$0x1B580] =	vst v63  }
0x277: {  	_ =	swait.ge [sflag:s22], $0x3200  }
0x278: {  	[sflag:s22] =	ssyncset.done $0x0  }
0x279: {  	s3 =	simm.s32 $0x0;
	[sflag:s22] =	ssyncadd.s32 $0xFFFFCE00  }
0x27a: {  	v0 =	vld [tilespmem:s3+$0x5400]  }
0x27b: {  	v1 =	vld [tilespmem:s3+$0x18200]  }
0x27c: {  	v2 =	vld [tilespmem:s3+$0x5410]  }
0x27d: {  	v3 =	vld [tilespmem:s3+$0x18210]  }
0x27e: {  	v4 =	vld [tilespmem:s3+$0x5420]  }
0x27f: {  	v5 =	vld [tilespmem:s3+$0x18220]  }
0x280: {  	v6 =	vld [tilespmem:s3+$0x5430]  }
0x281: {  	v7 =	vld [tilespmem:s3+$0x18230]  }
0x282: {  	v8 =	vld [tilespmem:s3+$0x5440]  }
0x283: {  	v9 =	vld [tilespmem:s3+$0x18240]  }
0x284: {  	v10 =	vld [tilespmem:s3+$0x5450]  }
0x285: {  	v11 =	vld [tilespmem:s3+$0x18250]  }
0x286: {  	v12 =	vld [tilespmem:s3+$0x5460]  }
0x287: {  	v13 =	vld [tilespmem:s3+$0x18260]  }
0x288: {  	v14 =	vld [tilespmem:s3+$0x5470]  }
0x289: {  	v16 =	vld [tilespmem:s3+$0x18270];
	_ =	sdelay $0x1  }
0x28a: {  	v23 =	vadd.f32 v1, v0;
	v20 =	vadd.f32 v3, v2  }
0x28b: {  	v29 =	vadd.f32 v5, v4;
	v28 =	vadd.f32 v7, v6  }
0x28c: {  	v30 =	vadd.f32 v9, v8;
	v32 =	vadd.f32 v11, v10  }
0x28d: {  	v15 =	vadd.f32 v13, v12;
	v24 =	vadd.f32 v16, v14  }
0x28e: {  	s1 =	simm.s32 $0x80;
	v4 =	vadd.f32 v20, v23;
	v5 =	vmul.f32 v23, v23;
	v6 =	vmul.f32 v20, v20  }
0x28f: {  	v17 =	vld [tilespmem:s1+$0x18240];
	v7 =	vadd.f32 v28, v29;
	v8 =	vmul.f32 v29, v29;
	v9 =	vmul.f32 v28, v28  }
0x290: {  	v21 =	vld [tilespmem:s1+$0x5450];
	v10 =	vadd.f32 v32, v30;
	v11 =	vmul.f32 v30, v30;
	v12 =	vadd.f32 v24, v15  }
0x291: {  	v26 =	vld [tilespmem:s1+$0x18250];
	v13 =	vmul.f32 v32, v32;
	v14 =	vmul.f32 v15, v15  }
0x292: {  	v27 =	vld [tilespmem:s1+$0x5460];
	v4 =	vadd.f32 v7, v4;
	v7 =	vmul.f32 v24, v24;
	v10 =	vadd.f32 v12, v10  }
0x293: {  	v31 =	vld [tilespmem:s1+$0x18260];
	v5 =	vadd.f32 v6, v5;
	v6 =	vadd.f32 v9, v8  }
0x294: {  	v52 =	vld [tilespmem:s1+$0x5470];
	v8 =	vadd.f32 v13, v11;
	v7 =	vadd.f32 v7, v14  }
0x295: {  	s4 =	simm.s32 $0x100;
	v53 =	vld [tilespmem:s1+$0x18270];
	v4 =	vadd.f32 v10, v4  }
0x296: {  	v63 =	vld [tilespmem:s4+$0x5400];
	v5 =	vadd.f32 v6, v5;
	v6 =	vadd.f32 v7, v8  }
0x297: {  	v50 =	vld [tilespmem:s4+$0x18200];
	(xrf2) =	vadd.scan.msk.f32 $0xffff, v4  }
0x298: {  	v51 =	vld [tilespmem:s4+$0x5410];
	v5 =	vadd.f32 v6, v5  }
0x299: {  	v12 =	vld [tilespmem:s1+$0x5400]  }
0x29a: {  	v9 =	vld [tilespmem:s1+$0x18200];
	(xrf2) =	vadd.scan.msk.f32 $0xffff, v5  }
0x29b: {  	v11 =	vld [tilespmem:s1+$0x5410]  }
0x29c: {  	v13 =	vld [tilespmem:s1+$0x5430]  }
0x29d: {  	v10 =	vld [tilespmem:s1+$0x18210]  }
0x29e: {  	v7 =	vld [tilespmem:s1+$0x5420]  }
0x29f: {  	v4 =	vld [tilespmem:s1+$0x18220]  }
0x2a0: {  	v14 =	vld [tilespmem:s1+$0x18230]  }
0x2a1: {  	v38 =	vld [tilespmem:s4+$0x5460];
	v6, _, _ =	vpop (xrf2)  }
0x2a2: {  	v39 =	vld [tilespmem:s4+$0x18260];
	(v2sf) =	vpush v6, $0xF  }
0x2a3: {  	v22 =	vadd.f32 v9, v12;
	v5 =	vld [tilespmem:s1+$0x5440]  }
0x2a4: {  	v41 =	vld [tilespmem:s4+$0x5470];
	v25 =	vadd.f32 v10, v11;
	v16 =	vadd.f32 v4, v7;
	v4, _, _ =	vpop (xrf2)  }
0x2a5: {  	v43 =	vld [tilespmem:s4+$0x18270];
	v18 =	vadd.f32 v14, v13;
	(v2sf) =	vpush v4, $0xF  }
0x2a6: {  	v0 =	vld [tilespmem:$0x1B480]  }
0x2a7: {  	v1 =	vld [tilespmem:$0x1B490];
	v13 =	vadd.f32 v25, v22;
	v56 =	vmul.f32 v18, v18;
	v54 =	vadd.f32 v18, v16  }
0x2a8: {  	v3 =	vld [tilespmem:$0x1B4A0];
	v55 =	vmul.f32 v16, v16;
	v19 =	vadd.f32 v17, v5;
	v17 =	vadd.f32 v26, v21  }
0x2a9: {  	v2 =	vld [tilespmem:$0x1B4B0];
	v21 =	vadd.f32 v31, v27;
	v31 =	vadd.f32 v53, v52;
	v26 =	vmul.f32 v22, v22  }
0x2aa: {  	v8 =	vld [tilespmem:$0x1B4C0];
	v27 =	vmul.f32 v25, v25;
	v33 =	vadd.f32 v54, v13;
	v57 =	vadd.f32 v17, v19  }
0x2ab: {  	v9 =	vld [tilespmem:$0x1B500];
	v58 =	vmul.f32 v19, v19;
	v59 =	vadd.f32 v31, v21;
	v60 =	vmul.f32 v17, v17  }
0x2ac: {  	v12 =	vld [tilespmem:$0x1B550];
	v61 =	vmul.f32 v21, v21;
	v62 =	vmul.f32 v31, v31;
	v26 =	vadd.f32 v27, v26  }
0x2ad: {  	v14 =	vld [tilespmem:$0x1B4F0];
	v27 =	vadd.f32 v56, v55;
	v36 =	vadd.f32 v59, v57  }
0x2ae: {  	v10 =	vld [tilespmem:$0x1B530];
	v48 =	vadd.f32 v60, v58;
	v49 =	vadd.f32 v62, v61  }
0x2af: {  	v11 =	vld [tilespmem:$0x1B540];
	v33 =	vadd.f32 v36, v33  }
0x2b0: {  	v7 =	vld [tilespmem:$0x1B4E0];
	v26 =	vadd.f32 v27, v26;
	v27 =	vadd.f32 v49, v48  }
0x2b1: {  	v52 =	vld [tilespmem:s4+$0x18210];
	(xrf2) =	vadd.scan.msk.f32 $0xffff, v33;
	s13 =	spop (v2sf)  }
0x2b2: {  	v53 =	vld [tilespmem:s4+$0x5420];
	v26 =	vadd.f32 v27, v26;
	s2 =	smul.f32 $7.812500000e-03, s13  }
0x2b3: {  	v54 =	vld [tilespmem:s4+$0x5430]  }
0x2b4: {  	v55 =	vld [tilespmem:s4+$0x18230];
	(xrf2) =	vadd.scan.msk.f32 $0xffff, v26;
	s14 =	smul.f32 s2, s2;
	s15 =	spop (v2sf)  }
0x2b5: {  	v56 =	vld [tilespmem:s4+$0x5440];
	s6 =	smul.f32 $7.812500000e-03, s15  }
0x2b6: {  	v57 =	vld [tilespmem:s4+$0x18240]  }
0x2b7: {  	v58 =	vld [tilespmem:s4+$0x5450];
	s5 =	ssub.f32 s6, s14  }
0x2b8: {  	v59 =	vld [tilespmem:s4+$0x18250]  }
0x2b9: {  	v27 =	vld [tilespmem:s4+$0x18220];
	s5 =	sadd.f32 $9.999999960e-13, s5  }
0x2ba: {  	v5 =	vld [tilespmem:$0x1B520]  }
0x2bb: {  	v37 =	vadd.f32 v50, v63;
	v13 =	vld [tilespmem:$0x1B560];
	v35 =	vadd.f32 v52, v51;
	v60, _, _ =	vpop (xrf2);
	v61 =	vmov s5  }
0x2bc: {  	v6 =	vld [tilespmem:$0x1B4D0];
	(v2sf) =	vpush v60, $0xF;
	v62 =	vshrl.u32 v61, $0x1;
	v63 =	vmul.f32 $-5.000000000e-01, v61  }
0x2bd: {  	v4 =	vld [tilespmem:$0x1B510];
	v33 =	vadd.f32 v55, v54;
	v34 =	vadd.f32 v57, v56;
	v40 =	vsub.s32 $0x5F3759DF, v62  }
0x2be: {  	v26 =	vld [tilespmem:$0x1B570];
	v36 =	vadd.f32 v27, v53;
	v27 =	vadd.f32 v59, v58;
	v44, _, _ =	vpop (xrf2);
	s5 =	simm.s32 $0x600;
	v42 =	vmul.f32 v40, v63  }
.LBB2_11:
0x2bf: {  	p1 =	sne.s32 s5, $0xC600;
	v38 =	vadd.f32 v39, v38;
	(v2sf) =	vpush v44, $0xF;
	s6 =	smov.u32 s4  }
0x2c0: {  	v39 =	vadd.f32 v43, v41;
	v41 =	vadd.f32 v35, v37;
	v42 =	vmul.f32 v40, v42  }
0x2c1: {  	v44 =	vmul.f32 v37, v37;
	v45 =	vmul.f32 v35, v35;
	v43 =	vadd.f32 v33, v36  }
0x2c2: {  	v46 =	vmul.f32 v36, v36;
	v47 =	vmul.f32 v33, v33;
	v42 =	vadd.f32 $1.500000000e+00, v42  }
0x2c3: {  	v48 =	vadd.f32 v27, v34;
	v49 =	vmul.f32 v34, v34;
	v50 =	vmul.f32 v27, v27  }
0x2c4: {  	v52 =	vmul.f32 v38, v38;
	v51 =	vadd.f32 v39, v38;
	v40 =	vmul.f32 v40, v42  }
0x2c5: {  	s4 =	sshra.s32 s5, $0x2;
	v41 =	vadd.f32 v43, v41;
	v43 =	vmov s2;
	v42 =	vmul.f32 v39, v39  }
0x2c6: {  	v48 =	vadd.f32 v51, v48;
	v51 =	vsub.f32 v24, v43;
	v24 =	vmovc v31;
	v53 =	vld [tilespmem:s4+$0x5400];
	v54 =	vmul.f32 v40, v14  }
0x2c7: {  	v44 =	vadd.f32 v45, v44;
	v45 =	vadd.f32 v47, v46;
	v31 =	vmovc v39;
	v46 =	vmul.f32 v40, v0;
	v55 =	vld [tilespmem:s4+$0x18200]  }
0x2c8: {  	v39 =	vadd.f32 v50, v49;
	v42 =	vadd.f32 v42, v52;
	v47 =	vld [tilespmem:s4+$0x5410];
	v49 =	vmul.f32 v54, v51  }
0x2c9: {  	v44 =	vadd.f32 v45, v44;
	v41 =	vadd.f32 v48, v41;
	v45 =	vmul.f32 v40, v1;
	v50 =	vld [tilespmem:s4+$0x18210]  }
0x2ca: {  	v39 =	vadd.f32 v42, v39;
	v42 =	vmul.f32 v40, v3;
	v48 =	vld [tilespmem:s4+$0x5420];
	v49 =	vadd.f32 v49, v26  }
0x2cb: {  	v57 =	vsub.f32 v23, v43;
	v52 =	vmul.f32 v40, v8;
	v51 =	vld [tilespmem:s4+$0x18220];
	(xrf2) =	vadd.scan.msk.f32 $0xffff, v41;
	s2 =	spop (v2sf);
	v41 =	vmul.f32 v40, v2  }
0x2cc: {  	v39 =	vadd.f32 v39, v44;
	v44 =	vmul.f32 v40, v6;
	v40 =	vmul.f32 v40, v7;
	v54 =	vld [tilespmem:s4+$0x5430];
	s2 =	smul.f32 $7.812500000e-03, s2;
	[tilespmem:s3+$0x11E70] =	vst v49  }
0x2cd: {  	v56 =	vsub.f32 v20, v43;
	v29 =	vsub.f32 v29, v43;
	v23 =	vmovc v22;
	v46 =	vmul.f32 v46, v57;
	v49 =	vld [tilespmem:s4+$0x18230]  }
0x2ce: {  	v28 =	vsub.f32 v28, v43;
	v30 =	vsub.f32 v30, v43;
	v22 =	vmovc v37;
	v20 =	vmov v25;
	v57 =	vld [tilespmem:s4+$0x5440];
	(xrf2) =	vadd.scan.msk.f32 $0xffff, v39;
	s13 =	smul.f32 s2, s2;
	s14 =	spop (v2sf)  }
0x2cf: {  	v32 =	vsub.f32 v32, v43;
	v37 =	vsub.f32 v15, v43;
	v15 =	vmovc v21;
	v56 =	vmul.f32 v45, v56;
	v58 =	vld [tilespmem:s4+$0x18240];
	s14 =	smul.f32 $7.812500000e-03, s14  }
0x2d0: {  	v21 =	vmovc v38;
	v43 =	vmul.f32 v42, v29;
	v28 =	vmul.f32 v41, v28;
	v39 =	vadd.f32 v46, v9;
	v45 =	vld [tilespmem:s4+$0x5450]  }
0x2d1: {  	v25 =	vmovc v35;
	v32 =	vmul.f32 v44, v32;
	v41 =	vadd.f32 v56, v4;
	v56 =	vmul.f32 v52, v30;
	v42 =	vld [tilespmem:s4+$0x18250];
	s13 =	ssub.f32 s14, s13  }
0x2d2: {  	v35 =	vadd.f32 v43, v5;
	v37 =	vmul.f32 v40, v37;
	v44 =	vadd.f32 v28, v10;
	v38 =	vld [tilespmem:s4+$0x5460];
	[tilespmem:s3+$0x11E00] =	vst v39  }
0x2d3: {  	v29 =	vmovc v16;
	v16 =	vmov v36;
	v46 =	vadd.f32 v32, v12;
	v40 =	vadd.f32 v56, v11;
	v39 =	vld [tilespmem:s4+$0x18260];
	s13 =	sadd.f32 $9.999999960e-13, s13;
	[tilespmem:s3+$0x11E10] =	vst v41  }
.Ltmp4:
0x2d4: {  	v30 =	vmovc v19;
	v19 =	vmovc v34;
	v52 =	vadd.f32 v37, v13;
	v28 =	vmov v18;
	v18 =	vmov v33;
	v41 =	vld [tilespmem:s4+$0x5470];
	[tilespmem:s3+$0x11E20] =	vst v35;
	(pc) =	sbr.rel @p1 .LBB2_11-.Ltmp4, $4  }
0x2d5: {  	v37 =	vadd.f32 v55, v53;
	v35 =	vadd.f32 v50, v47;
	v43 =	vld [tilespmem:s4+$0x18270];
	v32, _, _ =	vpop (xrf2);
	v33 =	vmov s13;
	[tilespmem:s3+$0x11E30] =	vst v44  }
0x2d6: {  	(v2sf) =	vpush v32, $0xF;
	v34 =	vshrl.u32 v33, $0x1;
	v47 =	vmul.f32 $-5.000000000e-01, v33;
	[tilespmem:s3+$0x11E40] =	vst v40;
	v32 =	vmovc v17;
	v17 =	vmovc v27  }
0x2d7: {  	v36 =	vadd.f32 v51, v48;
	v33 =	vadd.f32 v49, v54;
	v40 =	vsub.s32 $0x5F3759DF, v34;
	[tilespmem:s3+$0x11E50] =	vst v46  }
0x2d8: {  	s5 =	sadd.s32 $0x200, s5;
	v27 =	vadd.f32 v42, v45;
	v34 =	vadd.f32 v58, v57;
	v44, _, _ =	vpop (xrf2);
	v42 =	vmul.f32 v40, v47;
	[tilespmem:s3+$0x11E60] =	vst v52;
	s3 =	smov.u32 s1;
	s1 =	smov.u32 s6  }
0x2d9: {  	v38 =	vadd.f32 v39, v38  }
0x2da: {  	v59 =	vadd.f32 v35, v37;
	v60 =	vmul.f32 v37, v37;
	v45 =	vadd.f32 v33, v36  }
0x2db: {  	v46 =	vmul.f32 v35, v35;
	v47 =	vmul.f32 v36, v36;
	v39 =	vadd.f32 v43, v41  }
0x2dc: {  	v48 =	vmul.f32 v33, v33;
	v49 =	vadd.f32 v27, v34;
	v51 =	vmul.f32 v34, v34  }
0x2dd: {  	v52 =	vmul.f32 v27, v27;
	v41 =	vadd.f32 v45, v59;
	v50 =	vadd.f32 v39, v38  }
0x2de: {  	v61 =	vmul.f32 v38, v38;
	v43 =	vadd.f32 v46, v60;
	v62 =	vmul.f32 v39, v39  }
0x2df: {  	v63 =	vadd.f32 v48, v47;
	v49 =	vadd.f32 v50, v49  }
0x2e0: {  	v48 =	vadd.f32 v52, v51;
	v45 =	vadd.f32 v62, v61  }
0x2e1: {  	v41 =	vadd.f32 v49, v41  }
0x2e2: {  	v43 =	vadd.f32 v63, v43;
	v45 =	vadd.f32 v45, v48  }
0x2e3: {  	(xrf2) =	vadd.scan.msk.f32 $0xffff, v41  }
0x2e4: {  	(v2sf) =	vpush v44, $0xF;
	v49 =	vadd.f32 v45, v43;
	_ =	sdelay $0x1  }
0x2e5: {  	(xrf2) =	vadd.scan.msk.f32 $0xffff, v49;
	_ =	sdelay $0x6  }
0x2e6: {  	v50, _, _ =	vpop (xrf2)  }
0x2e7: {  	(v2sf) =	vpush v50, $0xF;
	_ =	sdelay $0x1  }
0x2e8: {  	v42 =	vmul.f32 v40, v42;
	s5 =	spop (v2sf);
	v51, _, _ =	vpop (xrf2)  }
0x2e9: {  	s5 =	smul.f32 $7.812500000e-03, s5;
	(v2sf) =	vpush v51, $0xF  }
0x2ea: {  	v52 =	vadd.f32 $1.500000000e+00, v42  }
0x2eb: {  	s6 =	spop (v2sf);
	s13 =	smul.f32 s5, s5  }
0x2ec: {  	v54 =	vmov s2;
	v53 =	vmul.f32 v40, v52;
	s6 =	smul.f32 $7.812500000e-03, s6  }
0x2ed: {  	v24 =	vsub.f32 v24, v54;
	v23 =	vsub.f32 v23, v54  }
0x2ee: {  	v20 =	vsub.f32 v20, v54;
	v29 =	vsub.f32 v29, v54;
	v55 =	vmul.f32 v53, v14;
	s13 =	ssub.f32 s6, s13  }
0x2ef: {  	v28 =	vsub.f32 v28, v54;
	v56 =	vmul.f32 v53, v0;
	v57 =	vmul.f32 v53, v1  }
0x2f0: {  	v30 =	vsub.f32 v30, v54;
	v58 =	vmul.f32 v53, v3;
	v60 =	vmul.f32 v53, v2;
	s2 =	sadd.f32 $9.999999960e-13, s13  }
0x2f1: {  	v32 =	vsub.f32 v32, v54;
	v62 =	vmul.f32 v53, v8;
	v63 =	vmul.f32 v53, v6  }
0x2f2: {  	v40 =	vmul.f32 v53, v7;
	v24 =	vmul.f32 v55, v24;
	v59 =	vmov s2  }
0x2f3: {  	v23 =	vmul.f32 v56, v23;
	v61 =	vshrl.u32 v59, $0x1;
	v45 =	vmul.f32 $-5.000000000e-01, v59  }
0x2f4: {  	v20 =	vmul.f32 v57, v20;
	v29 =	vmul.f32 v58, v29;
	v47 =	vsub.s32 $0x5F3759DF, v61  }
0x2f5: {  	v15 =	vsub.f32 v15, v54;
	v28 =	vmul.f32 v60, v28;
	v45 =	vmul.f32 v47, v45;
	s14 =	spop (v2sf)  }
0x2f6: {  	v30 =	vmul.f32 v62, v30;
	v32 =	vmul.f32 v63, v32;
	v24 =	vadd.f32 v24, v26;
	s2 =	smul.f32 $7.812500000e-03, s14  }
0x2f7: {  	v23 =	vadd.f32 v23, v9;
	v20 =	vadd.f32 v20, v4;
	v50 =	vmul.f32 v47, v45  }
0x2f8: {  	v15 =	vmul.f32 v40, v15;
	v29 =	vadd.f32 v29, v5;
	v28 =	vadd.f32 v28, v10;
	s14 =	spop (v2sf);
	s15 =	smul.f32 s2, s2  }
0x2f9: {  	v30 =	vadd.f32 v30, v11;
	v51 =	vadd.f32 $1.500000000e+00, v50;
	s13 =	smul.f32 $7.812500000e-03, s14  }
0x2fa: {  	v32 =	vadd.f32 v32, v12;
	v15 =	vadd.f32 v15, v13;
	v40 =	vmov s5  }
0x2fb: {  	v31 =	vsub.f32 v31, v40;
	v22 =	vsub.f32 v22, v40;
	v41 =	vmul.f32 v47, v51;
	s6 =	ssub.f32 s13, s15  }
0x2fc: {  	v25 =	vsub.f32 v25, v40;
	v16 =	vsub.f32 v16, v40  }
0x2fd: {  	v18 =	vsub.f32 v18, v40;
	v52 =	vmul.f32 v41, v14;
	v53 =	vmul.f32 v41, v0;
	s15 =	sadd.f32 $9.999999960e-13, s6  }
0x2fe: {  	v19 =	vsub.f32 v19, v40;
	v56 =	vmul.f32 v41, v1;
	v57 =	vmul.f32 v41, v3  }
0x2ff: {  	v47 =	vmul.f32 v41, v2;
	v58 =	vmul.f32 v41, v8;
	v54 =	vmov s15  }
0x300: {  	[tilespmem:s3+$0x11E70] =	vst v24;
	v59 =	vmul.f32 v41, v6;
	v55 =	vshrl.u32 v54, $0x1;
	v44 =	vmul.f32 $-5.000000000e-01, v54  }
0x301: {  	[tilespmem:s3+$0x11E00] =	vst v23;
	v60 =	vmul.f32 v41, v7;
	v31 =	vmul.f32 v52, v31;
	v42 =	vsub.s32 $0x5F3759DF, v55  }
0x302: {  	[tilespmem:s3+$0x11E10] =	vst v20;
	v17 =	vsub.f32 v17, v40;
	v62 =	vmul.f32 v53, v22;
	v44 =	vmul.f32 v42, v44  }
0x303: {  	[tilespmem:s3+$0x11E20] =	vst v29;
	v21 =	vsub.f32 v21, v40;
	v63 =	vmul.f32 v56, v25;
	v16 =	vmul.f32 v57, v16  }
0x304: {  	[tilespmem:s3+$0x11E30] =	vst v28;
	v18 =	vmul.f32 v47, v18;
	v31 =	vadd.f32 v31, v26;
	v61 =	vmul.f32 v42, v44  }
0x305: {  	[tilespmem:s3+$0x11E40] =	vst v30;
	v19 =	vmul.f32 v58, v19;
	v20 =	vadd.f32 v62, v9;
	v22 =	vadd.f32 v63, v4  }
0x306: {  	[tilespmem:s3+$0x11E50] =	vst v32;
	v41 =	vmul.f32 v59, v17;
	v16 =	vadd.f32 v16, v5;
	v29 =	vadd.f32 $1.500000000e+00, v61  }
0x307: {  	[tilespmem:s3+$0x11E60] =	vst v15;
	v18 =	vadd.f32 v18, v10;
	v19 =	vadd.f32 v19, v11;
	v40 =	vmov s2  }
0x308: {  	v15 =	vadd.f32 v41, v12;
	[tilespmem:s1+$0x11E70] =	vst v31;
	v48 =	vsub.f32 v37, v40;
	v25 =	vmul.f32 v42, v29  }
0x309: {  	v21 =	vmul.f32 v60, v21;
	[tilespmem:s1+$0x11E00] =	vst v20;
	v51 =	vsub.f32 v35, v40;
	v53 =	vsub.f32 v36, v40  }
0x30a: {  	[tilespmem:s1+$0x11E10] =	vst v22;
	v56 =	vsub.f32 v34, v40;
	v42 =	vsub.f32 v39, v40;
	v43 =	vmul.f32 v25, v14  }
0x30b: {  	[tilespmem:s1+$0x11E20] =	vst v16;
	v57 =	vsub.f32 v27, v40;
	v58 =	vsub.f32 v38, v40;
	v45 =	vmul.f32 v25, v0  }
0x30c: {  	[tilespmem:s1+$0x11E30] =	vst v18;
	v55 =	vsub.f32 v33, v40;
	v46 =	vmul.f32 v25, v1;
	v14 =	vmul.f32 v43, v42  }
0x30d: {  	[tilespmem:s1+$0x11E40] =	vst v19;
	v44 =	vadd.f32 v21, v13;
	v47 =	vmul.f32 v25, v3;
	v0 =	vmul.f32 v45, v48  }
0x30e: {  	[tilespmem:s1+$0x11E50] =	vst v15;
	v49 =	vmul.f32 v25, v2;
	v1 =	vmul.f32 v46, v51;
	v14 =	vadd.f32 v14, v26  }
0x30f: {  	[tilespmem:s1+$0x11E60] =	vst v44;
	v50 =	vmul.f32 v25, v8;
	v3 =	vmul.f32 v47, v53;
	v0 =	vadd.f32 v0, v9  }
0x310: {  	v52 =	vmul.f32 v25, v6;
	v2 =	vmul.f32 v49, v55;
	v1 =	vadd.f32 v1, v4;
	[tilespmem:s4+$0x11E70] =	vst v14  }
0x311: {  	v54 =	vmul.f32 v25, v7;
	v8 =	vmul.f32 v50, v56;
	v59 =	vadd.f32 v3, v5;
	[tilespmem:s4+$0x11E00] =	vst v0  }
0x312: {  	v60 =	vmul.f32 v52, v57;
	v2 =	vadd.f32 v2, v10;
	[tilespmem:s4+$0x11E10] =	vst v1  }
0x313: {  	v61 =	vmul.f32 v54, v58;
	v62 =	vadd.f32 v8, v11;
	[tilespmem:s4+$0x11E20] =	vst v59  }
0x314: {  	v63 =	vadd.f32 v60, v12;
	[tilespmem:s4+$0x11E30] =	vst v2  }
0x315: {  	v1 =	vadd.f32 v61, v13;
	[tilespmem:s4+$0x11E40] =	vst v62  }
0x316: {  	s29 =	sadd.s32 $0x1, s29;
	[tilespmem:s4+$0x11E50] =	vst v63  }
0x317: {  	s3 =	simm.s32 @!p0 $0x5400;
	s2 =	simm.s32 @!p0 $0x64;
	s1 =	sadd.s32 @!p0 $0x280, s31;
	[tilespmem:s4+$0x11E60] =	vst v1  }
0x318: {  	[tilespmem:s3], [sflag:$0x2] =	stream.indirect.gather @!p0 [hbm4b:s0+s2], $0x80, s1, s2, $0xb8;
	[tilespmem:$0x1B580] =	vst v63  }
0x319: {  	p0 =	sne.s32 s29, $0x10  }
.Ltmp5:
0x31a: {  	_ = 	snop;
	(pc) =	sbr.rel @p0 .LBB2_4-.Ltmp5, $3  }
0x31b: {  	s30 =	smul.u32 $0xC80, s30;
	_ =	sdelay $0x1  }
0x31c: {  	s31 =	sadd.s32 s7, s30  }
0x31d: {  	[hbm4b:s31+s8] =	stream.linear.scatter [tilespmem:s24], [sflag:$0x4], $0x6400, $0x38;
	[tilespmem:$0x1B580] =	vst v63  }
0x31e: {  	s28 =	sadd.s32 $0x1, s28  }
0x31f: {  	_ =	swait.ge [sflag:s25], $0x6400;
	p0 =	sne.s32 s28, s11  }
.Ltmp6:
0x320: {  	[sflag:s25] =	ssyncset.done $0x0;
	(pc) =	sbr.rel @p0 .LBB2_1-.Ltmp6, $4  }
0x321: {  	[sflag:s25] =	ssyncadd.s32 $0xFFFF9C00  }
0x322: {  	_ =	swait.ge [sflag:s26], $0x6400  }
0x323: {  	[sflag:s26] =	ssyncset.done $0x0  }
0x324: {  	[sflag:s26] =	ssyncadd.s32 $0xFFFF9C00  }
0x325: {  	_ =	sfence.sel $0x180000  }
0x326: {  	[bflag:$0x0] =	sbarrier.arrive $0xFFFF  }
0x327: {  	_ =	strace $0x90000047  }
0x328: {  	s0 =	stileid.u32;
	[bflag:$0x2] =	sbarrier.arrive $0xFFFF  }
0x329: {  	p0 =	sne.s32 s0, $0x0;
	s0 =	rddreg [dreg:$0x7]  }
0x32a: {  	s0 =	sadd.s32 @!p0 $0x100000, s0  }
0x32b: {  	[sflag:s0] =	ssyncadd.tile.s32 @!p0 $0x1;
	_ =	shalt  }
.Lfunc_end2:
_tile_overlayer_lowered:
.L_overlay_start_2:
0x32c: {  	(tag) =	ssettag $0x2  }
0x32d: {  	s0 =	rddreg [dreg:$0x0];
	s2 =	stileid.u32  }
0x32e: {  	s1 =	rddreg [dreg:$0x1];
	p0 =	sne.s32 s2, $0x0  }
0x32f: {  	s3 =	rddreg [dreg:$0x2];
	[bflag:$0x3] =	sbarrier.arrive $0xFFFF;
	s2 =	simm.s32 @!p0 $0x1C05  }
0x330: {  	[timem:s3], [sflag:s2] =	dma.local @!p0 [hbm:s0], s1  }
0x331: {  	s0 =	simm.s32 @!p0 $0x5  }
0x332: {  	_ =	swait.ge @!p0 [sflag:s0], s1  }
0x333: {  	s1 =	ssub.s32 @!p0 $0x0, s1;
	[sflag:s0] =	ssyncset.done @!p0 $0x0  }
0x334: {  	[sflag:s0] =	ssyncadd.s32 @!p0 s1  }
0x335: {  	[bflag:$0x3] =	sbarrier.arrive $0xFFFF  }
0x336: {  	_ =	shalt  }

</sc_bundles>
